<compile_context>
chip_gen: v7x
topology: tpu7x:2x2x1
jax: 0.10.2.dev20260603
libtpu: 0.0.44.dev20260713+nightly
codegen_flags: <defaults>
</compile_context>

<pallas_src>
import functools

import jax
import jax.numpy as jnp
from jax import lax
from jax.experimental import pallas as pl
from jax.experimental.pallas import tpu as pltpu
from jax.experimental.pallas import tpu_sc as plsc

N = 10000
NPAD = 10240
E = 320000
NC = 2
NS = 16
NW = NC * NS
CHUNK = 128
NCHUNK = 80
PER_TILE = NCHUNK * CHUNK
EPT = E // NW
SYNTH = PER_TILE - EPT
ROWS_PER_TILE = NPAD // NS
EPS = 1e-5

_mesh = functools.partial(
    plsc.VectorSubcoreMesh, core_axis_name="c", subcore_axis_name="s")


def _zero_fill(buf, rows, cols):
  zero = jnp.zeros((16,), jnp.float32)
  cpr = cols // 16

  def body(i, _):
    buf[i // cpr, pl.ds((i % cpr) * 16, 16)] = zero
    return 0

  lax.fori_loop(0, rows * cpr, body, 0)


def _synth_tail(buf, off):
  lanes = lax.iota(jnp.int32, 16)
  for i in range(SYNTH // 16):
    buf[pl.ds(off + i * 16, 16)] = lanes + (N + i * 16)


def _newton_rsqrt(d):
  half = d * 0.5
  i = plsc.bitcast(d, jnp.int32)
  i = jnp.int32(0x5F3759DF) - lax.shift_right_logical(i, 1)
  y = plsc.bitcast(i, jnp.float32)
  for _ in range(3):
    y = y * (1.5 - half * y * y)
  return y


def _make_fused_conv1_kernel():
  C = 16
  PACK = NPAD // 16
  PROWS = PACK // NS

  @functools.partial(
      pl.kernel,
      mesh=_mesh(),
      out_type=jax.ShapeDtypeStruct((4, NPAD, C), jnp.float32),
      compiler_params=pltpu.CompilerParams(use_tc_tiling_on_sc=False,
                                           needs_layout_passes=False),
      scratch_types=[
          pltpu.VMEM((2, PER_TILE), jnp.int32),
          pltpu.VMEM((PER_TILE,), jnp.int32),
          pltpu.VMEM((PACK, 16), jnp.float32),
          pltpu.VMEM((ROWS_PER_TILE, C), jnp.float32),
          pltpu.VMEM((ROWS_PER_TILE, C), jnp.float32),
          pltpu.VMEM((ROWS_PER_TILE, C), jnp.float32),
          pltpu.VMEM((4, CHUNK, C), jnp.float32),
          pltpu.VMEM((CHUNK, C), jnp.float32),
          pltpu.VMEM((PACK // CHUNK, CHUNK), jnp.int32),
          pltpu.VMEM_SHARED((PACK, 16), jnp.float32),
          pltpu.VMEM_SHARED((NPAD, C), jnp.float32),
          pltpu.VMEM_SHARED((NPAD, C), jnp.float32),
          [pltpu.SemaphoreType.DMA] * 4,
          [pltpu.SemaphoreType.DMA] * 4,
      ],
  )
  def fused_kernel(xw_hbm, edge_hbm, comb_hbm,
                   dst_v, src_v, deg_v, xw_v, y1_v, dinv_v, rows_v, zbuf,
                   iid_v, degp_sh, y1_sh, acc_sh, gsems, ssems):
    cid = lax.axis_index("c")
    sid = lax.axis_index("s")
    wid = cid * NS + sid
    nbase = sid * ROWS_PER_TILE

    for h in range(2):
      pltpu.sync_copy(edge_hbm.at[1, pl.ds((h * NS + sid) * EPT, EPT)],
                      dst_v.at[h, pl.ds(0, EPT)])
    pltpu.sync_copy(edge_hbm.at[0, pl.ds(wid * EPT, EPT)],
                    src_v.at[pl.ds(0, EPT)])
    pltpu.sync_copy(xw_hbm.at[pl.ds(nbase, ROWS_PER_TILE)], xw_v)

    lanes = lax.iota(jnp.int32, 16)
    for h in range(2):
      for i in range(SYNTH // 16):
        dst_v[h, pl.ds(EPT + i * 16, 16)] = lanes + (N + i * 16)
    _synth_tail(src_v, EPT)

    _zero_fill(zbuf, CHUNK, C)
    _zero_fill(deg_v, PACK, 16)

    def fill_iid(i, _):
      iid_v[i // 8, pl.ds((i % 8) * 16, 16)] = lanes + i * 16
      return 0

    lax.fori_loop(0, PACK // 16, fill_iid, 0)

    pltpu.sync_copy(zbuf.at[pl.ds(0, PROWS)], degp_sh.at[pl.ds(sid * PROWS,
                                                               PROWS)])

    def zseg(j, _):
      pltpu.sync_copy(zbuf, acc_sh.at[pl.ds(nbase + j * CHUNK, CHUNK)])
      return 0

    lax.fori_loop(0, ROWS_PER_TILE // CHUNK, zseg, 0)

    ones16 = jnp.full((16,), 1.0, jnp.float32)
    for h in range(2):

      def dcount(i, _, h=h):
        ids = dst_v[h, pl.ds(i * 16, 16)]
        plsc.addupdate_scatter(
            deg_v, [lax.shift_right_logical(ids, 4), ids & 15], ones16)
        return 0

      lax.fori_loop(0, PER_TILE // 16, dcount, 0)

    plsc.subcore_barrier()

    def comb(r, _):
      pltpu.sync_copy(deg_v.at[pl.ds(r * CHUNK, CHUNK)],
                      degp_sh.at[iid_v.at[r]], add=True)
      return 0

    lax.fori_loop(0, PACK // CHUNK, comb, 0)
    plsc.subcore_barrier()

    pltpu.sync_copy(degp_sh.at[pl.ds(sid * PROWS, PROWS)],
                    deg_v.at[pl.ds(0, PROWS)])

    def newt(r, _):
      deg_v[r, pl.ds(0, 16)] = _newton_rsqrt(deg_v[r, pl.ds(0, 16)] + 1.0)
      return 0

    lax.fori_loop(0, PROWS, newt, 0)

    def expand(i, _):
      ridx = jnp.full((16,), 0, jnp.int32) + lax.shift_right_logical(i, 4)
      cidx = jnp.full((16,), 0, jnp.int32) + (i & 15)
      dvec = plsc.load_gather(deg_v, [ridx, cidx])
      dinv_v[i, pl.ds(0, 16)] = dvec
      y1_v[i, pl.ds(0, 16)] = xw_v[i, pl.ds(0, 16)] * dvec
      return 0

    lax.fori_loop(0, ROWS_PER_TILE, expand, 0)

    pltpu.sync_copy(y1_v, y1_sh.at[pl.ds(nbase, ROWS_PER_TILE)])

    @pl.when(cid == 0)
    def _():
      pltpu.sync_copy(y1_v, comb_hbm.at[3, pl.ds(nbase, ROWS_PER_TILE)])
      pltpu.sync_copy(dinv_v, comb_hbm.at[2, pl.ds(nbase, ROWS_PER_TILE)])

    plsc.subcore_barrier()

    def issue_g(j, b):
      pltpu.async_copy(y1_sh.at[src_v.at[pl.ds(j * CHUNK, CHUNK)]],
                       rows_v.at[b], gsems[b])

    def wait_g(j, b):
      pltpu.make_async_copy(y1_sh.at[src_v.at[pl.ds(j * CHUNK, CHUNK)]],
                            rows_v.at[b], gsems[b]).wait()

    def issue_s(j, b):
      pltpu.async_copy(rows_v.at[b],
                       acc_sh.at[dst_v.at[cid, pl.ds(j * CHUNK, CHUNK)]],
                       ssems[b], add=True)

    def wait_s(j, b):
      pltpu.make_async_copy(rows_v.at[b],
                            acc_sh.at[dst_v.at[cid, pl.ds(j * CHUNK, CHUNK)]],
                            ssems[b]).wait()

    issue_g(0, 0)
    issue_g(1, 1)

    def group(g, _):
      for b in range(4):
        t = g * 4 + b
        bw = (b + 2) % 4

        @pl.when(t >= 2)
        def _():
          wait_s(t - 2, bw)

        @pl.when(t + 2 < NCHUNK)
        def _():
          issue_g(t + 2, bw)

        wait_g(t, b)
        issue_s(t, b)
      return 0

    lax.fori_loop(0, NCHUNK // 4, group, 0)
    wait_s(NCHUNK - 2, (NCHUNK - 2) % 4)
    wait_s(NCHUNK - 1, (NCHUNK - 1) % 4)
    plsc.subcore_barrier()

    pltpu.sync_copy(
        acc_sh.at[pl.ds(nbase, ROWS_PER_TILE)],
        comb_hbm.at[cid, pl.ds(nbase, ROWS_PER_TILE)])

  return fused_kernel


def _make_conv_kernel(C):
  @functools.partial(
      pl.kernel,
      mesh=_mesh(),
      out_type=jax.ShapeDtypeStruct((NC, NPAD, C), jnp.float32),
      compiler_params=pltpu.CompilerParams(use_tc_tiling_on_sc=False),
      scratch_types=[
          pltpu.VMEM((PER_TILE,), jnp.int32),
          pltpu.VMEM((PER_TILE,), jnp.int32),
          pltpu.VMEM((4, CHUNK, C), jnp.float32),
          pltpu.VMEM((CHUNK, C), jnp.float32),
          pltpu.VMEM_SHARED((NPAD, C), jnp.float32),
          [pltpu.SemaphoreType.DMA] * 4,
          [pltpu.SemaphoreType.DMA] * 4,
      ],
  )
  def conv_kernel(y_hbm, edge_hbm, out_hbm,
                  src_v, dst_v, rows_v, zbuf, acc_sh, gsems, ssems):
    cid = lax.axis_index("c")
    sid = lax.axis_index("s")
    wid = cid * NS + sid
    nbase = sid * ROWS_PER_TILE

    pltpu.sync_copy(edge_hbm.at[0, pl.ds(wid * EPT, EPT)],
                    src_v.at[pl.ds(0, EPT)])
    pltpu.sync_copy(edge_hbm.at[1, pl.ds(wid * EPT, EPT)],
                    dst_v.at[pl.ds(0, EPT)])
    _synth_tail(src_v, EPT)
    _synth_tail(dst_v, EPT)

    _zero_fill(zbuf, CHUNK, C)

    def zseg(j, _):
      pltpu.sync_copy(zbuf, acc_sh.at[pl.ds(nbase + j * CHUNK, CHUNK)])
      return 0

    lax.fori_loop(0, ROWS_PER_TILE // CHUNK, zseg, 0)
    plsc.subcore_barrier()

    def issue_g(j, b):
      pltpu.async_copy(y_hbm.at[src_v.at[pl.ds(j * CHUNK, CHUNK)]],
                       rows_v.at[b], gsems[b])

    def wait_g(j, b):
      pltpu.make_async_copy(y_hbm.at[src_v.at[pl.ds(j * CHUNK, CHUNK)]],
                            rows_v.at[b], gsems[b]).wait()

    def issue_s(j, b):
      pltpu.async_copy(rows_v.at[b],
                       acc_sh.at[dst_v.at[pl.ds(j * CHUNK, CHUNK)]],
                       ssems[b], add=True)

    def wait_s(j, b):
      pltpu.make_async_copy(rows_v.at[b],
                            acc_sh.at[dst_v.at[pl.ds(j * CHUNK, CHUNK)]],
                            ssems[b]).wait()

    issue_g(0, 0)
    issue_g(1, 1)

    def group(g, _):
      for b in range(4):
        t = g * 4 + b
        bw = (b + 2) % 4

        @pl.when(t >= 2)
        def _():
          wait_s(t - 2, bw)

        @pl.when(t + 2 < NCHUNK)
        def _():
          issue_g(t + 2, bw)

        wait_g(t, b)
        issue_s(t, b)
      return 0

    lax.fori_loop(0, NCHUNK // 4, group, 0)
    wait_s(NCHUNK - 2, (NCHUNK - 2) % 4)
    wait_s(NCHUNK - 1, (NCHUNK - 1) % 4)
    plsc.subcore_barrier()

    pltpu.sync_copy(
        acc_sh.at[pl.ds(nbase, ROWS_PER_TILE)],
        out_hbm.at[cid, pl.ds(nbase, ROWS_PER_TILE)])

  return conv_kernel


_fused1 = _make_fused_conv1_kernel()
_conv32 = _make_conv_kernel(32)



def _tc0_body(x_ref, w1_ref, xw_ref):
  xw_ref[0:N, :] = jnp.dot(x_ref[...], w1_ref[...],
                           preferred_element_type=jnp.float32)
  xw_ref[N:NPAD, :] = jnp.zeros((NPAD - N, 16), jnp.float32)


def _tc2_body(comb_ref, w2_ref, cvec_ref, y2_ref):
  acc = comb_ref[0] + comb_ref[1] + comb_ref[3]
  conv = acc * comb_ref[2] + cvec_ref[0:1, :]
  h = jnp.maximum(conv * cvec_ref[1:2, :] + cvec_ref[2:3, :], 0.0)
  h2 = jnp.dot(h, w2_ref[...], preferred_element_type=jnp.float32)
  y2_ref[...] = h2 * comb_ref[2, :, 0:1]


def _tc3_body(accp_ref, y2_ref, comb_ref, batch_ref, cvec_ref,
              linw_ref, linb_ref, out_ref):
  acc = accp_ref[0] + accp_ref[1] + y2_ref[...]
  conv = acc * comb_ref[2, :, 0:1] + cvec_ref[0:1, :]
  h = jnp.maximum(conv * cvec_ref[1:2, :] + cvec_ref[2:3, :], 0.0)
  ones_col = jnp.ones((NPAD, 1), jnp.float32)
  he = jnp.concatenate([h, ones_col], axis=1)
  gids = lax.broadcasted_iota(jnp.int32, (64, NPAD), 0)
  p = (batch_ref[...] == gids).astype(jnp.float32)
  se = jnp.dot(p, he, preferred_element_type=jnp.float32)
  pooled = se[:, :32] / jnp.maximum(se[:, 32:33], 1.0)
  out_ref[...] = jnp.dot(pooled, linw_ref[...],
                         preferred_element_type=jnp.float32) + linb_ref[...]


def kernel(x, edge_index, batch, W1, b1, bn1_w, bn1_b, W2, b2, bn2_w, bn2_b,
           lin_W, lin_b):
  f32 = jnp.float32
  edge32 = edge_index.astype(jnp.int32)
  batch_p = jnp.concatenate(
      [batch.astype(jnp.int32), jnp.full((NPAD - N,), 64, jnp.int32)])
  batch_p = batch_p.reshape(1, NPAD)

  bn_scale1 = bn1_w * (1.0 / jnp.sqrt(1.0 + EPS))
  bn_scale2 = bn2_w * (1.0 / jnp.sqrt(1.0 + EPS))
  cvec1 = jnp.stack([b1, bn_scale1, bn1_b])
  cvec2 = jnp.stack([b2, bn_scale2, bn2_b])

  xw1 = pl.pallas_call(
      _tc0_body,
      out_shape=jax.ShapeDtypeStruct((NPAD, 16), f32),
  )(x, W1)

  comb = _fused1(xw1, edge32)

  y2 = pl.pallas_call(
      _tc2_body,
      out_shape=jax.ShapeDtypeStruct((NPAD, 32), f32),
  )(comb, W2, cvec1)

  acc2 = _conv32(y2, edge32)

  out = pl.pallas_call(
      _tc3_body,
      out_shape=jax.ShapeDtypeStruct((64, 64), f32),
  )(acc2, y2, comb, batch_p, cvec2, lin_W, lin_b.reshape(1, 64))

  return out

# --- scband reference (transcript-rebuilt; emitter-appended) ---
"""Pipeline reference for scband-gcn-73581379715087 (READ-ONLY COPY).

The authoritative reference and input builder live on the scoring server;
editing this copy changes nothing except your own understanding.
"""

import jax, jax.numpy as jnp
import numpy as np

N_NODES = 10000
N_EDGES = 320000
IN_CH = 128
OUT_CH = 64
N_GRAPHS = 64
EPS = 1e-5


def setup_inputs(seed: int = 0) -> dict:
    key = jax.random.key(seed)
    ks = jax.random.split(key, 8)
    x = jax.random.normal(ks[0], (N_NODES, IN_CH), dtype=jnp.float32)
    edge_index = jax.random.randint(ks[1], (2, N_EDGES), 0, N_NODES, dtype=jnp.int64)
    batch = jnp.sort(jax.random.randint(ks[2], (N_NODES,), 0, N_GRAPHS, dtype=jnp.int64))
    # parameters (glorot-ish init for weights)
    W1 = jax.random.normal(ks[3], (IN_CH, 16), dtype=jnp.float32) * (1.0 / np.sqrt(IN_CH))
    b1 = jnp.zeros((16,), dtype=jnp.float32)
    bn1_w = jnp.ones((16,), dtype=jnp.float32)
    bn1_b = jnp.zeros((16,), dtype=jnp.float32)
    W2 = jax.random.normal(ks[4], (16, 32), dtype=jnp.float32) * (1.0 / np.sqrt(16))
    b2 = jnp.zeros((32,), dtype=jnp.float32)
    bn2_w = jnp.ones((32,), dtype=jnp.float32)
    bn2_b = jnp.zeros((32,), dtype=jnp.float32)
    lin_W = jax.random.normal(ks[5], (32, OUT_CH), dtype=jnp.float32) * (1.0 / np.sqrt(32))
    lin_b = jnp.zeros((OUT_CH,), dtype=jnp.float32)
    return {"x": x, "edge_index": edge_index, "batch": batch,
            "W1": W1, "b1": b1, "bn1_w": bn1_w, "bn1_b": bn1_b,
            "W2": W2, "b2": b2, "bn2_w": bn2_w, "bn2_b": bn2_b,
            "lin_W": lin_W, "lin_b": lin_b}


def _gcn_conv(x, src, dst, W, b, num_nodes):
    # PyG GCNConv: add self-loops, symmetric normalization D^{-1/2}(A+I)D^{-1/2}, then XW + b
    xw = x @ W
    loop = jnp.arange(num_nodes, dtype=src.dtype)
    s = jnp.concatenate([src, loop])
    d = jnp.concatenate([dst, loop])
    deg = jax.ops.segment_sum(jnp.ones_like(s, dtype=xw.dtype), d, num_segments=num_nodes)
    dinv = jnp.where(deg > 0, 1.0 / jnp.sqrt(deg), 0.0)
    norm = dinv[s] * dinv[d]
    msg = xw[s] * norm[:, None]
    out = jax.ops.segment_sum(msg, d, num_segments=num_nodes)
    return out + b


def _bn_eval(x, w, b):
    # eval-mode BatchNorm1d with default running stats (mean=0, var=1)
    return (x / jnp.sqrt(1.0 + EPS)) * w + b


def reference(x, edge_index, batch, W1, b1, bn1_w, bn1_b, W2, b2, bn2_w, bn2_b, lin_W, lin_b):
    src, dst = edge_index[0], edge_index[1]
    h = _gcn_conv(x, src, dst, W1, b1, N_NODES)
    h = _bn_eval(h, bn1_w, bn1_b)
    h = jax.nn.relu(h)
    # dropout is identity in eval mode
    h = _gcn_conv(h, src, dst, W2, b2, N_NODES)
    h = _bn_eval(h, bn2_w, bn2_b)
    h = jax.nn.relu(h)
    # global mean pool over graph ids
    sums = jax.ops.segment_sum(h, batch, num_segments=N_GRAPHS)
    cnts = jax.ops.segment_sum(jnp.ones((h.shape[0],), dtype=h.dtype), batch, num_segments=N_GRAPHS)
    pooled = sums / jnp.clip(cnts, 1.0)[:, None]
    return pooled @ lin_W + lin_b

if __name__ == "__main__":
    import jax
    _d = setup_inputs()
    print(jax.jit(kernel)(*tuple(_d.values())))

</pallas_src>

<mosaic_0001>
#map = affine_map<(d0, d1) -> (0, 0)>
#map1 = affine_map<(d0, d1) -> (0, 0, 0)>
module attributes {stable_mosaic.version = 14 : i64} {
  func.func @fused_kernel(%arg0: i32, %arg1: i32, %arg2: memref<10240x16xf32, #tpu.memory_space<hbm>>, %arg3: memref<2x320000xi32, #tpu.memory_space<hbm>>, %arg4: memref<4x10240x16xf32, #tpu.memory_space<hbm>>, %arg5: memref<2x10240xi32, #tpu.memory_space<vmem>>, %arg6: memref<10240xi32, #tpu.memory_space<vmem>>, %arg7: memref<640x16xf32, #tpu.memory_space<vmem>>, %arg8: memref<640x16xf32, #tpu.memory_space<vmem>>, %arg9: memref<640x16xf32, #tpu.memory_space<vmem>>, %arg10: memref<640x16xf32, #tpu.memory_space<vmem>>, %arg11: memref<4x128x16xf32, #tpu.memory_space<vmem>>, %arg12: memref<128x16xf32, #tpu.memory_space<vmem>>, %arg13: memref<5x128xi32, #tpu.memory_space<vmem>>, %arg14: memref<640x16xf32, #tpu.memory_space<vmem_shared>>, %arg15: memref<10240x16xf32, #tpu.memory_space<vmem_shared>>, %arg16: memref<10240x16xf32, #tpu.memory_space<vmem_shared>>, %arg17: memref<!tpu.dma_semaphore, #tpu.memory_space<semaphore_mem>>, %arg18: memref<!tpu.dma_semaphore, #tpu.memory_space<semaphore_mem>>, %arg19: memref<!tpu.dma_semaphore, #tpu.memory_space<semaphore_mem>>, %arg20: memref<!tpu.dma_semaphore, #tpu.memory_space<semaphore_mem>>, %arg21: memref<!tpu.dma_semaphore, #tpu.memory_space<semaphore_mem>>, %arg22: memref<!tpu.dma_semaphore, #tpu.memory_space<semaphore_mem>>, %arg23: memref<!tpu.dma_semaphore, #tpu.memory_space<semaphore_mem>>, %arg24: memref<!tpu.dma_semaphore, #tpu.memory_space<semaphore_mem>>) attributes {dimension_semantics = [#tpu.dimension_semantics<core_parallel>, #tpu.dimension_semantics<subcore_parallel>], iteration_bounds = array<i64: 2, 16>, scalar_prefetch = 0 : i64, scratch_operands = 20 : i64, tpu.core_type = #tpu.core_type<sc_vector_subcore>, window_params = [{transform_indices = #map}, {transform_indices = #map}, {transform_indices = #map1}]} {
    %mul3A = arith.constant 16 : i32
    %mul3A_0 = arith.muli %arg0, %mul3A : i32
    %add3A = arith.addi %mul3A_0, %arg1 : i32
    %mul3A_1 = arith.constant 640 : i32
    %mul3A_2 = arith.muli %arg1, %mul3A_1 : i32
    %add3A_3 = arith.constant 0 : i32
    %add3A_4 = arith.addi %add3A_3, %arg1 : i32
    %mul3A_5 = arith.constant 10000 : i32
    %mul3A_6 = arith.muli %add3A_4, %mul3A_5 : i32
    %run_scoped3A = arith.constant 1 : i32
    %run_scoped3A_7 = arith.constant 0 : i32
    "tpu.region"() ({
      %run_scoped3A_425 = tpu.sem_alloc : memref<!tpu.dma_semaphore, #tpu.memory_space<semaphore_mem>>
      %dma_start3A_426 = arith.constant 0 : i32
      %dma_start3A_427 = tpu.memref_slice %arg5[%run_scoped3A_7, %dma_start3A_426] : memref<2x10240xi32, #tpu.memory_space<vmem>> -> memref<1x10000xi32, #tpu.memory_space<vmem>>
      %dma_start3A_428 = tpu.memref_squeeze %dma_start3A_427 : memref<1x10000xi32, #tpu.memory_space<vmem>> -> memref<10000xi32, #tpu.memory_space<vmem>>
      %dma_start3A_429 = tpu.memref_slice %arg3[%run_scoped3A, %mul3A_6] : memref<2x320000xi32, #tpu.memory_space<hbm>> -> memref<1x10000xi32, #tpu.memory_space<hbm>>
      %dma_start3A_430 = tpu.memref_squeeze %dma_start3A_429 : memref<1x10000xi32, #tpu.memory_space<hbm>> -> memref<10000xi32, #tpu.memory_space<hbm>>
      %dma_start3A_431 = arith.constant 0 : i32
      %dma_start3A_432 = tpu.memref_slice %arg5[%run_scoped3A_7, %dma_start3A_431] : memref<2x10240xi32, #tpu.memory_space<vmem>> -> memref<1x10000xi32, #tpu.memory_space<vmem>>
      %dma_start3A_433 = tpu.memref_squeeze %dma_start3A_432 : memref<1x10000xi32, #tpu.memory_space<vmem>> -> memref<10000xi32, #tpu.memory_space<vmem>>
      %dma_start3A_434 = tpu.memref_slice %arg3[%run_scoped3A, %mul3A_6] : memref<2x320000xi32, #tpu.memory_space<hbm>> -> memref<1x10000xi32, #tpu.memory_space<hbm>>
      %dma_start3A_435 = tpu.memref_squeeze %dma_start3A_434 : memref<1x10000xi32, #tpu.memory_space<hbm>> -> memref<10000xi32, #tpu.memory_space<hbm>>
      tpu.enqueue_dma source(%dma_start3A_435 : memref<10000xi32, #tpu.memory_space<hbm>>) target(%dma_start3A_433 : memref<10000xi32, #tpu.memory_space<vmem>>) target_semaphore(%run_scoped3A_425 : memref<!tpu.dma_semaphore, #tpu.memory_space<semaphore_mem>>)
      %dma_wait3A_436 = arith.constant 0 : i32
      %dma_wait3A_437 = tpu.memref_slice %arg5[%run_scoped3A_7, %dma_wait3A_436] : memref<2x10240xi32, #tpu.memory_space<vmem>> -> memref<1x10000xi32, #tpu.memory_space<vmem>>
      %dma_wait3A_438 = tpu.memref_squeeze %dma_wait3A_437 : memref<1x10000xi32, #tpu.memory_space<vmem>> -> memref<10000xi32, #tpu.memory_space<vmem>>
      %dma_wait3A_439 = tpu.memref_slice %arg3[%run_scoped3A, %mul3A_6] : memref<2x320000xi32, #tpu.memory_space<hbm>> -> memref<1x10000xi32, #tpu.memory_space<hbm>>
      %dma_wait3A_440 = tpu.memref_squeeze %dma_wait3A_439 : memref<1x10000xi32, #tpu.memory_space<hbm>> -> memref<10000xi32, #tpu.memory_space<hbm>>
      %dma_wait3A_441 = arith.constant 0 : i32
      %dma_wait3A_442 = tpu.memref_slice %arg5[%run_scoped3A_7, %dma_wait3A_441] : memref<2x10240xi32, #tpu.memory_space<vmem>> -> memref<1x10000xi32, #tpu.memory_space<vmem>>
      %dma_wait3A_443 = tpu.memref_squeeze %dma_wait3A_442 : memref<1x10000xi32, #tpu.memory_space<vmem>> -> memref<10000xi32, #tpu.memory_space<vmem>>
      %dma_wait3A_444 = tpu.memref_slice %arg3[%run_scoped3A, %mul3A_6] : memref<2x320000xi32, #tpu.memory_space<hbm>> -> memref<1x10000xi32, #tpu.memory_space<hbm>>
      %dma_wait3A_445 = tpu.memref_squeeze %dma_wait3A_444 : memref<1x10000xi32, #tpu.memory_space<hbm>> -> memref<10000xi32, #tpu.memory_space<hbm>>
      tpu.wait_dma2 semaphore(%run_scoped3A_425 : memref<!tpu.dma_semaphore, #tpu.memory_space<semaphore_mem>>) src(%dma_wait3A_445 : memref<10000xi32, #tpu.memory_space<hbm>>) dst(%dma_wait3A_443 : memref<10000xi32, #tpu.memory_space<vmem>>)
      tpu.yield
    }) : () -> ()
    %add3A_8 = arith.constant 16 : i32
    %add3A_9 = arith.addi %add3A_8, %arg1 : i32
    %mul3A_10 = arith.constant 10000 : i32
    %mul3A_11 = arith.muli %add3A_9, %mul3A_10 : i32
    %run_scoped3A_12 = arith.constant 1 : i32
    %run_scoped3A_13 = arith.constant 1 : i32
    "tpu.region"() ({
      %run_scoped3A_425 = tpu.sem_alloc : memref<!tpu.dma_semaphore, #tpu.memory_space<semaphore_mem>>
      %dma_start3A_426 = arith.constant 0 : i32
      %dma_start3A_427 = tpu.memref_slice %arg5[%run_scoped3A_13, %dma_start3A_426] : memref<2x10240xi32, #tpu.memory_space<vmem>> -> memref<1x10000xi32, #tpu.memory_space<vmem>>
      %dma_start3A_428 = tpu.memref_squeeze %dma_start3A_427 : memref<1x10000xi32, #tpu.memory_space<vmem>> -> memref<10000xi32, #tpu.memory_space<vmem>>
      %dma_start3A_429 = tpu.memref_slice %arg3[%run_scoped3A_12, %mul3A_11] : memref<2x320000xi32, #tpu.memory_space<hbm>> -> memref<1x10000xi32, #tpu.memory_space<hbm>>
      %dma_start3A_430 = tpu.memref_squeeze %dma_start3A_429 : memref<1x10000xi32, #tpu.memory_space<hbm>> -> memref<10000xi32, #tpu.memory_space<hbm>>
      %dma_start3A_431 = arith.constant 0 : i32
      %dma_start3A_432 = tpu.memref_slice %arg5[%run_scoped3A_13, %dma_start3A_431] : memref<2x10240xi32, #tpu.memory_space<vmem>> -> memref<1x10000xi32, #tpu.memory_space<vmem>>
      %dma_start3A_433 = tpu.memref_squeeze %dma_start3A_432 : memref<1x10000xi32, #tpu.memory_space<vmem>> -> memref<10000xi32, #tpu.memory_space<vmem>>
      %dma_start3A_434 = tpu.memref_slice %arg3[%run_scoped3A_12, %mul3A_11] : memref<2x320000xi32, #tpu.memory_space<hbm>> -> memref<1x10000xi32, #tpu.memory_space<hbm>>
      %dma_start3A_435 = tpu.memref_squeeze %dma_start3A_434 : memref<1x10000xi32, #tpu.memory_space<hbm>> -> memref<10000xi32, #tpu.memory_space<hbm>>
      tpu.enqueue_dma source(%dma_start3A_435 : memref<10000xi32, #tpu.memory_space<hbm>>) target(%dma_start3A_433 : memref<10000xi32, #tpu.memory_space<vmem>>) target_semaphore(%run_scoped3A_425 : memref<!tpu.dma_semaphore, #tpu.memory_space<semaphore_mem>>)
      %dma_wait3A_436 = arith.constant 0 : i32
      %dma_wait3A_437 = tpu.memref_slice %arg5[%run_scoped3A_13, %dma_wait3A_436] : memref<2x10240xi32, #tpu.memory_space<vmem>> -> memref<1x10000xi32, #tpu.memory_space<vmem>>
      %dma_wait3A_438 = tpu.memref_squeeze %dma_wait3A_437 : memref<1x10000xi32, #tpu.memory_space<vmem>> -> memref<10000xi32, #tpu.memory_space<vmem>>
      %dma_wait3A_439 = tpu.memref_slice %arg3[%run_scoped3A_12, %mul3A_11] : memref<2x320000xi32, #tpu.memory_space<hbm>> -> memref<1x10000xi32, #tpu.memory_space<hbm>>
      %dma_wait3A_440 = tpu.memref_squeeze %dma_wait3A_439 : memref<1x10000xi32, #tpu.memory_space<hbm>> -> memref<10000xi32, #tpu.memory_space<hbm>>
      %dma_wait3A_441 = arith.constant 0 : i32
      %dma_wait3A_442 = tpu.memref_slice %arg5[%run_scoped3A_13, %dma_wait3A_441] : memref<2x10240xi32, #tpu.memory_space<vmem>> -> memref<1x10000xi32, #tpu.memory_space<vmem>>
      %dma_wait3A_443 = tpu.memref_squeeze %dma_wait3A_442 : memref<1x10000xi32, #tpu.memory_space<vmem>> -> memref<10000xi32, #tpu.memory_space<vmem>>
      %dma_wait3A_444 = tpu.memref_slice %arg3[%run_scoped3A_12, %mul3A_11] : memref<2x320000xi32, #tpu.memory_space<hbm>> -> memref<1x10000xi32, #tpu.memory_space<hbm>>
      %dma_wait3A_445 = tpu.memref_squeeze %dma_wait3A_444 : memref<1x10000xi32, #tpu.memory_space<hbm>> -> memref<10000xi32, #tpu.memory_space<hbm>>
      tpu.wait_dma2 semaphore(%run_scoped3A_425 : memref<!tpu.dma_semaphore, #tpu.memory_space<semaphore_mem>>) src(%dma_wait3A_445 : memref<10000xi32, #tpu.memory_space<hbm>>) dst(%dma_wait3A_443 : memref<10000xi32, #tpu.memory_space<vmem>>)
      tpu.yield
    }) : () -> ()
    %mul3A_14 = arith.constant 10000 : i32
    %mul3A_15 = arith.muli %add3A, %mul3A_14 : i32
    %run_scoped3A_16 = arith.constant 0 : i32
    "tpu.region"() ({
      %run_scoped3A_425 = tpu.sem_alloc : memref<!tpu.dma_semaphore, #tpu.memory_space<semaphore_mem>>
      %dma_start3A_426 = arith.constant 0 : i32
      %dma_start3A_427 = tpu.memref_slice %arg6[%dma_start3A_426] : memref<10240xi32, #tpu.memory_space<vmem>> -> memref<10000xi32, #tpu.memory_space<vmem>>
      %dma_start3A_428 = tpu.memref_slice %arg3[%run_scoped3A_16, %mul3A_15] : memref<2x320000xi32, #tpu.memory_space<hbm>> -> memref<1x10000xi32, #tpu.memory_space<hbm>>
      %dma_start3A_429 = tpu.memref_squeeze %dma_start3A_428 : memref<1x10000xi32, #tpu.memory_space<hbm>> -> memref<10000xi32, #tpu.memory_space<hbm>>
      %dma_start3A_430 = arith.constant 0 : i32
      %dma_start3A_431 = tpu.memref_slice %arg6[%dma_start3A_430] : memref<10240xi32, #tpu.memory_space<vmem>> -> memref<10000xi32, #tpu.memory_space<vmem>>
      %dma_start3A_432 = tpu.memref_slice %arg3[%run_scoped3A_16, %mul3A_15] : memref<2x320000xi32, #tpu.memory_space<hbm>> -> memref<1x10000xi32, #tpu.memory_space<hbm>>
      %dma_start3A_433 = tpu.memref_squeeze %dma_start3A_432 : memref<1x10000xi32, #tpu.memory_space<hbm>> -> memref<10000xi32, #tpu.memory_space<hbm>>
      tpu.enqueue_dma source(%dma_start3A_433 : memref<10000xi32, #tpu.memory_space<hbm>>) target(%dma_start3A_431 : memref<10000xi32, #tpu.memory_space<vmem>>) target_semaphore(%run_scoped3A_425 : memref<!tpu.dma_semaphore, #tpu.memory_space<semaphore_mem>>)
      %dma_wait3A_434 = arith.constant 0 : i32
      %dma_wait3A_435 = tpu.memref_slice %arg6[%dma_wait3A_434] : memref<10240xi32, #tpu.memory_space<vmem>> -> memref<10000xi32, #tpu.memory_space<vmem>>
      %dma_wait3A_436 = tpu.memref_slice %arg3[%run_scoped3A_16, %mul3A_15] : memref<2x320000xi32, #tpu.memory_space<hbm>> -> memref<1x10000xi32, #tpu.memory_space<hbm>>
      %dma_wait3A_437 = tpu.memref_squeeze %dma_wait3A_436 : memref<1x10000xi32, #tpu.memory_space<hbm>> -> memref<10000xi32, #tpu.memory_space<hbm>>
      %dma_wait3A_438 = arith.constant 0 : i32
      %dma_wait3A_439 = tpu.memref_slice %arg6[%dma_wait3A_438] : memref<10240xi32, #tpu.memory_space<vmem>> -> memref<10000xi32, #tpu.memory_space<vmem>>
      %dma_wait3A_440 = tpu.memref_slice %arg3[%run_scoped3A_16, %mul3A_15] : memref<2x320000xi32, #tpu.memory_space<hbm>> -> memref<1x10000xi32, #tpu.memory_space<hbm>>
      %dma_wait3A_441 = tpu.memref_squeeze %dma_wait3A_440 : memref<1x10000xi32, #tpu.memory_space<hbm>> -> memref<10000xi32, #tpu.memory_space<hbm>>
      tpu.wait_dma2 semaphore(%run_scoped3A_425 : memref<!tpu.dma_semaphore, #tpu.memory_space<semaphore_mem>>) src(%dma_wait3A_441 : memref<10000xi32, #tpu.memory_space<hbm>>) dst(%dma_wait3A_439 : memref<10000xi32, #tpu.memory_space<vmem>>)
      tpu.yield
    }) : () -> ()
    "tpu.region"() ({
      %run_scoped3A_425 = tpu.sem_alloc : memref<!tpu.dma_semaphore, #tpu.memory_space<semaphore_mem>>
      %dma_start3A_426 = arith.constant 0 : i32
      %dma_start3A_427 = tpu.memref_slice %arg2[%mul3A_2, %dma_start3A_426] : memref<10240x16xf32, #tpu.memory_space<hbm>> -> memref<640x16xf32, #tpu.memory_space<hbm>>
      %dma_start3A_428 = arith.constant 0 : i32
      %dma_start3A_429 = tpu.memref_slice %arg2[%mul3A_2, %dma_start3A_428] : memref<10240x16xf32, #tpu.memory_space<hbm>> -> memref<640x16xf32, #tpu.memory_space<hbm>>
      tpu.enqueue_dma source(%dma_start3A_429 : memref<640x16xf32, #tpu.memory_space<hbm>>) target(%arg8 : memref<640x16xf32, #tpu.memory_space<vmem>>) target_semaphore(%run_scoped3A_425 : memref<!tpu.dma_semaphore, #tpu.memory_space<semaphore_mem>>)
      %dma_wait3A_430 = arith.constant 0 : i32
      %dma_wait3A_431 = tpu.memref_slice %arg2[%mul3A_2, %dma_wait3A_430] : memref<10240x16xf32, #tpu.memory_space<hbm>> -> memref<640x16xf32, #tpu.memory_space<hbm>>
      %dma_wait3A_432 = arith.constant 0 : i32
      %dma_wait3A_433 = tpu.memref_slice %arg2[%mul3A_2, %dma_wait3A_432] : memref<10240x16xf32, #tpu.memory_space<hbm>> -> memref<640x16xf32, #tpu.memory_space<hbm>>
      tpu.wait_dma2 semaphore(%run_scoped3A_425 : memref<!tpu.dma_semaphore, #tpu.memory_space<semaphore_mem>>) src(%dma_wait3A_433 : memref<640x16xf32, #tpu.memory_space<hbm>>) dst(%arg8 : memref<640x16xf32, #tpu.memory_space<vmem>>)
      tpu.yield
    }) : () -> ()
    %iota3A = tpu.iota {dimensions = array<i32: 0>} : vector<16xi32>
    %add3A_17 = arith.constant 10000 : i32
    %add3A_18 = vector.broadcast %add3A_17 : i32 to vector<16xi32>
    %add3A_19 = arith.addi %iota3A, %add3A_18 : vector<16xi32>
    %swap3A = arith.constant 0 : i32
    %swap3A_20 = arith.index_cast %swap3A : i32 to index
    %swap3A_21 = arith.constant 10000 : index
    %swap3A_22 = tpu.vector_load %arg5[%swap3A_20, %swap3A_21] {strides = array<i32>} : memref<2x10240xi32, #tpu.memory_space<vmem>>, vector<16xi32>,
    tpu.vector_store %arg5[%swap3A_20, %swap3A_21], %add3A_19 {strides = array<i32>} : memref<2x10240xi32, #tpu.memory_space<vmem>>, vector<16xi32>,
    %add3A_23 = arith.constant 10016 : i32
    %add3A_24 = vector.broadcast %add3A_23 : i32 to vector<16xi32>
    %add3A_25 = arith.addi %iota3A, %add3A_24 : vector<16xi32>
    %swap3A_26 = arith.constant 0 : i32
    %swap3A_27 = arith.index_cast %swap3A_26 : i32 to index
    %swap3A_28 = arith.constant 10016 : index
    %swap3A_29 = tpu.vector_load %arg5[%swap3A_27, %swap3A_28] {strides = array<i32>} : memref<2x10240xi32, #tpu.memory_space<vmem>>, vector<16xi32>,
    tpu.vector_store %arg5[%swap3A_27, %swap3A_28], %add3A_25 {strides = array<i32>} : memref<2x10240xi32, #tpu.memory_space<vmem>>, vector<16xi32>,
    %add3A_30 = arith.constant 10032 : i32
    %add3A_31 = vector.broadcast %add3A_30 : i32 to vector<16xi32>
    %add3A_32 = arith.addi %iota3A, %add3A_31 : vector<16xi32>
    %swap3A_33 = arith.constant 0 : i32
    %swap3A_34 = arith.index_cast %swap3A_33 : i32 to index
    %swap3A_35 = arith.constant 10032 : index
    %swap3A_36 = tpu.vector_load %arg5[%swap3A_34, %swap3A_35] {strides = array<i32>} : memref<2x10240xi32, #tpu.memory_space<vmem>>, vector<16xi32>,
    tpu.vector_store %arg5[%swap3A_34, %swap3A_35], %add3A_32 {strides = array<i32>} : memref<2x10240xi32, #tpu.memory_space<vmem>>, vector<16xi32>,
    %add3A_37 = arith.constant 10048 : i32
    %add3A_38 = vector.broadcast %add3A_37 : i32 to vector<16xi32>
    %add3A_39 = arith.addi %iota3A, %add3A_38 : vector<16xi32>
    %swap3A_40 = arith.constant 0 : i32
    %swap3A_41 = arith.index_cast %swap3A_40 : i32 to index
    %swap3A_42 = arith.constant 10048 : index
    %swap3A_43 = tpu.vector_load %arg5[%swap3A_41, %swap3A_42] {strides = array<i32>} : memref<2x10240xi32, #tpu.memory_space<vmem>>, vector<16xi32>,
    tpu.vector_store %arg5[%swap3A_41, %swap3A_42], %add3A_39 {strides = array<i32>} : memref<2x10240xi32, #tpu.memory_space<vmem>>, vector<16xi32>,
    %add3A_44 = arith.constant 10064 : i32
    %add3A_45 = vector.broadcast %add3A_44 : i32 to vector<16xi32>
    %add3A_46 = arith.addi %iota3A, %add3A_45 : vector<16xi32>
    %swap3A_47 = arith.constant 0 : i32
    %swap3A_48 = arith.index_cast %swap3A_47 : i32 to index
    %swap3A_49 = arith.constant 10064 : index
    %swap3A_50 = tpu.vector_load %arg5[%swap3A_48, %swap3A_49] {strides = array<i32>} : memref<2x10240xi32, #tpu.memory_space<vmem>>, vector<16xi32>,
    tpu.vector_store %arg5[%swap3A_48, %swap3A_49], %add3A_46 {strides = array<i32>} : memref<2x10240xi32, #tpu.memory_space<vmem>>, vector<16xi32>,
    %add3A_51 = arith.constant 10080 : i32
    %add3A_52 = vector.broadcast %add3A_51 : i32 to vector<16xi32>
    %add3A_53 = arith.addi %iota3A, %add3A_52 : vector<16xi32>
    %swap3A_54 = arith.constant 0 : i32
    %swap3A_55 = arith.index_cast %swap3A_54 : i32 to index
    %swap3A_56 = arith.constant 10080 : index
    %swap3A_57 = tpu.vector_load %arg5[%swap3A_55, %swap3A_56] {strides = array<i32>} : memref<2x10240xi32, #tpu.memory_space<vmem>>, vector<16xi32>,
    tpu.vector_store %arg5[%swap3A_55, %swap3A_56], %add3A_53 {strides = array<i32>} : memref<2x10240xi32, #tpu.memory_space<vmem>>, vector<16xi32>,
    %add3A_58 = arith.constant 10096 : i32
    %add3A_59 = vector.broadcast %add3A_58 : i32 to vector<16xi32>
    %add3A_60 = arith.addi %iota3A, %add3A_59 : vector<16xi32>
    %swap3A_61 = arith.constant 0 : i32
    %swap3A_62 = arith.index_cast %swap3A_61 : i32 to index
    %swap3A_63 = arith.constant 10096 : index
    %swap3A_64 = tpu.vector_load %arg5[%swap3A_62, %swap3A_63] {strides = array<i32>} : memref<2x10240xi32, #tpu.memory_space<vmem>>, vector<16xi32>,
    tpu.vector_store %arg5[%swap3A_62, %swap3A_63], %add3A_60 {strides = array<i32>} : memref<2x10240xi32, #tpu.memory_space<vmem>>, vector<16xi32>,
    %add3A_65 = arith.constant 10112 : i32
    %add3A_66 = vector.broadcast %add3A_65 : i32 to vector<16xi32>
    %add3A_67 = arith.addi %iota3A, %add3A_66 : vector<16xi32>
    %swap3A_68 = arith.constant 0 : i32
    %swap3A_69 = arith.index_cast %swap3A_68 : i32 to index
    %swap3A_70 = arith.constant 10112 : index
    %swap3A_71 = tpu.vector_load %arg5[%swap3A_69, %swap3A_70] {strides = array<i32>} : memref<2x10240xi32, #tpu.memory_space<vmem>>, vector<16xi32>,
    tpu.vector_store %arg5[%swap3A_69, %swap3A_70], %add3A_67 {strides = array<i32>} : memref<2x10240xi32, #tpu.memory_space<vmem>>, vector<16xi32>,
    %add3A_72 = arith.constant 10128 : i32
    %add3A_73 = vector.broadcast %add3A_72 : i32 to vector<16xi32>
    %add3A_74 = arith.addi %iota3A, %add3A_73 : vector<16xi32>
    %swap3A_75 = arith.constant 0 : i32
    %swap3A_76 = arith.index_cast %swap3A_75 : i32 to index
    %swap3A_77 = arith.constant 10128 : index
    %swap3A_78 = tpu.vector_load %arg5[%swap3A_76, %swap3A_77] {strides = array<i32>} : memref<2x10240xi32, #tpu.memory_space<vmem>>, vector<16xi32>,
    tpu.vector_store %arg5[%swap3A_76, %swap3A_77], %add3A_74 {strides = array<i32>} : memref<2x10240xi32, #tpu.memory_space<vmem>>, vector<16xi32>,
    %add3A_79 = arith.constant 10144 : i32
    %add3A_80 = vector.broadcast %add3A_79 : i32 to vector<16xi32>
    %add3A_81 = arith.addi %iota3A, %add3A_80 : vector<16xi32>
    %swap3A_82 = arith.constant 0 : i32
    %swap3A_83 = arith.index_cast %swap3A_82 : i32 to index
    %swap3A_84 = arith.constant 10144 : index
    %swap3A_85 = tpu.vector_load %arg5[%swap3A_83, %swap3A_84] {strides = array<i32>} : memref<2x10240xi32, #tpu.memory_space<vmem>>, vector<16xi32>,
    tpu.vector_store %arg5[%swap3A_83, %swap3A_84], %add3A_81 {strides = array<i32>} : memref<2x10240xi32, #tpu.memory_space<vmem>>, vector<16xi32>,
    %add3A_86 = arith.constant 10160 : i32
    %add3A_87 = vector.broadcast %add3A_86 : i32 to vector<16xi32>
    %add3A_88 = arith.addi %iota3A, %add3A_87 : vector<16xi32>
    %swap3A_89 = arith.constant 0 : i32
    %swap3A_90 = arith.index_cast %swap3A_89 : i32 to index
    %swap3A_91 = arith.constant 10160 : index
    %swap3A_92 = tpu.vector_load %arg5[%swap3A_90, %swap3A_91] {strides = array<i32>} : memref<2x10240xi32, #tpu.memory_space<vmem>>, vector<16xi32>,
    tpu.vector_store %arg5[%swap3A_90, %swap3A_91], %add3A_88 {strides = array<i32>} : memref<2x10240xi32, #tpu.memory_space<vmem>>, vector<16xi32>,
    %add3A_93 = arith.constant 10176 : i32
    %add3A_94 = vector.broadcast %add3A_93 : i32 to vector<16xi32>
    %add3A_95 = arith.addi %iota3A, %add3A_94 : vector<16xi32>
    %swap3A_96 = arith.constant 0 : i32
    %swap3A_97 = arith.index_cast %swap3A_96 : i32 to index
    %swap3A_98 = arith.constant 10176 : index
    %swap3A_99 = tpu.vector_load %arg5[%swap3A_97, %swap3A_98] {strides = array<i32>} : memref<2x10240xi32, #tpu.memory_space<vmem>>, vector<16xi32>,
    tpu.vector_store %arg5[%swap3A_97, %swap3A_98], %add3A_95 {strides = array<i32>} : memref<2x10240xi32, #tpu.memory_space<vmem>>, vector<16xi32>,
    %add3A_100 = arith.constant 10192 : i32
    %add3A_101 = vector.broadcast %add3A_100 : i32 to vector<16xi32>
    %add3A_102 = arith.addi %iota3A, %add3A_101 : vector<16xi32>
    %swap3A_103 = arith.constant 0 : i32
    %swap3A_104 = arith.index_cast %swap3A_103 : i32 to index
    %swap3A_105 = arith.constant 10192 : index
    %swap3A_106 = tpu.vector_load %arg5[%swap3A_104, %swap3A_105] {strides = array<i32>} : memref<2x10240xi32, #tpu.memory_space<vmem>>, vector<16xi32>,
    tpu.vector_store %arg5[%swap3A_104, %swap3A_105], %add3A_102 {strides = array<i32>} : memref<2x10240xi32, #tpu.memory_space<vmem>>, vector<16xi32>,
    %add3A_107 = arith.constant 10208 : i32
    %add3A_108 = vector.broadcast %add3A_107 : i32 to vector<16xi32>
    %add3A_109 = arith.addi %iota3A, %add3A_108 : vector<16xi32>
    %swap3A_110 = arith.constant 0 : i32
    %swap3A_111 = arith.index_cast %swap3A_110 : i32 to index
    %swap3A_112 = arith.constant 10208 : index
    %swap3A_113 = tpu.vector_load %arg5[%swap3A_111, %swap3A_112] {strides = array<i32>} : memref<2x10240xi32, #tpu.memory_space<vmem>>, vector<16xi32>,
    tpu.vector_store %arg5[%swap3A_111, %swap3A_112], %add3A_109 {strides = array<i32>} : memref<2x10240xi32, #tpu.memory_space<vmem>>, vector<16xi32>,
    %add3A_114 = arith.constant 10224 : i32
    %add3A_115 = vector.broadcast %add3A_114 : i32 to vector<16xi32>
    %add3A_116 = arith.addi %iota3A, %add3A_115 : vector<16xi32>
    %swap3A_117 = arith.constant 0 : i32
    %swap3A_118 = arith.index_cast %swap3A_117 : i32 to index
    %swap3A_119 = arith.constant 10224 : index
    %swap3A_120 = tpu.vector_load %arg5[%swap3A_118, %swap3A_119] {strides = array<i32>} : memref<2x10240xi32, #tpu.memory_space<vmem>>, vector<16xi32>,
    tpu.vector_store %arg5[%swap3A_118, %swap3A_119], %add3A_116 {strides = array<i32>} : memref<2x10240xi32, #tpu.memory_space<vmem>>, vector<16xi32>,
    %add3A_121 = arith.constant 10000 : i32
    %add3A_122 = vector.broadcast %add3A_121 : i32 to vector<16xi32>
    %add3A_123 = arith.addi %iota3A, %add3A_122 : vector<16xi32>
    %swap3A_124 = arith.constant 1 : i32
    %swap3A_125 = arith.index_cast %swap3A_124 : i32 to index
    %swap3A_126 = arith.constant 10000 : index
    %swap3A_127 = tpu.vector_load %arg5[%swap3A_125, %swap3A_126] {strides = array<i32>} : memref<2x10240xi32, #tpu.memory_space<vmem>>, vector<16xi32>,
    tpu.vector_store %arg5[%swap3A_125, %swap3A_126], %add3A_123 {strides = array<i32>} : memref<2x10240xi32, #tpu.memory_space<vmem>>, vector<16xi32>,
    %add3A_128 = arith.constant 10016 : i32
    %add3A_129 = vector.broadcast %add3A_128 : i32 to vector<16xi32>
    %add3A_130 = arith.addi %iota3A, %add3A_129 : vector<16xi32>
    %swap3A_131 = arith.constant 1 : i32
    %swap3A_132 = arith.index_cast %swap3A_131 : i32 to index
    %swap3A_133 = arith.constant 10016 : index
    %swap3A_134 = tpu.vector_load %arg5[%swap3A_132, %swap3A_133] {strides = array<i32>} : memref<2x10240xi32, #tpu.memory_space<vmem>>, vector<16xi32>,
    tpu.vector_store %arg5[%swap3A_132, %swap3A_133], %add3A_130 {strides = array<i32>} : memref<2x10240xi32, #tpu.memory_space<vmem>>, vector<16xi32>,
    %add3A_135 = arith.constant 10032 : i32
    %add3A_136 = vector.broadcast %add3A_135 : i32 to vector<16xi32>
    %add3A_137 = arith.addi %iota3A, %add3A_136 : vector<16xi32>
    %swap3A_138 = arith.constant 1 : i32
    %swap3A_139 = arith.index_cast %swap3A_138 : i32 to index
    %swap3A_140 = arith.constant 10032 : index
    %swap3A_141 = tpu.vector_load %arg5[%swap3A_139, %swap3A_140] {strides = array<i32>} : memref<2x10240xi32, #tpu.memory_space<vmem>>, vector<16xi32>,
    tpu.vector_store %arg5[%swap3A_139, %swap3A_140], %add3A_137 {strides = array<i32>} : memref<2x10240xi32, #tpu.memory_space<vmem>>, vector<16xi32>,
    %add3A_142 = arith.constant 10048 : i32
    %add3A_143 = vector.broadcast %add3A_142 : i32 to vector<16xi32>
    %add3A_144 = arith.addi %iota3A, %add3A_143 : vector<16xi32>
    %swap3A_145 = arith.constant 1 : i32
    %swap3A_146 = arith.index_cast %swap3A_145 : i32 to index
    %swap3A_147 = arith.constant 10048 : index
    %swap3A_148 = tpu.vector_load %arg5[%swap3A_146, %swap3A_147] {strides = array<i32>} : memref<2x10240xi32, #tpu.memory_space<vmem>>, vector<16xi32>,
    tpu.vector_store %arg5[%swap3A_146, %swap3A_147], %add3A_144 {strides = array<i32>} : memref<2x10240xi32, #tpu.memory_space<vmem>>, vector<16xi32>,
    %add3A_149 = arith.constant 10064 : i32
    %add3A_150 = vector.broadcast %add3A_149 : i32 to vector<16xi32>
    %add3A_151 = arith.addi %iota3A, %add3A_150 : vector<16xi32>
    %swap3A_152 = arith.constant 1 : i32
    %swap3A_153 = arith.index_cast %swap3A_152 : i32 to index
    %swap3A_154 = arith.constant 10064 : index
    %swap3A_155 = tpu.vector_load %arg5[%swap3A_153, %swap3A_154] {strides = array<i32>} : memref<2x10240xi32, #tpu.memory_space<vmem>>, vector<16xi32>,
    tpu.vector_store %arg5[%swap3A_153, %swap3A_154], %add3A_151 {strides = array<i32>} : memref<2x10240xi32, #tpu.memory_space<vmem>>, vector<16xi32>,
    %add3A_156 = arith.constant 10080 : i32
    %add3A_157 = vector.broadcast %add3A_156 : i32 to vector<16xi32>
    %add3A_158 = arith.addi %iota3A, %add3A_157 : vector<16xi32>
    %swap3A_159 = arith.constant 1 : i32
    %swap3A_160 = arith.index_cast %swap3A_159 : i32 to index
    %swap3A_161 = arith.constant 10080 : index
    %swap3A_162 = tpu.vector_load %arg5[%swap3A_160, %swap3A_161] {strides = array<i32>} : memref<2x10240xi32, #tpu.memory_space<vmem>>, vector<16xi32>,
    tpu.vector_store %arg5[%swap3A_160, %swap3A_161], %add3A_158 {strides = array<i32>} : memref<2x10240xi32, #tpu.memory_space<vmem>>, vector<16xi32>,
    %add3A_163 = arith.constant 10096 : i32
    %add3A_164 = vector.broadcast %add3A_163 : i32 to vector<16xi32>
    %add3A_165 = arith.addi %iota3A, %add3A_164 : vector<16xi32>
    %swap3A_166 = arith.constant 1 : i32
    %swap3A_167 = arith.index_cast %swap3A_166 : i32 to index
    %swap3A_168 = arith.constant 10096 : index
    %swap3A_169 = tpu.vector_load %arg5[%swap3A_167, %swap3A_168] {strides = array<i32>} : memref<2x10240xi32, #tpu.memory_space<vmem>>, vector<16xi32>,
    tpu.vector_store %arg5[%swap3A_167, %swap3A_168], %add3A_165 {strides = array<i32>} : memref<2x10240xi32, #tpu.memory_space<vmem>>, vector<16xi32>,
    %add3A_170 = arith.constant 10112 : i32
    %add3A_171 = vector.broadcast %add3A_170 : i32 to vector<16xi32>
    %add3A_172 = arith.addi %iota3A, %add3A_171 : vector<16xi32>
    %swap3A_173 = arith.constant 1 : i32
    %swap3A_174 = arith.index_cast %swap3A_173 : i32 to index
    %swap3A_175 = arith.constant 10112 : index
    %swap3A_176 = tpu.vector_load %arg5[%swap3A_174, %swap3A_175] {strides = array<i32>} : memref<2x10240xi32, #tpu.memory_space<vmem>>, vector<16xi32>,
    tpu.vector_store %arg5[%swap3A_174, %swap3A_175], %add3A_172 {strides = array<i32>} : memref<2x10240xi32, #tpu.memory_space<vmem>>, vector<16xi32>,
    %add3A_177 = arith.constant 10128 : i32
    %add3A_178 = vector.broadcast %add3A_177 : i32 to vector<16xi32>
    %add3A_179 = arith.addi %iota3A, %add3A_178 : vector<16xi32>
    %swap3A_180 = arith.constant 1 : i32
    %swap3A_181 = arith.index_cast %swap3A_180 : i32 to index
    %swap3A_182 = arith.constant 10128 : index
    %swap3A_183 = tpu.vector_load %arg5[%swap3A_181, %swap3A_182] {strides = array<i32>} : memref<2x10240xi32, #tpu.memory_space<vmem>>, vector<16xi32>,
    tpu.vector_store %arg5[%swap3A_181, %swap3A_182], %add3A_179 {strides = array<i32>} : memref<2x10240xi32, #tpu.memory_space<vmem>>, vector<16xi32>,
    %add3A_184 = arith.constant 10144 : i32
    %add3A_185 = vector.broadcast %add3A_184 : i32 to vector<16xi32>
    %add3A_186 = arith.addi %iota3A, %add3A_185 : vector<16xi32>
    %swap3A_187 = arith.constant 1 : i32
    %swap3A_188 = arith.index_cast %swap3A_187 : i32 to index
    %swap3A_189 = arith.constant 10144 : index
    %swap3A_190 = tpu.vector_load %arg5[%swap3A_188, %swap3A_189] {strides = array<i32>} : memref<2x10240xi32, #tpu.memory_space<vmem>>, vector<16xi32>,
    tpu.vector_store %arg5[%swap3A_188, %swap3A_189], %add3A_186 {strides = array<i32>} : memref<2x10240xi32, #tpu.memory_space<vmem>>, vector<16xi32>,
    %add3A_191 = arith.constant 10160 : i32
    %add3A_192 = vector.broadcast %add3A_191 : i32 to vector<16xi32>
    %add3A_193 = arith.addi %iota3A, %add3A_192 : vector<16xi32>
    %swap3A_194 = arith.constant 1 : i32
    %swap3A_195 = arith.index_cast %swap3A_194 : i32 to index
    %swap3A_196 = arith.constant 10160 : index
    %swap3A_197 = tpu.vector_load %arg5[%swap3A_195, %swap3A_196] {strides = array<i32>} : memref<2x10240xi32, #tpu.memory_space<vmem>>, vector<16xi32>,
    tpu.vector_store %arg5[%swap3A_195, %swap3A_196], %add3A_193 {strides = array<i32>} : memref<2x10240xi32, #tpu.memory_space<vmem>>, vector<16xi32>,
    %add3A_198 = arith.constant 10176 : i32
    %add3A_199 = vector.broadcast %add3A_198 : i32 to vector<16xi32>
    %add3A_200 = arith.addi %iota3A, %add3A_199 : vector<16xi32>
    %swap3A_201 = arith.constant 1 : i32
    %swap3A_202 = arith.index_cast %swap3A_201 : i32 to index
    %swap3A_203 = arith.constant 10176 : index
    %swap3A_204 = tpu.vector_load %arg5[%swap3A_202, %swap3A_203] {strides = array<i32>} : memref<2x10240xi32, #tpu.memory_space<vmem>>, vector<16xi32>,
    tpu.vector_store %arg5[%swap3A_202, %swap3A_203], %add3A_200 {strides = array<i32>} : memref<2x10240xi32, #tpu.memory_space<vmem>>, vector<16xi32>,
    %add3A_205 = arith.constant 10192 : i32
    %add3A_206 = vector.broadcast %add3A_205 : i32 to vector<16xi32>
    %add3A_207 = arith.addi %iota3A, %add3A_206 : vector<16xi32>
    %swap3A_208 = arith.constant 1 : i32
    %swap3A_209 = arith.index_cast %swap3A_208 : i32 to index
    %swap3A_210 = arith.constant 10192 : index
    %swap3A_211 = tpu.vector_load %arg5[%swap3A_209, %swap3A_210] {strides = array<i32>} : memref<2x10240xi32, #tpu.memory_space<vmem>>, vector<16xi32>,
    tpu.vector_store %arg5[%swap3A_209, %swap3A_210], %add3A_207 {strides = array<i32>} : memref<2x10240xi32, #tpu.memory_space<vmem>>, vector<16xi32>,
    %add3A_212 = arith.constant 10208 : i32
    %add3A_213 = vector.broadcast %add3A_212 : i32 to vector<16xi32>
    %add3A_214 = arith.addi %iota3A, %add3A_213 : vector<16xi32>
    %swap3A_215 = arith.constant 1 : i32
    %swap3A_216 = arith.index_cast %swap3A_215 : i32 to index
    %swap3A_217 = arith.constant 10208 : index
    %swap3A_218 = tpu.vector_load %arg5[%swap3A_216, %swap3A_217] {strides = array<i32>} : memref<2x10240xi32, #tpu.memory_space<vmem>>, vector<16xi32>,
    tpu.vector_store %arg5[%swap3A_216, %swap3A_217], %add3A_214 {strides = array<i32>} : memref<2x10240xi32, #tpu.memory_space<vmem>>, vector<16xi32>,
    %add3A_219 = arith.constant 10224 : i32
    %add3A_220 = vector.broadcast %add3A_219 : i32 to vector<16xi32>
    %add3A_221 = arith.addi %iota3A, %add3A_220 : vector<16xi32>
    %swap3A_222 = arith.constant 1 : i32
    %swap3A_223 = arith.index_cast %swap3A_222 : i32 to index
    %swap3A_224 = arith.constant 10224 : index
    %swap3A_225 = tpu.vector_load %arg5[%swap3A_223, %swap3A_224] {strides = array<i32>} : memref<2x10240xi32, #tpu.memory_space<vmem>>, vector<16xi32>,
    tpu.vector_store %arg5[%swap3A_223, %swap3A_224], %add3A_221 {strides = array<i32>} : memref<2x10240xi32, #tpu.memory_space<vmem>>, vector<16xi32>,
    %iota3A_226 = tpu.iota {dimensions = array<i32: 0>} : vector<16xi32>
    %add3A_227 = arith.constant 10000 : i32
    %add3A_228 = vector.broadcast %add3A_227 : i32 to vector<16xi32>
    %add3A_229 = arith.addi %iota3A_226, %add3A_228 : vector<16xi32>
    %swap3A_230 = arith.constant 10000 : index
    %swap3A_231 = tpu.vector_load %arg6[%swap3A_230] {strides = array<i32>} : memref<10240xi32, #tpu.memory_space<vmem>>, vector<16xi32>,
    tpu.vector_store %arg6[%swap3A_230], %add3A_229 {strides = array<i32>} : memref<10240xi32, #tpu.memory_space<vmem>>, vector<16xi32>,
    %add3A_232 = arith.constant 10016 : i32
    %add3A_233 = vector.broadcast %add3A_232 : i32 to vector<16xi32>
    %add3A_234 = arith.addi %iota3A_226, %add3A_233 : vector<16xi32>
    %swap3A_235 = arith.constant 10016 : index
    %swap3A_236 = tpu.vector_load %arg6[%swap3A_235] {strides = array<i32>} : memref<10240xi32, #tpu.memory_space<vmem>>, vector<16xi32>,
    tpu.vector_store %arg6[%swap3A_235], %add3A_234 {strides = array<i32>} : memref<10240xi32, #tpu.memory_space<vmem>>, vector<16xi32>,
    %add3A_237 = arith.constant 10032 : i32
    %add3A_238 = vector.broadcast %add3A_237 : i32 to vector<16xi32>
    %add3A_239 = arith.addi %iota3A_226, %add3A_238 : vector<16xi32>
    %swap3A_240 = arith.constant 10032 : index
    %swap3A_241 = tpu.vector_load %arg6[%swap3A_240] {strides = array<i32>} : memref<10240xi32, #tpu.memory_space<vmem>>, vector<16xi32>,
    tpu.vector_store %arg6[%swap3A_240], %add3A_239 {strides = array<i32>} : memref<10240xi32, #tpu.memory_space<vmem>>, vector<16xi32>,
    %add3A_242 = arith.constant 10048 : i32
    %add3A_243 = vector.broadcast %add3A_242 : i32 to vector<16xi32>
    %add3A_244 = arith.addi %iota3A_226, %add3A_243 : vector<16xi32>
    %swap3A_245 = arith.constant 10048 : index
    %swap3A_246 = tpu.vector_load %arg6[%swap3A_245] {strides = array<i32>} : memref<10240xi32, #tpu.memory_space<vmem>>, vector<16xi32>,
    tpu.vector_store %arg6[%swap3A_245], %add3A_244 {strides = array<i32>} : memref<10240xi32, #tpu.memory_space<vmem>>, vector<16xi32>,
    %add3A_247 = arith.constant 10064 : i32
    %add3A_248 = vector.broadcast %add3A_247 : i32 to vector<16xi32>
    %add3A_249 = arith.addi %iota3A_226, %add3A_248 : vector<16xi32>
    %swap3A_250 = arith.constant 10064 : index
    %swap3A_251 = tpu.vector_load %arg6[%swap3A_250] {strides = array<i32>} : memref<10240xi32, #tpu.memory_space<vmem>>, vector<16xi32>,
    tpu.vector_store %arg6[%swap3A_250], %add3A_249 {strides = array<i32>} : memref<10240xi32, #tpu.memory_space<vmem>>, vector<16xi32>,
    %add3A_252 = arith.constant 10080 : i32
    %add3A_253 = vector.broadcast %add3A_252 : i32 to vector<16xi32>
    %add3A_254 = arith.addi %iota3A_226, %add3A_253 : vector<16xi32>
    %swap3A_255 = arith.constant 10080 : index
    %swap3A_256 = tpu.vector_load %arg6[%swap3A_255] {strides = array<i32>} : memref<10240xi32, #tpu.memory_space<vmem>>, vector<16xi32>,
    tpu.vector_store %arg6[%swap3A_255], %add3A_254 {strides = array<i32>} : memref<10240xi32, #tpu.memory_space<vmem>>, vector<16xi32>,
    %add3A_257 = arith.constant 10096 : i32
    %add3A_258 = vector.broadcast %add3A_257 : i32 to vector<16xi32>
    %add3A_259 = arith.addi %iota3A_226, %add3A_258 : vector<16xi32>
    %swap3A_260 = arith.constant 10096 : index
    %swap3A_261 = tpu.vector_load %arg6[%swap3A_260] {strides = array<i32>} : memref<10240xi32, #tpu.memory_space<vmem>>, vector<16xi32>,
    tpu.vector_store %arg6[%swap3A_260], %add3A_259 {strides = array<i32>} : memref<10240xi32, #tpu.memory_space<vmem>>, vector<16xi32>,
    %add3A_262 = arith.constant 10112 : i32
    %add3A_263 = vector.broadcast %add3A_262 : i32 to vector<16xi32>
    %add3A_264 = arith.addi %iota3A_226, %add3A_263 : vector<16xi32>
    %swap3A_265 = arith.constant 10112 : index
    %swap3A_266 = tpu.vector_load %arg6[%swap3A_265] {strides = array<i32>} : memref<10240xi32, #tpu.memory_space<vmem>>, vector<16xi32>,
    tpu.vector_store %arg6[%swap3A_265], %add3A_264 {strides = array<i32>} : memref<10240xi32, #tpu.memory_space<vmem>>, vector<16xi32>,
    %add3A_267 = arith.constant 10128 : i32
    %add3A_268 = vector.broadcast %add3A_267 : i32 to vector<16xi32>
    %add3A_269 = arith.addi %iota3A_226, %add3A_268 : vector<16xi32>
    %swap3A_270 = arith.constant 10128 : index
    %swap3A_271 = tpu.vector_load %arg6[%swap3A_270] {strides = array<i32>} : memref<10240xi32, #tpu.memory_space<vmem>>, vector<16xi32>,
    tpu.vector_store %arg6[%swap3A_270], %add3A_269 {strides = array<i32>} : memref<10240xi32, #tpu.memory_space<vmem>>, vector<16xi32>,
    %add3A_272 = arith.constant 10144 : i32
    %add3A_273 = vector.broadcast %add3A_272 : i32 to vector<16xi32>
    %add3A_274 = arith.addi %iota3A_226, %add3A_273 : vector<16xi32>
    %swap3A_275 = arith.constant 10144 : index
    %swap3A_276 = tpu.vector_load %arg6[%swap3A_275] {strides = array<i32>} : memref<10240xi32, #tpu.memory_space<vmem>>, vector<16xi32>,
    tpu.vector_store %arg6[%swap3A_275], %add3A_274 {strides = array<i32>} : memref<10240xi32, #tpu.memory_space<vmem>>, vector<16xi32>,
    %add3A_277 = arith.constant 10160 : i32
    %add3A_278 = vector.broadcast %add3A_277 : i32 to vector<16xi32>
    %add3A_279 = arith.addi %iota3A_226, %add3A_278 : vector<16xi32>
    %swap3A_280 = arith.constant 10160 : index
    %swap3A_281 = tpu.vector_load %arg6[%swap3A_280] {strides = array<i32>} : memref<10240xi32, #tpu.memory_space<vmem>>, vector<16xi32>,
    tpu.vector_store %arg6[%swap3A_280], %add3A_279 {strides = array<i32>} : memref<10240xi32, #tpu.memory_space<vmem>>, vector<16xi32>,
    %add3A_282 = arith.constant 10176 : i32
    %add3A_283 = vector.broadcast %add3A_282 : i32 to vector<16xi32>
    %add3A_284 = arith.addi %iota3A_226, %add3A_283 : vector<16xi32>
    %swap3A_285 = arith.constant 10176 : index
    %swap3A_286 = tpu.vector_load %arg6[%swap3A_285] {strides = array<i32>} : memref<10240xi32, #tpu.memory_space<vmem>>, vector<16xi32>,
    tpu.vector_store %arg6[%swap3A_285], %add3A_284 {strides = array<i32>} : memref<10240xi32, #tpu.memory_space<vmem>>, vector<16xi32>,
    %add3A_287 = arith.constant 10192 : i32
    %add3A_288 = vector.broadcast %add3A_287 : i32 to vector<16xi32>
    %add3A_289 = arith.addi %iota3A_226, %add3A_288 : vector<16xi32>
    %swap3A_290 = arith.constant 10192 : index
    %swap3A_291 = tpu.vector_load %arg6[%swap3A_290] {strides = array<i32>} : memref<10240xi32, #tpu.memory_space<vmem>>, vector<16xi32>,
    tpu.vector_store %arg6[%swap3A_290], %add3A_289 {strides = array<i32>} : memref<10240xi32, #tpu.memory_space<vmem>>, vector<16xi32>,
    %add3A_292 = arith.constant 10208 : i32
    %add3A_293 = vector.broadcast %add3A_292 : i32 to vector<16xi32>
    %add3A_294 = arith.addi %iota3A_226, %add3A_293 : vector<16xi32>
    %swap3A_295 = arith.constant 10208 : index
    %swap3A_296 = tpu.vector_load %arg6[%swap3A_295] {strides = array<i32>} : memref<10240xi32, #tpu.memory_space<vmem>>, vector<16xi32>,
    tpu.vector_store %arg6[%swap3A_295], %add3A_294 {strides = array<i32>} : memref<10240xi32, #tpu.memory_space<vmem>>, vector<16xi32>,
    %add3A_297 = arith.constant 10224 : i32
    %add3A_298 = vector.broadcast %add3A_297 : i32 to vector<16xi32>
    %add3A_299 = arith.addi %iota3A_226, %add3A_298 : vector<16xi32>
    %swap3A_300 = arith.constant 10224 : index
    %swap3A_301 = tpu.vector_load %arg6[%swap3A_300] {strides = array<i32>} : memref<10240xi32, #tpu.memory_space<vmem>>, vector<16xi32>,
    tpu.vector_store %arg6[%swap3A_300], %add3A_299 {strides = array<i32>} : memref<10240xi32, #tpu.memory_space<vmem>>, vector<16xi32>,
    %broadcast_in_dim3A = arith.constant 0.000000e+00 : f32
    %broadcast_in_dim3A_302 = vector.broadcast %broadcast_in_dim3A : f32 to vector<16xf32>
    %scan3A = arith.constant 0 : i32
    %scan3A_303 = arith.constant 0 : i32
    %scan3A_304 = arith.constant 128 : i32
    %scan3A_305 = arith.addi %scan3A_303, %scan3A_304 : i32
    %scan3A_306 = arith.constant 1 : i32
    %scan3A_307 = scf.for %scan3A_425 = %scan3A_303 to %scan3A_305 step %scan3A_306 iter_args(%scan3A_426 = %scan3A) -> (i32)  : i32 {
      %jit3A = arith.constant 1 : i32
      %div3A = arith.divsi %scan3A_425, %jit3A : i32
      %sign3A = arith.constant 0 : i32
      %sign3A_427 = arith.cmpi sgt, %scan3A_425, %sign3A : i32
      %sign3A_428 = arith.extui %sign3A_427 : i1 to i32
      %sign3A_429 = arith.constant 0 : i32
      %sign3A_430 = arith.cmpi slt, %scan3A_425, %sign3A_429 : i32
      %sign3A_431 = arith.extui %sign3A_430 : i1 to i32
      %sign3A_432 = arith.subi %sign3A_428, %sign3A_431 : i32
      %sign3A_433 = arith.constant 0 : i32
      %sign3A_434 = arith.cmpi sgt, %jit3A, %sign3A_433 : i32
      %sign3A_435 = arith.extui %sign3A_434 : i1 to i32
      %sign3A_436 = arith.constant 0 : i32
      %sign3A_437 = arith.cmpi slt, %jit3A, %sign3A_436 : i32
      %sign3A_438 = arith.extui %sign3A_437 : i1 to i32
      %sign3A_439 = arith.subi %sign3A_435, %sign3A_438 : i32
      %ne3A = arith.cmpi ne, %sign3A_432, %sign3A_439 : i32
      %rem3A = arith.remsi %scan3A_425, %jit3A : i32
      %ne3A_440 = arith.constant 0 : i32
      %ne3A_441 = arith.cmpi ne, %rem3A, %ne3A_440 : i32
      %and3A = arith.andi %ne3A, %ne3A_441 : i1
      %sub3A = arith.constant 1 : i32
      %sub3A_442 = arith.subi %div3A, %sub3A : i32
      %select_n3A = arith.select %and3A, %sub3A_442, %div3A : i32
      %jit3A_443 = arith.constant 1 : i32
      %eq3A_444 = arith.constant 0 : i32
      %eq3A_445 = arith.cmpi eq, %jit3A_443, %eq3A_444 : i32
      %jit3A_446 = arith.constant 1 : i32
      %select_n3A_447 = arith.select %eq3A_445, %jit3A_446, %jit3A_443 : i32
      %rem3A_448 = arith.remsi %scan3A_425, %select_n3A_447 : i32
      %ne3A_449 = arith.constant 0 : i32
      %ne3A_450 = arith.cmpi ne, %rem3A_448, %ne3A_449 : i32
      %lt3A = arith.constant 0 : i32
      %lt3A_451 = arith.cmpi slt, %rem3A_448, %lt3A : i32
      %lt3A_452 = arith.constant 0 : i32
      %lt3A_453 = arith.cmpi slt, %select_n3A_447, %lt3A_452 : i32
      %ne3A_454 = arith.xori %lt3A_451, %lt3A_453 : i1
      %and3A_455 = arith.andi %ne3A_454, %ne3A_450 : i1
      %add3A_456 = arith.addi %rem3A_448, %select_n3A_447 : i32
      %select_n3A_457 = arith.select %and3A_455, %add3A_456, %rem3A_448 : i32
      %mul3A_458 = arith.constant 16 : i32
      %mul3A_459 = arith.muli %select_n3A_457, %mul3A_458 : i32
      %swap3A_460 = arith.index_cast %select_n3A : i32 to index
      %swap3A_461 = arith.index_cast %mul3A_459 : i32 to index
      %swap3A_462 = tpu.vector_load %arg12[%swap3A_460, %swap3A_461] {strides = array<i32>} : memref<128x16xf32, #tpu.memory_space<vmem>>, vector<16xf32>,
      tpu.vector_store %arg12[%swap3A_460, %swap3A_461], %broadcast_in_dim3A_302 {strides = array<i32>} : memref<128x16xf32, #tpu.memory_space<vmem>>, vector<16xf32>,
      %scan3A_463 = arith.constant 0 : i32
      scf.yield %scan3A_463 : i32
    }
    %scan3A_308 = arith.constant 128 : i32
    %broadcast_in_dim3A_309 = arith.constant 0.000000e+00 : f32
    %broadcast_in_dim3A_310 = vector.broadcast %broadcast_in_dim3A_309 : f32 to vector<16xf32>
    %scan3A_311 = arith.constant 0 : i32
    %scan3A_312 = arith.constant 0 : i32
    %scan3A_313 = arith.constant 640 : i32
    %scan3A_314 = arith.addi %scan3A_312, %scan3A_313 : i32
    %scan3A_315 = arith.constant 1 : i32
    %scan3A_316 = scf.for %scan3A_425 = %scan3A_312 to %scan3A_314 step %scan3A_315 iter_args(%scan3A_426 = %scan3A_311) -> (i32)  : i32 {
      %jit3A = arith.constant 1 : i32
      %div3A = arith.divsi %scan3A_425, %jit3A : i32
      %sign3A = arith.constant 0 : i32
      %sign3A_427 = arith.cmpi sgt, %scan3A_425, %sign3A : i32
      %sign3A_428 = arith.extui %sign3A_427 : i1 to i32
      %sign3A_429 = arith.constant 0 : i32
      %sign3A_430 = arith.cmpi slt, %scan3A_425, %sign3A_429 : i32
      %sign3A_431 = arith.extui %sign3A_430 : i1 to i32
      %sign3A_432 = arith.subi %sign3A_428, %sign3A_431 : i32
      %sign3A_433 = arith.constant 0 : i32
      %sign3A_434 = arith.cmpi sgt, %jit3A, %sign3A_433 : i32
      %sign3A_435 = arith.extui %sign3A_434 : i1 to i32
      %sign3A_436 = arith.constant 0 : i32
      %sign3A_437 = arith.cmpi slt, %jit3A, %sign3A_436 : i32
      %sign3A_438 = arith.extui %sign3A_437 : i1 to i32
      %sign3A_439 = arith.subi %sign3A_435, %sign3A_438 : i32
      %ne3A = arith.cmpi ne, %sign3A_432, %sign3A_439 : i32
      %rem3A = arith.remsi %scan3A_425, %jit3A : i32
      %ne3A_440 = arith.constant 0 : i32
      %ne3A_441 = arith.cmpi ne, %rem3A, %ne3A_440 : i32
      %and3A = arith.andi %ne3A, %ne3A_441 : i1
      %sub3A = arith.constant 1 : i32
      %sub3A_442 = arith.subi %div3A, %sub3A : i32
      %select_n3A = arith.select %and3A, %sub3A_442, %div3A : i32
      %jit3A_443 = arith.constant 1 : i32
      %eq3A_444 = arith.constant 0 : i32
      %eq3A_445 = arith.cmpi eq, %jit3A_443, %eq3A_444 : i32
      %jit3A_446 = arith.constant 1 : i32
      %select_n3A_447 = arith.select %eq3A_445, %jit3A_446, %jit3A_443 : i32
      %rem3A_448 = arith.remsi %scan3A_425, %select_n3A_447 : i32
      %ne3A_449 = arith.constant 0 : i32
      %ne3A_450 = arith.cmpi ne, %rem3A_448, %ne3A_449 : i32
      %lt3A = arith.constant 0 : i32
      %lt3A_451 = arith.cmpi slt, %rem3A_448, %lt3A : i32
      %lt3A_452 = arith.constant 0 : i32
      %lt3A_453 = arith.cmpi slt, %select_n3A_447, %lt3A_452 : i32
      %ne3A_454 = arith.xori %lt3A_451, %lt3A_453 : i1
      %and3A_455 = arith.andi %ne3A_454, %ne3A_450 : i1
      %add3A_456 = arith.addi %rem3A_448, %select_n3A_447 : i32
      %select_n3A_457 = arith.select %and3A_455, %add3A_456, %rem3A_448 : i32
      %mul3A_458 = arith.constant 16 : i32
      %mul3A_459 = arith.muli %select_n3A_457, %mul3A_458 : i32
      %swap3A_460 = arith.index_cast %select_n3A : i32 to index
      %swap3A_461 = arith.index_cast %mul3A_459 : i32 to index
      %swap3A_462 = tpu.vector_load %arg7[%swap3A_460, %swap3A_461] {strides = array<i32>} : memref<640x16xf32, #tpu.memory_space<vmem>>, vector<16xf32>,
      tpu.vector_store %arg7[%swap3A_460, %swap3A_461], %broadcast_in_dim3A_310 {strides = array<i32>} : memref<640x16xf32, #tpu.memory_space<vmem>>, vector<16xf32>,
      %scan3A_463 = arith.constant 0 : i32
      scf.yield %scan3A_463 : i32
    }
    %scan3A_317 = arith.constant 640 : i32
    %scan3A_318 = arith.constant 0 : i32
    %scan3A_319 = arith.constant 0 : i32
    %scan3A_320 = arith.constant 40 : i32
    %scan3A_321 = arith.addi %scan3A_319, %scan3A_320 : i32
    %scan3A_322 = arith.constant 1 : i32
    %scan3A_323 = scf.for %scan3A_425 = %scan3A_319 to %scan3A_321 step %scan3A_322 iter_args(%scan3A_426 = %scan3A_318) -> (i32)  : i32 {
      %mul3A_427 = arith.constant 16 : i32
      %mul3A_428 = arith.muli %scan3A_425, %mul3A_427 : i32
      %add3A_429 = vector.broadcast %mul3A_428 : i32 to vector<16xi32>
      %add3A_430 = arith.addi %iota3A, %add3A_429 : vector<16xi32>
      %jit3A = arith.constant 8 : i32
      %div3A = arith.divsi %scan3A_425, %jit3A : i32
      %sign3A = arith.constant 0 : i32
      %sign3A_431 = arith.cmpi sgt, %scan3A_425, %sign3A : i32
      %sign3A_432 = arith.extui %sign3A_431 : i1 to i32
      %sign3A_433 = arith.constant 0 : i32
      %sign3A_434 = arith.cmpi slt, %scan3A_425, %sign3A_433 : i32
      %sign3A_435 = arith.extui %sign3A_434 : i1 to i32
      %sign3A_436 = arith.subi %sign3A_432, %sign3A_435 : i32
      %sign3A_437 = arith.constant 0 : i32
      %sign3A_438 = arith.cmpi sgt, %jit3A, %sign3A_437 : i32
      %sign3A_439 = arith.extui %sign3A_438 : i1 to i32
      %sign3A_440 = arith.constant 0 : i32
      %sign3A_441 = arith.cmpi slt, %jit3A, %sign3A_440 : i32
      %sign3A_442 = arith.extui %sign3A_441 : i1 to i32
      %sign3A_443 = arith.subi %sign3A_439, %sign3A_442 : i32
      %ne3A = arith.cmpi ne, %sign3A_436, %sign3A_443 : i32
      %rem3A = arith.remsi %scan3A_425, %jit3A : i32
      %ne3A_444 = arith.constant 0 : i32
      %ne3A_445 = arith.cmpi ne, %rem3A, %ne3A_444 : i32
      %and3A = arith.andi %ne3A, %ne3A_445 : i1
      %sub3A = arith.constant 1 : i32
      %sub3A_446 = arith.subi %div3A, %sub3A : i32
      %select_n3A = arith.select %and3A, %sub3A_446, %div3A : i32
      %jit3A_447 = arith.constant 8 : i32
      %eq3A_448 = arith.constant 0 : i32
      %eq3A_449 = arith.cmpi eq, %jit3A_447, %eq3A_448 : i32
      %jit3A_450 = arith.constant 1 : i32
      %select_n3A_451 = arith.select %eq3A_449, %jit3A_450, %jit3A_447 : i32
      %rem3A_452 = arith.remsi %scan3A_425, %select_n3A_451 : i32
      %ne3A_453 = arith.constant 0 : i32
      %ne3A_454 = arith.cmpi ne, %rem3A_452, %ne3A_453 : i32
      %lt3A = arith.constant 0 : i32
      %lt3A_455 = arith.cmpi slt, %rem3A_452, %lt3A : i32
      %lt3A_456 = arith.constant 0 : i32
      %lt3A_457 = arith.cmpi slt, %select_n3A_451, %lt3A_456 : i32
      %ne3A_458 = arith.xori %lt3A_455, %lt3A_457 : i1
      %and3A_459 = arith.andi %ne3A_458, %ne3A_454 : i1
      %add3A_460 = arith.addi %rem3A_452, %select_n3A_451 : i32
      %select_n3A_461 = arith.select %and3A_459, %add3A_460, %rem3A_452 : i32
      %mul3A_462 = arith.constant 16 : i32
      %mul3A_463 = arith.muli %select_n3A_461, %mul3A_462 : i32
      %swap3A_464 = arith.index_cast %select_n3A : i32 to index
      %swap3A_465 = arith.index_cast %mul3A_463 : i32 to index
      %swap3A_466 = tpu.vector_load %arg13[%swap3A_464, %swap3A_465] {strides = array<i32>} : memref<5x128xi32, #tpu.memory_space<vmem>>, vector<16xi32>,
      tpu.vector_store %arg13[%swap3A_464, %swap3A_465], %add3A_430 {strides = array<i32>} : memref<5x128xi32, #tpu.memory_space<vmem>>, vector<16xi32>,
      %scan3A_467 = arith.constant 0 : i32
      scf.yield %scan3A_467 : i32
    }
    %scan3A_324 = arith.constant 40 : i32
    %mul3A_325 = arith.constant 40 : i32
    %mul3A_326 = arith.muli %arg1, %mul3A_325 : i32
    "tpu.region"() ({
      %run_scoped3A_425 = tpu.sem_alloc : memref<!tpu.dma_semaphore, #tpu.memory_space<semaphore_mem>>
      %dma_start3A_426 = arith.constant 0 : i32
      %dma_start3A_427 = arith.constant 0 : i32
      %dma_start3A_428 = tpu.memref_slice %arg12[%dma_start3A_426, %dma_start3A_427] : memref<128x16xf32, #tpu.memory_space<vmem>> -> memref<40x16xf32, #tpu.memory_space<vmem>>
      %dma_start3A_429 = arith.constant 0 : i32
      %dma_start3A_430 = tpu.memref_slice %arg14[%mul3A_326, %dma_start3A_429] : memref<640x16xf32, #tpu.memory_space<vmem_shared>> -> memref<40x16xf32, #tpu.memory_space<vmem_shared>>
      %dma_start3A_431 = arith.constant 0 : i32
      %dma_start3A_432 = tpu.memref_slice %arg14[%mul3A_326, %dma_start3A_431] : memref<640x16xf32, #tpu.memory_space<vmem_shared>> -> memref<40x16xf32, #tpu.memory_space<vmem_shared>>
      %dma_start3A_433 = arith.constant 0 : i32
      %dma_start3A_434 = arith.constant 0 : i32
      %dma_start3A_435 = tpu.memref_slice %arg12[%dma_start3A_433, %dma_start3A_434] : memref<128x16xf32, #tpu.memory_space<vmem>> -> memref<40x16xf32, #tpu.memory_space<vmem>>
      tpu.enqueue_dma source(%dma_start3A_435 : memref<40x16xf32, #tpu.memory_space<vmem>>) target(%dma_start3A_432 : memref<40x16xf32, #tpu.memory_space<vmem_shared>>) target_semaphore(%run_scoped3A_425 : memref<!tpu.dma_semaphore, #tpu.memory_space<semaphore_mem>>)
      %dma_wait3A_436 = arith.constant 0 : i32
      %dma_wait3A_437 = arith.constant 0 : i32
      %dma_wait3A_438 = tpu.memref_slice %arg12[%dma_wait3A_436, %dma_wait3A_437] : memref<128x16xf32, #tpu.memory_space<vmem>> -> memref<40x16xf32, #tpu.memory_space<vmem>>
      %dma_wait3A_439 = arith.constant 0 : i32
      %dma_wait3A_440 = tpu.memref_slice %arg14[%mul3A_326, %dma_wait3A_439] : memref<640x16xf32, #tpu.memory_space<vmem_shared>> -> memref<40x16xf32, #tpu.memory_space<vmem_shared>>
      %dma_wait3A_441 = arith.constant 0 : i32
      %dma_wait3A_442 = tpu.memref_slice %arg14[%mul3A_326, %dma_wait3A_441] : memref<640x16xf32, #tpu.memory_space<vmem_shared>> -> memref<40x16xf32, #tpu.memory_space<vmem_shared>>
      %dma_wait3A_443 = arith.constant 0 : i32
      %dma_wait3A_444 = arith.constant 0 : i32
      %dma_wait3A_445 = tpu.memref_slice %arg12[%dma_wait3A_443, %dma_wait3A_444] : memref<128x16xf32, #tpu.memory_space<vmem>> -> memref<40x16xf32, #tpu.memory_space<vmem>>
      tpu.wait_dma2 semaphore(%run_scoped3A_425 : memref<!tpu.dma_semaphore, #tpu.memory_space<semaphore_mem>>) src(%dma_wait3A_445 : memref<40x16xf32, #tpu.memory_space<vmem>>) dst(%dma_wait3A_442 : memref<40x16xf32, #tpu.memory_space<vmem_shared>>)
      tpu.yield
    }) : () -> ()
    %scan3A_327 = arith.constant 0 : i32
    %scan3A_328 = arith.constant 0 : i32
    %scan3A_329 = arith.constant 5 : i32
    %scan3A_330 = arith.addi %scan3A_328, %scan3A_329 : i32
    %scan3A_331 = arith.constant 1 : i32
    %scan3A_332 = scf.for %scan3A_425 = %scan3A_328 to %scan3A_330 step %scan3A_331 iter_args(%scan3A_426 = %scan3A_327) -> (i32)  : i32 {
      %mul3A_427 = arith.constant 128 : i32
      %mul3A_428 = arith.muli %scan3A_425, %mul3A_427 : i32
      %add3A_429 = arith.addi %mul3A_2, %mul3A_428 : i32
      "tpu.region"() ({
        %run_scoped3A_431 = tpu.sem_alloc : memref<!tpu.dma_semaphore, #tpu.memory_space<semaphore_mem>>
        %dma_start3A_432 = arith.constant 0 : i32
        %dma_start3A_433 = tpu.memref_slice %arg16[%add3A_429, %dma_start3A_432] : memref<10240x16xf32, #tpu.memory_space<vmem_shared>> -> memref<128x16xf32, #tpu.memory_space<vmem_shared>>
        %dma_start3A_434 = arith.constant 0 : i32
        %dma_start3A_435 = tpu.memref_slice %arg16[%add3A_429, %dma_start3A_434] : memref<10240x16xf32, #tpu.memory_space<vmem_shared>> -> memref<128x16xf32, #tpu.memory_space<vmem_shared>>
        tpu.enqueue_dma source(%arg12 : memref<128x16xf32, #tpu.memory_space<vmem>>) target(%dma_start3A_435 : memref<128x16xf32, #tpu.memory_space<vmem_shared>>) target_semaphore(%run_scoped3A_431 : memref<!tpu.dma_semaphore, #tpu.memory_space<semaphore_mem>>)
        %dma_wait3A_436 = arith.constant 0 : i32
        %dma_wait3A_437 = tpu.memref_slice %arg16[%add3A_429, %dma_wait3A_436] : memref<10240x16xf32, #tpu.memory_space<vmem_shared>> -> memref<128x16xf32, #tpu.memory_space<vmem_shared>>
        %dma_wait3A_438 = arith.constant 0 : i32
        %dma_wait3A_439 = tpu.memref_slice %arg16[%add3A_429, %dma_wait3A_438] : memref<10240x16xf32, #tpu.memory_space<vmem_shared>> -> memref<128x16xf32, #tpu.memory_space<vmem_shared>>
        tpu.wait_dma2 semaphore(%run_scoped3A_431 : memref<!tpu.dma_semaphore, #tpu.memory_space<semaphore_mem>>) src(%arg12 : memref<128x16xf32, #tpu.memory_space<vmem>>) dst(%dma_wait3A_439 : memref<128x16xf32, #tpu.memory_space<vmem_shared>>)
        tpu.yield
      }) : () -> ()
      %scan3A_430 = arith.constant 0 : i32
      scf.yield %scan3A_430 : i32
    }
    %scan3A_333 = arith.constant 5 : i32
    %broadcast_in_dim3A_334 = arith.constant 1.000000e+00 : f32
    %broadcast_in_dim3A_335 = vector.broadcast %broadcast_in_dim3A_334 : f32 to vector<16xf32>
    %scan3A_336 = arith.constant 0 : i32
    %scan3A_337 = arith.constant 0 : i32
    %scan3A_338 = arith.constant 640 : i32
    %scan3A_339 = arith.addi %scan3A_337, %scan3A_338 : i32
    %scan3A_340 = arith.constant 1 : i32
    %scan3A_341 = scf.for %scan3A_425 = %scan3A_337 to %scan3A_339 step %scan3A_340 iter_args(%scan3A_426 = %scan3A_336) -> (i32)  : i32 {
      %mul3A_427 = arith.constant 16 : i32
      %mul3A_428 = arith.muli %scan3A_425, %mul3A_427 : i32
      %get3A = arith.constant 0 : i32
      %get3A_429 = arith.index_cast %get3A : i32 to index
      %get3A_430 = arith.index_cast %mul3A_428 : i32 to index
      %get3A_431 = tpu.vector_load %arg5[%get3A_429, %get3A_430] {strides = array<i32>} : memref<2x10240xi32, #tpu.memory_space<vmem>>, vector<16xi32>,
      %shift_right_logical3A = arith.constant 4 : i32
      %shift_right_logical3A_432 = vector.broadcast %shift_right_logical3A : i32 to vector<16xi32>
      %shift_right_logical3A_433 = arith.shrui %get3A_431, %shift_right_logical3A_432 : vector<16xi32>
      %and3A = arith.constant 15 : i32
      %and3A_434 = vector.broadcast %and3A : i32 to vector<16xi32>
      %and3A_435 = arith.andi %get3A_431, %and3A_434 : vector<16xi32>
      tpu.vector_store_idx %arg7[%shift_right_logical3A_433, %and3A_435], %broadcast_in_dim3A_335 {add = true} : memref<640x16xf32, #tpu.memory_space<vmem>>[vector<16xi32>, vector<16xi32>], vector<16xf32>,
      %scan3A_436 = arith.constant 0 : i32
      scf.yield %scan3A_436 : i32
    }
    %scan3A_342 = arith.constant 640 : i32
    %scan3A_343 = arith.constant 0 : i32
    %scan3A_344 = arith.constant 0 : i32
    %scan3A_345 = arith.constant 640 : i32
    %scan3A_346 = arith.addi %scan3A_344, %scan3A_345 : i32
    %scan3A_347 = arith.constant 1 : i32
    %scan3A_348 = scf.for %scan3A_425 = %scan3A_344 to %scan3A_346 step %scan3A_347 iter_args(%scan3A_426 = %scan3A_343) -> (i32)  : i32 {
      %mul3A_427 = arith.constant 16 : i32
      %mul3A_428 = arith.muli %scan3A_425, %mul3A_427 : i32
      %get3A = arith.constant 1 : i32
      %get3A_429 = arith.index_cast %get3A : i32 to index
      %get3A_430 = arith.index_cast %mul3A_428 : i32 to index
      %get3A_431 = tpu.vector_load %arg5[%get3A_429, %get3A_430] {strides = array<i32>} : memref<2x10240xi32, #tpu.memory_space<vmem>>, vector<16xi32>,
      %shift_right_logical3A = arith.constant 4 : i32
      %shift_right_logical3A_432 = vector.broadcast %shift_right_logical3A : i32 to vector<16xi32>
      %shift_right_logical3A_433 = arith.shrui %get3A_431, %shift_right_logical3A_432 : vector<16xi32>
      %and3A = arith.constant 15 : i32
      %and3A_434 = vector.broadcast %and3A : i32 to vector<16xi32>
      %and3A_435 = arith.andi %get3A_431, %and3A_434 : vector<16xi32>
      tpu.vector_store_idx %arg7[%shift_right_logical3A_433, %and3A_435], %broadcast_in_dim3A_335 {add = true} : memref<640x16xf32, #tpu.memory_space<vmem>>[vector<16xi32>, vector<16xi32>], vector<16xf32>,
      %scan3A_436 = arith.constant 0 : i32
      scf.yield %scan3A_436 : i32
    }
    %scan3A_349 = arith.constant 640 : i32
    %barrier3A = arith.constant 0 : index
    tpu.barrier barrier_id(%barrier3A)
    %scan3A_350 = arith.constant 0 : i32
    %scan3A_351 = arith.constant 0 : i32
    %scan3A_352 = arith.constant 5 : i32
    %scan3A_353 = arith.addi %scan3A_351, %scan3A_352 : i32
    %scan3A_354 = arith.constant 1 : i32
    %scan3A_355 = scf.for %scan3A_425 = %scan3A_351 to %scan3A_353 step %scan3A_354 iter_args(%scan3A_426 = %scan3A_350) -> (i32)  : i32 {
      %mul3A_427 = arith.constant 128 : i32
      %mul3A_428 = arith.muli %scan3A_425, %mul3A_427 : i32
      "tpu.region"() ({
        %run_scoped3A_430 = tpu.sem_alloc : memref<!tpu.dma_semaphore, #tpu.memory_space<semaphore_mem>>
        %dma_start3A_431 = arith.constant 0 : i32
        %dma_start3A_432 = tpu.memref_slice %arg7[%mul3A_428, %dma_start3A_431] : memref<640x16xf32, #tpu.memory_space<vmem>> -> memref<128x16xf32, #tpu.memory_space<vmem>>
        %dma_start3A_433 = arith.constant 0 : i32
        %dma_start3A_434 = tpu.memref_slice %arg13[%scan3A_425, %dma_start3A_433] : memref<5x128xi32, #tpu.memory_space<vmem>> -> memref<1x128xi32, #tpu.memory_space<vmem>>
        %dma_start3A_435 = tpu.memref_squeeze %dma_start3A_434 : memref<1x128xi32, #tpu.memory_space<vmem>> -> memref<128xi32, #tpu.memory_space<vmem>>
        %dma_start3A_436 = arith.constant 0 : i32
        %dma_start3A_437 = arith.constant 0 : i32
        %dma_start3A_438 = tpu.memref_slice %arg14[%dma_start3A_436, %dma_start3A_437] : memref<640x16xf32, #tpu.memory_space<vmem_shared>> -> memref<640x16xf32, #tpu.memory_space<vmem_shared>>
        tpu.enqueue_indirect_dma source(%dma_start3A_432 : memref<128x16xf32, #tpu.memory_space<vmem>>) target(%dma_start3A_438 : memref<640x16xf32, #tpu.memory_space<vmem_shared>>) offsets(%dma_start3A_435 : memref<128xi32, #tpu.memory_space<vmem>>) semaphore(%run_scoped3A_430 : memref<!tpu.dma_semaphore, #tpu.memory_space<semaphore_mem>>) {add = true}
        %dma_wait3A_439 = arith.constant 0 : i32
        %dma_wait3A_440 = tpu.memref_slice %arg7[%mul3A_428, %dma_wait3A_439] : memref<640x16xf32, #tpu.memory_space<vmem>> -> memref<128x16xf32, #tpu.memory_space<vmem>>
        %dma_wait3A_441 = arith.constant 0 : i32
        %dma_wait3A_442 = tpu.memref_slice %arg13[%scan3A_425, %dma_wait3A_441] : memref<5x128xi32, #tpu.memory_space<vmem>> -> memref<1x128xi32, #tpu.memory_space<vmem>>
        %dma_wait3A_443 = tpu.memref_squeeze %dma_wait3A_442 : memref<1x128xi32, #tpu.memory_space<vmem>> -> memref<128xi32, #tpu.memory_space<vmem>>
        %dma_wait3A_444 = arith.constant 0 : i32
        %dma_wait3A_445 = arith.constant 0 : i32
        %dma_wait3A_446 = tpu.memref_slice %arg14[%dma_wait3A_444, %dma_wait3A_445] : memref<640x16xf32, #tpu.memory_space<vmem_shared>> -> memref<640x16xf32, #tpu.memory_space<vmem_shared>>
        tpu.wait_indirect_dma semaphore(%run_scoped3A_430 : memref<!tpu.dma_semaphore, #tpu.memory_space<semaphore_mem>>) src(%dma_wait3A_440 : memref<128x16xf32, #tpu.memory_space<vmem>>) dst(%dma_wait3A_446 : memref<640x16xf32, #tpu.memory_space<vmem_shared>>)
        tpu.yield
      }) : () -> ()
      %scan3A_429 = arith.constant 0 : i32
      scf.yield %scan3A_429 : i32
    }
    %scan3A_356 = arith.constant 5 : i32
    %barrier3A_357 = arith.constant 0 : index
    tpu.barrier barrier_id(%barrier3A_357)
    %mul3A_358 = arith.constant 40 : i32
    %mul3A_359 = arith.muli %arg1, %mul3A_358 : i32
    "tpu.region"() ({
      %run_scoped3A_425 = tpu.sem_alloc : memref<!tpu.dma_semaphore, #tpu.memory_space<semaphore_mem>>
      %dma_start3A_426 = arith.constant 0 : i32
      %dma_start3A_427 = arith.constant 0 : i32
      %dma_start3A_428 = tpu.memref_slice %arg7[%dma_start3A_426, %dma_start3A_427] : memref<640x16xf32, #tpu.memory_space<vmem>> -> memref<40x16xf32, #tpu.memory_space<vmem>>
      %dma_start3A_429 = arith.constant 0 : i32
      %dma_start3A_430 = tpu.memref_slice %arg14[%mul3A_359, %dma_start3A_429] : memref<640x16xf32, #tpu.memory_space<vmem_shared>> -> memref<40x16xf32, #tpu.memory_space<vmem_shared>>
      %dma_start3A_431 = arith.constant 0 : i32
      %dma_start3A_432 = arith.constant 0 : i32
      %dma_start3A_433 = tpu.memref_slice %arg7[%dma_start3A_431, %dma_start3A_432] : memref<640x16xf32, #tpu.memory_space<vmem>> -> memref<40x16xf32, #tpu.memory_space<vmem>>
      %dma_start3A_434 = arith.constant 0 : i32
      %dma_start3A_435 = tpu.memref_slice %arg14[%mul3A_359, %dma_start3A_434] : memref<640x16xf32, #tpu.memory_space<vmem_shared>> -> memref<40x16xf32, #tpu.memory_space<vmem_shared>>
      tpu.enqueue_dma source(%dma_start3A_435 : memref<40x16xf32, #tpu.memory_space<vmem_shared>>) target(%dma_start3A_433 : memref<40x16xf32, #tpu.memory_space<vmem>>) target_semaphore(%run_scoped3A_425 : memref<!tpu.dma_semaphore, #tpu.memory_space<semaphore_mem>>)
      %dma_wait3A_436 = arith.constant 0 : i32
      %dma_wait3A_437 = arith.constant 0 : i32
      %dma_wait3A_438 = tpu.memref_slice %arg7[%dma_wait3A_436, %dma_wait3A_437] : memref<640x16xf32, #tpu.memory_space<vmem>> -> memref<40x16xf32, #tpu.memory_space<vmem>>
      %dma_wait3A_439 = arith.constant 0 : i32
      %dma_wait3A_440 = tpu.memref_slice %arg14[%mul3A_359, %dma_wait3A_439] : memref<640x16xf32, #tpu.memory_space<vmem_shared>> -> memref<40x16xf32, #tpu.memory_space<vmem_shared>>
      %dma_wait3A_441 = arith.constant 0 : i32
      %dma_wait3A_442 = arith.constant 0 : i32
      %dma_wait3A_443 = tpu.memref_slice %arg7[%dma_wait3A_441, %dma_wait3A_442] : memref<640x16xf32, #tpu.memory_space<vmem>> -> memref<40x16xf32, #tpu.memory_space<vmem>>
      %dma_wait3A_444 = arith.constant 0 : i32
      %dma_wait3A_445 = tpu.memref_slice %arg14[%mul3A_359, %dma_wait3A_444] : memref<640x16xf32, #tpu.memory_space<vmem_shared>> -> memref<40x16xf32, #tpu.memory_space<vmem_shared>>
      tpu.wait_dma2 semaphore(%run_scoped3A_425 : memref<!tpu.dma_semaphore, #tpu.memory_space<semaphore_mem>>) src(%dma_wait3A_445 : memref<40x16xf32, #tpu.memory_space<vmem_shared>>) dst(%dma_wait3A_443 : memref<40x16xf32, #tpu.memory_space<vmem>>)
      tpu.yield
    }) : () -> ()
    %scan3A_360 = arith.constant 0 : i32
    %scan3A_361 = arith.constant 0 : i32
    %scan3A_362 = arith.constant 40 : i32
    %scan3A_363 = arith.addi %scan3A_361, %scan3A_362 : i32
    %scan3A_364 = arith.constant 1 : i32
    %scan3A_365 = scf.for %scan3A_425 = %scan3A_361 to %scan3A_363 step %scan3A_364 iter_args(%scan3A_426 = %scan3A_360) -> (i32)  : i32 {
      %get3A = arith.index_cast %scan3A_425 : i32 to index
      %get3A_427 = arith.constant 0 : index
      %get3A_428 = tpu.vector_load %arg7[%get3A, %get3A_427] {strides = array<i32>} : memref<640x16xf32, #tpu.memory_space<vmem>>, vector<16xf32>,
      %add3A_429 = arith.constant 1.000000e+00 : f32
      %add3A_430 = vector.broadcast %add3A_429 : f32 to vector<16xf32>
      %add3A_431 = arith.addf %get3A_428, %add3A_430 : vector<16xf32>
      %mul3A_432 = arith.constant 5.000000e-01 : f32
      %mul3A_433 = vector.broadcast %mul3A_432 : f32 to vector<16xf32>
      %mul3A_434 = arith.mulf %add3A_431, %mul3A_433 : vector<16xf32>
      %bitcast3A = vector.bitcast %add3A_431 : vector<16xf32> to vector<16xi32>
      %shift_right_logical3A = arith.constant 1 : i32
      %shift_right_logical3A_435 = vector.broadcast %shift_right_logical3A : i32 to vector<16xi32>
      %shift_right_logical3A_436 = arith.shrui %bitcast3A, %shift_right_logical3A_435 : vector<16xi32>
      %sub3A = arith.constant 1597463007 : i32
      %sub3A_437 = vector.broadcast %sub3A : i32 to vector<16xi32>
      %sub3A_438 = arith.subi %sub3A_437, %shift_right_logical3A_436 : vector<16xi32>
      %bitcast3A_439 = vector.bitcast %sub3A_438 : vector<16xi32> to vector<16xf32>
      %mul3A_440 = arith.mulf %mul3A_434, %bitcast3A_439 : vector<16xf32>
      %mul3A_441 = arith.mulf %mul3A_440, %bitcast3A_439 : vector<16xf32>
      %sub3A_442 = arith.constant 1.500000e+00 : f32
      %sub3A_443 = vector.broadcast %sub3A_442 : f32 to vector<16xf32>
      %sub3A_444 = arith.subf %sub3A_443, %mul3A_441 : vector<16xf32>
      %mul3A_445 = arith.mulf %bitcast3A_439, %sub3A_444 : vector<16xf32>
      %mul3A_446 = arith.mulf %mul3A_434, %mul3A_445 : vector<16xf32>
      %mul3A_447 = arith.mulf %mul3A_446, %mul3A_445 : vector<16xf32>
      %sub3A_448 = arith.constant 1.500000e+00 : f32
      %sub3A_449 = vector.broadcast %sub3A_448 : f32 to vector<16xf32>
      %sub3A_450 = arith.subf %sub3A_449, %mul3A_447 : vector<16xf32>
      %mul3A_451 = arith.mulf %mul3A_445, %sub3A_450 : vector<16xf32>
      %mul3A_452 = arith.mulf %mul3A_434, %mul3A_451 : vector<16xf32>
      %mul3A_453 = arith.mulf %mul3A_452, %mul3A_451 : vector<16xf32>
      %sub3A_454 = arith.constant 1.500000e+00 : f32
      %sub3A_455 = vector.broadcast %sub3A_454 : f32 to vector<16xf32>
      %sub3A_456 = arith.subf %sub3A_455, %mul3A_453 : vector<16xf32>
      %mul3A_457 = arith.mulf %mul3A_451, %sub3A_456 : vector<16xf32>
      %swap3A_458 = arith.index_cast %scan3A_425 : i32 to index
      %swap3A_459 = arith.constant 0 : index
      %swap3A_460 = tpu.vector_load %arg7[%swap3A_458, %swap3A_459] {strides = array<i32>} : memref<640x16xf32, #tpu.memory_space<vmem>>, vector<16xf32>,
      tpu.vector_store %arg7[%swap3A_458, %swap3A_459], %mul3A_457 {strides = array<i32>} : memref<640x16xf32, #tpu.memory_space<vmem>>, vector<16xf32>,
      %scan3A_461 = arith.constant 0 : i32
      scf.yield %scan3A_461 : i32
    }
    %scan3A_366 = arith.constant 40 : i32
    %scan3A_367 = arith.constant 0 : i32
    %scan3A_368 = arith.constant 0 : i32
    %scan3A_369 = arith.constant 640 : i32
    %scan3A_370 = arith.addi %scan3A_368, %scan3A_369 : i32
    %scan3A_371 = arith.constant 1 : i32
    %scan3A_372 = scf.for %scan3A_425 = %scan3A_368 to %scan3A_370 step %scan3A_371 iter_args(%scan3A_426 = %scan3A_367) -> (i32)  : i32 {
      %broadcast_in_dim3A_427 = arith.constant 0 : i32
      %broadcast_in_dim3A_428 = vector.broadcast %broadcast_in_dim3A_427 : i32 to vector<16xi32>
      %shift_right_logical3A = arith.constant 4 : i32
      %shift_right_logical3A_429 = arith.shrui %scan3A_425, %shift_right_logical3A : i32
      %add3A_430 = vector.broadcast %shift_right_logical3A_429 : i32 to vector<16xi32>
      %add3A_431 = arith.addi %broadcast_in_dim3A_428, %add3A_430 : vector<16xi32>
      %broadcast_in_dim3A_432 = arith.constant 0 : i32
      %broadcast_in_dim3A_433 = vector.broadcast %broadcast_in_dim3A_432 : i32 to vector<16xi32>
      %and3A = arith.constant 15 : i32
      %and3A_434 = arith.andi %scan3A_425, %and3A : i32
      %add3A_435 = vector.broadcast %and3A_434 : i32 to vector<16xi32>
      %add3A_436 = arith.addi %broadcast_in_dim3A_433, %add3A_435 : vector<16xi32>
      %gather3A = tpu.vector_load_idx %arg7[%add3A_431, %add3A_436] : memref<640x16xf32, #tpu.memory_space<vmem>>[vector<16xi32>, vector<16xi32>], vector<16xf32>,
      %swap3A_437 = arith.index_cast %scan3A_425 : i32 to index
      %swap3A_438 = arith.constant 0 : index
      %swap3A_439 = tpu.vector_load %arg10[%swap3A_437, %swap3A_438] {strides = array<i32>} : memref<640x16xf32, #tpu.memory_space<vmem>>, vector<16xf32>,
      tpu.vector_store %arg10[%swap3A_437, %swap3A_438], %gather3A {strides = array<i32>} : memref<640x16xf32, #tpu.memory_space<vmem>>, vector<16xf32>,
      %get3A = arith.index_cast %scan3A_425 : i32 to index
      %get3A_440 = arith.constant 0 : index
      %get3A_441 = tpu.vector_load %arg8[%get3A, %get3A_440] {strides = array<i32>} : memref<640x16xf32, #tpu.memory_space<vmem>>, vector<16xf32>,
      %mul3A_442 = arith.mulf %get3A_441, %gather3A : vector<16xf32>
      %swap3A_443 = arith.index_cast %scan3A_425 : i32 to index
      %swap3A_444 = arith.constant 0 : index
      %swap3A_445 = tpu.vector_load %arg9[%swap3A_443, %swap3A_444] {strides = array<i32>} : memref<640x16xf32, #tpu.memory_space<vmem>>, vector<16xf32>,
      tpu.vector_store %arg9[%swap3A_443, %swap3A_444], %mul3A_442 {strides = array<i32>} : memref<640x16xf32, #tpu.memory_space<vmem>>, vector<16xf32>,
      %scan3A_446 = arith.constant 0 : i32
      scf.yield %scan3A_446 : i32
    }
    %scan3A_373 = arith.constant 640 : i32
    "tpu.region"() ({
      %run_scoped3A_425 = tpu.sem_alloc : memref<!tpu.dma_semaphore, #tpu.memory_space<semaphore_mem>>
      %dma_start3A_426 = arith.constant 0 : i32
      %dma_start3A_427 = tpu.memref_slice %arg15[%mul3A_2, %dma_start3A_426] : memref<10240x16xf32, #tpu.memory_space<vmem_shared>> -> memref<640x16xf32, #tpu.memory_space<vmem_shared>>
      %dma_start3A_428 = arith.constant 0 : i32
      %dma_start3A_429 = tpu.memref_slice %arg15[%mul3A_2, %dma_start3A_428] : memref<10240x16xf32, #tpu.memory_space<vmem_shared>> -> memref<640x16xf32, #tpu.memory_space<vmem_shared>>
      tpu.enqueue_dma source(%arg9 : memref<640x16xf32, #tpu.memory_space<vmem>>) target(%dma_start3A_429 : memref<640x16xf32, #tpu.memory_space<vmem_shared>>) target_semaphore(%run_scoped3A_425 : memref<!tpu.dma_semaphore, #tpu.memory_space<semaphore_mem>>)
      %dma_wait3A_430 = arith.constant 0 : i32
      %dma_wait3A_431 = tpu.memref_slice %arg15[%mul3A_2, %dma_wait3A_430] : memref<10240x16xf32, #tpu.memory_space<vmem_shared>> -> memref<640x16xf32, #tpu.memory_space<vmem_shared>>
      %dma_wait3A_432 = arith.constant 0 : i32
      %dma_wait3A_433 = tpu.memref_slice %arg15[%mul3A_2, %dma_wait3A_432] : memref<10240x16xf32, #tpu.memory_space<vmem_shared>> -> memref<640x16xf32, #tpu.memory_space<vmem_shared>>
      tpu.wait_dma2 semaphore(%run_scoped3A_425 : memref<!tpu.dma_semaphore, #tpu.memory_space<semaphore_mem>>) src(%arg9 : memref<640x16xf32, #tpu.memory_space<vmem>>) dst(%dma_wait3A_433 : memref<640x16xf32, #tpu.memory_space<vmem_shared>>)
      tpu.yield
    }) : () -> ()
    %eq3A = arith.constant 0 : i32
    %eq3A_374 = arith.cmpi eq, %arg0, %eq3A : i32
    %convert_element_type3A = arith.extui %eq3A_374 : i1 to i32
    %cond3A = arith.constant 0 : i32
    %cond3A_375 = arith.cmpi ne, %convert_element_type3A, %cond3A : i32
    scf.if %cond3A_375 {
      %run_scoped3A_425 = arith.constant 3 : i32
      "tpu.region"() ({
        %run_scoped3A_427 = tpu.sem_alloc : memref<!tpu.dma_semaphore, #tpu.memory_space<semaphore_mem>>
        %dma_start3A_428 = arith.constant 0 : i32
        %dma_start3A_429 = tpu.memref_slice %arg4[%run_scoped3A_425, %mul3A_2, %dma_start3A_428] : memref<4x10240x16xf32, #tpu.memory_space<hbm>> -> memref<1x640x16xf32, #tpu.memory_space<hbm>>
        %dma_start3A_430 = tpu.memref_squeeze %dma_start3A_429 : memref<1x640x16xf32, #tpu.memory_space<hbm>> -> memref<640x16xf32, #tpu.memory_space<hbm>>
        %dma_start3A_431 = arith.constant 0 : i32
        %dma_start3A_432 = tpu.memref_slice %arg4[%run_scoped3A_425, %mul3A_2, %dma_start3A_431] : memref<4x10240x16xf32, #tpu.memory_space<hbm>> -> memref<1x640x16xf32, #tpu.memory_space<hbm>>
        %dma_start3A_433 = tpu.memref_squeeze %dma_start3A_432 : memref<1x640x16xf32, #tpu.memory_space<hbm>> -> memref<640x16xf32, #tpu.memory_space<hbm>>
        tpu.enqueue_dma source(%arg9 : memref<640x16xf32, #tpu.memory_space<vmem>>) target(%dma_start3A_433 : memref<640x16xf32, #tpu.memory_space<hbm>>) target_semaphore(%run_scoped3A_427 : memref<!tpu.dma_semaphore, #tpu.memory_space<semaphore_mem>>)
        %dma_wait3A_434 = arith.constant 0 : i32
        %dma_wait3A_435 = tpu.memref_slice %arg4[%run_scoped3A_425, %mul3A_2, %dma_wait3A_434] : memref<4x10240x16xf32, #tpu.memory_space<hbm>> -> memref<1x640x16xf32, #tpu.memory_space<hbm>>
        %dma_wait3A_436 = tpu.memref_squeeze %dma_wait3A_435 : memref<1x640x16xf32, #tpu.memory_space<hbm>> -> memref<640x16xf32, #tpu.memory_space<hbm>>
        %dma_wait3A_437 = arith.constant 0 : i32
        %dma_wait3A_438 = tpu.memref_slice %arg4[%run_scoped3A_425, %mul3A_2, %dma_wait3A_437] : memref<4x10240x16xf32, #tpu.memory_space<hbm>> -> memref<1x640x16xf32, #tpu.memory_space<hbm>>
        %dma_wait3A_439 = tpu.memref_squeeze %dma_wait3A_438 : memref<1x640x16xf32, #tpu.memory_space<hbm>> -> memref<640x16xf32, #tpu.memory_space<hbm>>
        tpu.wait_dma2 semaphore(%run_scoped3A_427 : memref<!tpu.dma_semaphore, #tpu.memory_space<semaphore_mem>>) src(%arg9 : memref<640x16xf32, #tpu.memory_space<vmem>>) dst(%dma_wait3A_439 : memref<640x16xf32, #tpu.memory_space<hbm>>)
        tpu.yield
      }) : () -> ()
      %run_scoped3A_426 = arith.constant 2 : i32
      "tpu.region"() ({
        %run_scoped3A_427 = tpu.sem_alloc : memref<!tpu.dma_semaphore, #tpu.memory_space<semaphore_mem>>
        %dma_start3A_428 = arith.constant 0 : i32
        %dma_start3A_429 = tpu.memref_slice %arg4[%run_scoped3A_426, %mul3A_2, %dma_start3A_428] : memref<4x10240x16xf32, #tpu.memory_space<hbm>> -> memref<1x640x16xf32, #tpu.memory_space<hbm>>
        %dma_start3A_430 = tpu.memref_squeeze %dma_start3A_429 : memref<1x640x16xf32, #tpu.memory_space<hbm>> -> memref<640x16xf32, #tpu.memory_space<hbm>>
        %dma_start3A_431 = arith.constant 0 : i32
        %dma_start3A_432 = tpu.memref_slice %arg4[%run_scoped3A_426, %mul3A_2, %dma_start3A_431] : memref<4x10240x16xf32, #tpu.memory_space<hbm>> -> memref<1x640x16xf32, #tpu.memory_space<hbm>>
        %dma_start3A_433 = tpu.memref_squeeze %dma_start3A_432 : memref<1x640x16xf32, #tpu.memory_space<hbm>> -> memref<640x16xf32, #tpu.memory_space<hbm>>
        tpu.enqueue_dma source(%arg10 : memref<640x16xf32, #tpu.memory_space<vmem>>) target(%dma_start3A_433 : memref<640x16xf32, #tpu.memory_space<hbm>>) target_semaphore(%run_scoped3A_427 : memref<!tpu.dma_semaphore, #tpu.memory_space<semaphore_mem>>)
        %dma_wait3A_434 = arith.constant 0 : i32
        %dma_wait3A_435 = tpu.memref_slice %arg4[%run_scoped3A_426, %mul3A_2, %dma_wait3A_434] : memref<4x10240x16xf32, #tpu.memory_space<hbm>> -> memref<1x640x16xf32, #tpu.memory_space<hbm>>
        %dma_wait3A_436 = tpu.memref_squeeze %dma_wait3A_435 : memref<1x640x16xf32, #tpu.memory_space<hbm>> -> memref<640x16xf32, #tpu.memory_space<hbm>>
        %dma_wait3A_437 = arith.constant 0 : i32
        %dma_wait3A_438 = tpu.memref_slice %arg4[%run_scoped3A_426, %mul3A_2, %dma_wait3A_437] : memref<4x10240x16xf32, #tpu.memory_space<hbm>> -> memref<1x640x16xf32, #tpu.memory_space<hbm>>
        %dma_wait3A_439 = tpu.memref_squeeze %dma_wait3A_438 : memref<1x640x16xf32, #tpu.memory_space<hbm>> -> memref<640x16xf32, #tpu.memory_space<hbm>>
        tpu.wait_dma2 semaphore(%run_scoped3A_427 : memref<!tpu.dma_semaphore, #tpu.memory_space<semaphore_mem>>) src(%arg10 : memref<640x16xf32, #tpu.memory_space<vmem>>) dst(%dma_wait3A_439 : memref<640x16xf32, #tpu.memory_space<hbm>>)
        tpu.yield
      }) : () -> ()
    } else {
    }
    %barrier3A_376 = arith.constant 0 : index
    tpu.barrier barrier_id(%barrier3A_376)
    %dma_start3A = arith.constant 0 : i32
    %dma_start3A_377 = arith.constant 0 : i32
    %dma_start3A_378 = arith.constant 0 : i32
    %dma_start3A_379 = tpu.memref_slice %arg11[%dma_start3A, %dma_start3A_377, %dma_start3A_378] : memref<4x128x16xf32, #tpu.memory_space<vmem>> -> memref<1x128x16xf32, #tpu.memory_space<vmem>>
    %dma_start3A_380 = tpu.memref_squeeze %dma_start3A_379 : memref<1x128x16xf32, #tpu.memory_space<vmem>> -> memref<128x16xf32, #tpu.memory_space<vmem>>
    %dma_start3A_381 = arith.constant 0 : i32
    %dma_start3A_382 = tpu.memref_slice %arg6[%dma_start3A_381] : memref<10240xi32, #tpu.memory_space<vmem>> -> memref<128xi32, #tpu.memory_space<vmem>>
    %dma_start3A_383 = arith.constant 0 : i32
    %dma_start3A_384 = arith.constant 0 : i32
    %dma_start3A_385 = tpu.memref_slice %arg15[%dma_start3A_383, %dma_start3A_384] : memref<10240x16xf32, #tpu.memory_space<vmem_shared>> -> memref<10240x16xf32, #tpu.memory_space<vmem_shared>>
    tpu.enqueue_indirect_dma source(%dma_start3A_385 : memref<10240x16xf32, #tpu.memory_space<vmem_shared>>) target(%dma_start3A_380 : memref<128x16xf32, #tpu.memory_space<vmem>>) offsets(%dma_start3A_382 : memref<128xi32, #tpu.memory_space<vmem>>) semaphore(%arg17 : memref<!tpu.dma_semaphore, #tpu.memory_space<semaphore_mem>>)
    %dma_start3A_386 = arith.constant 1 : i32
    %dma_start3A_387 = arith.constant 0 : i32
    %dma_start3A_388 = arith.constant 0 : i32
    %dma_start3A_389 = tpu.memref_slice %arg11[%dma_start3A_386, %dma_start3A_387, %dma_start3A_388] : memref<4x128x16xf32, #tpu.memory_space<vmem>> -> memref<1x128x16xf32, #tpu.memory_space<vmem>>
    %dma_start3A_390 = tpu.memref_squeeze %dma_start3A_389 : memref<1x128x16xf32, #tpu.memory_space<vmem>> -> memref<128x16xf32, #tpu.memory_space<vmem>>
    %dma_start3A_391 = arith.constant 128 : i32
    %dma_start3A_392 = tpu.memref_slice %arg6[%dma_start3A_391] : memref<10240xi32, #tpu.memory_space<vmem>> -> memref<128xi32, #tpu.memory_space<vmem>>
    %dma_start3A_393 = arith.constant 0 : i32
    %dma_start3A_394 = arith.constant 0 : i32
    %dma_start3A_395 = tpu.memref_slice %arg15[%dma_start3A_393, %dma_start3A_394] : memref<10240x16xf32, #tpu.memory_space<vmem_shared>> -> memref<10240x16xf32, #tpu.memory_space<vmem_shared>>
    tpu.enqueue_indirect_dma source(%dma_start3A_395 : memref<10240x16xf32, #tpu.memory_space<vmem_shared>>) target(%dma_start3A_390 : memref<128x16xf32, #tpu.memory_space<vmem>>) offsets(%dma_start3A_392 : memref<128xi32, #tpu.memory_space<vmem>>) semaphore(%arg18 : memref<!tpu.dma_semaphore, #tpu.memory_space<semaphore_mem>>)
    %scan3A_396 = arith.constant 0 : i32
    %scan3A_397 = arith.constant 0 : i32
    %scan3A_398 = arith.constant 20 : i32
    %scan3A_399 = arith.addi %scan3A_397, %scan3A_398 : i32
    %scan3A_400 = arith.constant 1 : i32
    %scan3A_401 = scf.for %scan3A_425 = %scan3A_397 to %scan3A_399 step %scan3A_400 iter_args(%scan3A_426 = %scan3A_396) -> (i32)  : i32 {
      %mul3A_427 = arith.constant 4 : i32
      %mul3A_428 = arith.muli %scan3A_425, %mul3A_427 : i32
      %add3A_429 = arith.constant 0 : i32
      %add3A_430 = arith.addi %mul3A_428, %add3A_429 : i32
      %ge3A = arith.constant 2 : i32
      %ge3A_431 = arith.cmpi sge, %add3A_430, %ge3A : i32
      %convert_element_type3A_432 = arith.extui %ge3A_431 : i1 to i32
      %cond3A_433 = arith.constant 0 : i32
      %cond3A_434 = arith.cmpi ne, %convert_element_type3A_432, %cond3A_433 : i32
      scf.if %cond3A_434 {
        %sub3A = arith.constant 2 : i32
        %sub3A_582 = arith.subi %add3A_430, %sub3A : i32
        %mul3A_583 = arith.constant 128 : i32
        %mul3A_584 = arith.muli %sub3A_582, %mul3A_583 : i32
        %dma_wait3A_585 = arith.constant 2 : i32
        %dma_wait3A_586 = arith.constant 0 : i32
        %dma_wait3A_587 = arith.constant 0 : i32
        %dma_wait3A_588 = tpu.memref_slice %arg11[%dma_wait3A_585, %dma_wait3A_586, %dma_wait3A_587] : memref<4x128x16xf32, #tpu.memory_space<vmem>> -> memref<1x128x16xf32, #tpu.memory_space<vmem>>
        %dma_wait3A_589 = tpu.memref_squeeze %dma_wait3A_588 : memref<1x128x16xf32, #tpu.memory_space<vmem>> -> memref<128x16xf32, #tpu.memory_space<vmem>>
        %dma_wait3A_590 = tpu.memref_slice %arg5[%arg0, %mul3A_584] : memref<2x10240xi32, #tpu.memory_space<vmem>> -> memref<1x128xi32, #tpu.memory_space<vmem>>
        %dma_wait3A_591 = tpu.memref_squeeze %dma_wait3A_590 : memref<1x128xi32, #tpu.memory_space<vmem>> -> memref<128xi32, #tpu.memory_space<vmem>>
        %dma_wait3A_592 = arith.constant 0 : i32
        %dma_wait3A_593 = arith.constant 0 : i32
        %dma_wait3A_594 = tpu.memref_slice %arg16[%dma_wait3A_592, %dma_wait3A_593] : memref<10240x16xf32, #tpu.memory_space<vmem_shared>> -> memref<10240x16xf32, #tpu.memory_space<vmem_shared>>
        tpu.wait_indirect_dma semaphore(%arg23 : memref<!tpu.dma_semaphore, #tpu.memory_space<semaphore_mem>>) src(%dma_wait3A_589 : memref<128x16xf32, #tpu.memory_space<vmem>>) dst(%dma_wait3A_594 : memref<10240x16xf32, #tpu.memory_space<vmem_shared>>)
      } else {
      }
      %add3A_435 = arith.constant 2 : i32
      %add3A_436 = arith.addi %add3A_430, %add3A_435 : i32
      %lt3A = arith.constant 80 : i32
      %lt3A_437 = arith.cmpi slt, %add3A_436, %lt3A : i32
      %convert_element_type3A_438 = arith.extui %lt3A_437 : i1 to i32
      %cond3A_439 = arith.constant 0 : i32
      %cond3A_440 = arith.cmpi ne, %convert_element_type3A_438, %cond3A_439 : i32
      scf.if %cond3A_440 {
        %add3A_582 = arith.constant 2 : i32
        %add3A_583 = arith.addi %add3A_430, %add3A_582 : i32
        %mul3A_584 = arith.constant 128 : i32
        %mul3A_585 = arith.muli %add3A_583, %mul3A_584 : i32
        %dma_start3A_586 = arith.constant 2 : i32
        %dma_start3A_587 = arith.constant 0 : i32
        %dma_start3A_588 = arith.constant 0 : i32
        %dma_start3A_589 = tpu.memref_slice %arg11[%dma_start3A_586, %dma_start3A_587, %dma_start3A_588] : memref<4x128x16xf32, #tpu.memory_space<vmem>> -> memref<1x128x16xf32, #tpu.memory_space<vmem>>
        %dma_start3A_590 = tpu.memref_squeeze %dma_start3A_589 : memref<1x128x16xf32, #tpu.memory_space<vmem>> -> memref<128x16xf32, #tpu.memory_space<vmem>>
        %dma_start3A_591 = tpu.memref_slice %arg6[%mul3A_585] : memref<10240xi32, #tpu.memory_space<vmem>> -> memref<128xi32, #tpu.memory_space<vmem>>
        %dma_start3A_592 = arith.constant 0 : i32
        %dma_start3A_593 = arith.constant 0 : i32
        %dma_start3A_594 = tpu.memref_slice %arg15[%dma_start3A_592, %dma_start3A_593] : memref<10240x16xf32, #tpu.memory_space<vmem_shared>> -> memref<10240x16xf32, #tpu.memory_space<vmem_shared>>
        tpu.enqueue_indirect_dma source(%dma_start3A_594 : memref<10240x16xf32, #tpu.memory_space<vmem_shared>>) target(%dma_start3A_590 : memref<128x16xf32, #tpu.memory_space<vmem>>) offsets(%dma_start3A_591 : memref<128xi32, #tpu.memory_space<vmem>>) semaphore(%arg19 : memref<!tpu.dma_semaphore, #tpu.memory_space<semaphore_mem>>)
      } else {
      }
      %mul3A_441 = arith.constant 128 : i32
      %mul3A_442 = arith.muli %add3A_430, %mul3A_441 : i32
      %dma_wait3A_443 = arith.constant 0 : i32
      %dma_wait3A_444 = arith.constant 0 : i32
      %dma_wait3A_445 = arith.constant 0 : i32
      %dma_wait3A_446 = tpu.memref_slice %arg11[%dma_wait3A_443, %dma_wait3A_444, %dma_wait3A_445] : memref<4x128x16xf32, #tpu.memory_space<vmem>> -> memref<1x128x16xf32, #tpu.memory_space<vmem>>
      %dma_wait3A_447 = tpu.memref_squeeze %dma_wait3A_446 : memref<1x128x16xf32, #tpu.memory_space<vmem>> -> memref<128x16xf32, #tpu.memory_space<vmem>>
      %dma_wait3A_448 = tpu.memref_slice %arg6[%mul3A_442] : memref<10240xi32, #tpu.memory_space<vmem>> -> memref<128xi32, #tpu.memory_space<vmem>>
      %dma_wait3A_449 = arith.constant 0 : i32
      %dma_wait3A_450 = arith.constant 0 : i32
      %dma_wait3A_451 = tpu.memref_slice %arg15[%dma_wait3A_449, %dma_wait3A_450] : memref<10240x16xf32, #tpu.memory_space<vmem_shared>> -> memref<10240x16xf32, #tpu.memory_space<vmem_shared>>
      tpu.wait_indirect_dma semaphore(%arg17 : memref<!tpu.dma_semaphore, #tpu.memory_space<semaphore_mem>>) src(%dma_wait3A_451 : memref<10240x16xf32, #tpu.memory_space<vmem_shared>>) dst(%dma_wait3A_447 : memref<128x16xf32, #tpu.memory_space<vmem>>)
      %mul3A_452 = arith.constant 128 : i32
      %mul3A_453 = arith.muli %add3A_430, %mul3A_452 : i32
      %dma_start3A_454 = arith.constant 0 : i32
      %dma_start3A_455 = arith.constant 0 : i32
      %dma_start3A_456 = arith.constant 0 : i32
      %dma_start3A_457 = tpu.memref_slice %arg11[%dma_start3A_454, %dma_start3A_455, %dma_start3A_456] : memref<4x128x16xf32, #tpu.memory_space<vmem>> -> memref<1x128x16xf32, #tpu.memory_space<vmem>>
      %dma_start3A_458 = tpu.memref_squeeze %dma_start3A_457 : memref<1x128x16xf32, #tpu.memory_space<vmem>> -> memref<128x16xf32, #tpu.memory_space<vmem>>
      %dma_start3A_459 = tpu.memref_slice %arg5[%arg0, %mul3A_453] : memref<2x10240xi32, #tpu.memory_space<vmem>> -> memref<1x128xi32, #tpu.memory_space<vmem>>
      %dma_start3A_460 = tpu.memref_squeeze %dma_start3A_459 : memref<1x128xi32, #tpu.memory_space<vmem>> -> memref<128xi32, #tpu.memory_space<vmem>>
      %dma_start3A_461 = arith.constant 0 : i32
      %dma_start3A_462 = arith.constant 0 : i32
      %dma_start3A_463 = tpu.memref_slice %arg16[%dma_start3A_461, %dma_start3A_462] : memref<10240x16xf32, #tpu.memory_space<vmem_shared>> -> memref<10240x16xf32, #tpu.memory_space<vmem_shared>>
      tpu.enqueue_indirect_dma source(%dma_start3A_458 : memref<128x16xf32, #tpu.memory_space<vmem>>) target(%dma_start3A_463 : memref<10240x16xf32, #tpu.memory_space<vmem_shared>>) offsets(%dma_start3A_460 : memref<128xi32, #tpu.memory_space<vmem>>) semaphore(%arg21 : memref<!tpu.dma_semaphore, #tpu.memory_space<semaphore_mem>>) {add = true}
      %mul3A_464 = arith.constant 4 : i32
      %mul3A_465 = arith.muli %scan3A_425, %mul3A_464 : i32
      %add3A_466 = arith.constant 1 : i32
      %add3A_467 = arith.addi %mul3A_465, %add3A_466 : i32
      %ge3A_468 = arith.constant 2 : i32
      %ge3A_469 = arith.cmpi sge, %add3A_467, %ge3A_468 : i32
      %convert_element_type3A_470 = arith.extui %ge3A_469 : i1 to i32
      %cond3A_471 = arith.constant 0 : i32
      %cond3A_472 = arith.cmpi ne, %convert_element_type3A_470, %cond3A_471 : i32
      scf.if %cond3A_472 {
        %sub3A = arith.constant 2 : i32
        %sub3A_582 = arith.subi %add3A_467, %sub3A : i32
        %mul3A_583 = arith.constant 128 : i32
        %mul3A_584 = arith.muli %sub3A_582, %mul3A_583 : i32
        %dma_wait3A_585 = arith.constant 3 : i32
        %dma_wait3A_586 = arith.constant 0 : i32
        %dma_wait3A_587 = arith.constant 0 : i32
        %dma_wait3A_588 = tpu.memref_slice %arg11[%dma_wait3A_585, %dma_wait3A_586, %dma_wait3A_587] : memref<4x128x16xf32, #tpu.memory_space<vmem>> -> memref<1x128x16xf32, #tpu.memory_space<vmem>>
        %dma_wait3A_589 = tpu.memref_squeeze %dma_wait3A_588 : memref<1x128x16xf32, #tpu.memory_space<vmem>> -> memref<128x16xf32, #tpu.memory_space<vmem>>
        %dma_wait3A_590 = tpu.memref_slice %arg5[%arg0, %mul3A_584] : memref<2x10240xi32, #tpu.memory_space<vmem>> -> memref<1x128xi32, #tpu.memory_space<vmem>>
        %dma_wait3A_591 = tpu.memref_squeeze %dma_wait3A_590 : memref<1x128xi32, #tpu.memory_space<vmem>> -> memref<128xi32, #tpu.memory_space<vmem>>
        %dma_wait3A_592 = arith.constant 0 : i32
        %dma_wait3A_593 = arith.constant 0 : i32
        %dma_wait3A_594 = tpu.memref_slice %arg16[%dma_wait3A_592, %dma_wait3A_593] : memref<10240x16xf32, #tpu.memory_space<vmem_shared>> -> memref<10240x16xf32, #tpu.memory_space<vmem_shared>>
        tpu.wait_indirect_dma semaphore(%arg24 : memref<!tpu.dma_semaphore, #tpu.memory_space<semaphore_mem>>) src(%dma_wait3A_589 : memref<128x16xf32, #tpu.memory_space<vmem>>) dst(%dma_wait3A_594 : memref<10240x16xf32, #tpu.memory_space<vmem_shared>>)
      } else {
      }
      %add3A_473 = arith.constant 2 : i32
      %add3A_474 = arith.addi %add3A_467, %add3A_473 : i32
      %lt3A_475 = arith.constant 80 : i32
      %lt3A_476 = arith.cmpi slt, %add3A_474, %lt3A_475 : i32
      %convert_element_type3A_477 = arith.extui %lt3A_476 : i1 to i32
      %cond3A_478 = arith.constant 0 : i32
      %cond3A_479 = arith.cmpi ne, %convert_element_type3A_477, %cond3A_478 : i32
      scf.if %cond3A_479 {
        %add3A_582 = arith.constant 2 : i32
        %add3A_583 = arith.addi %add3A_467, %add3A_582 : i32
        %mul3A_584 = arith.constant 128 : i32
        %mul3A_585 = arith.muli %add3A_583, %mul3A_584 : i32
        %dma_start3A_586 = arith.constant 3 : i32
        %dma_start3A_587 = arith.constant 0 : i32
        %dma_start3A_588 = arith.constant 0 : i32
        %dma_start3A_589 = tpu.memref_slice %arg11[%dma_start3A_586, %dma_start3A_587, %dma_start3A_588] : memref<4x128x16xf32, #tpu.memory_space<vmem>> -> memref<1x128x16xf32, #tpu.memory_space<vmem>>
        %dma_start3A_590 = tpu.memref_squeeze %dma_start3A_589 : memref<1x128x16xf32, #tpu.memory_space<vmem>> -> memref<128x16xf32, #tpu.memory_space<vmem>>
        %dma_start3A_591 = tpu.memref_slice %arg6[%mul3A_585] : memref<10240xi32, #tpu.memory_space<vmem>> -> memref<128xi32, #tpu.memory_space<vmem>>
        %dma_start3A_592 = arith.constant 0 : i32
        %dma_start3A_593 = arith.constant 0 : i32
        %dma_start3A_594 = tpu.memref_slice %arg15[%dma_start3A_592, %dma_start3A_593] : memref<10240x16xf32, #tpu.memory_space<vmem_shared>> -> memref<10240x16xf32, #tpu.memory_space<vmem_shared>>
        tpu.enqueue_indirect_dma source(%dma_start3A_594 : memref<10240x16xf32, #tpu.memory_space<vmem_shared>>) target(%dma_start3A_590 : memref<128x16xf32, #tpu.memory_space<vmem>>) offsets(%dma_start3A_591 : memref<128xi32, #tpu.memory_space<vmem>>) semaphore(%arg20 : memref<!tpu.dma_semaphore, #tpu.memory_space<semaphore_mem>>)
      } else {
      }
      %mul3A_480 = arith.constant 128 : i32
      %mul3A_481 = arith.muli %add3A_467, %mul3A_480 : i32
      %dma_wait3A_482 = arith.constant 1 : i32
      %dma_wait3A_483 = arith.constant 0 : i32
      %dma_wait3A_484 = arith.constant 0 : i32
      %dma_wait3A_485 = tpu.memref_slice %arg11[%dma_wait3A_482, %dma_wait3A_483, %dma_wait3A_484] : memref<4x128x16xf32, #tpu.memory_space<vmem>> -> memref<1x128x16xf32, #tpu.memory_space<vmem>>
      %dma_wait3A_486 = tpu.memref_squeeze %dma_wait3A_485 : memref<1x128x16xf32, #tpu.memory_space<vmem>> -> memref<128x16xf32, #tpu.memory_space<vmem>>
      %dma_wait3A_487 = tpu.memref_slice %arg6[%mul3A_481] : memref<10240xi32, #tpu.memory_space<vmem>> -> memref<128xi32, #tpu.memory_space<vmem>>
      %dma_wait3A_488 = arith.constant 0 : i32
      %dma_wait3A_489 = arith.constant 0 : i32
      %dma_wait3A_490 = tpu.memref_slice %arg15[%dma_wait3A_488, %dma_wait3A_489] : memref<10240x16xf32, #tpu.memory_space<vmem_shared>> -> memref<10240x16xf32, #tpu.memory_space<vmem_shared>>
      tpu.wait_indirect_dma semaphore(%arg18 : memref<!tpu.dma_semaphore, #tpu.memory_space<semaphore_mem>>) src(%dma_wait3A_490 : memref<10240x16xf32, #tpu.memory_space<vmem_shared>>) dst(%dma_wait3A_486 : memref<128x16xf32, #tpu.memory_space<vmem>>)
      %mul3A_491 = arith.constant 128 : i32
      %mul3A_492 = arith.muli %add3A_467, %mul3A_491 : i32
      %dma_start3A_493 = arith.constant 1 : i32
      %dma_start3A_494 = arith.constant 0 : i32
      %dma_start3A_495 = arith.constant 0 : i32
      %dma_start3A_496 = tpu.memref_slice %arg11[%dma_start3A_493, %dma_start3A_494, %dma_start3A_495] : memref<4x128x16xf32, #tpu.memory_space<vmem>> -> memref<1x128x16xf32, #tpu.memory_space<vmem>>
      %dma_start3A_497 = tpu.memref_squeeze %dma_start3A_496 : memref<1x128x16xf32, #tpu.memory_space<vmem>> -> memref<128x16xf32, #tpu.memory_space<vmem>>
      %dma_start3A_498 = tpu.memref_slice %arg5[%arg0, %mul3A_492] : memref<2x10240xi32, #tpu.memory_space<vmem>> -> memref<1x128xi32, #tpu.memory_space<vmem>>
      %dma_start3A_499 = tpu.memref_squeeze %dma_start3A_498 : memref<1x128xi32, #tpu.memory_space<vmem>> -> memref<128xi32, #tpu.memory_space<vmem>>
      %dma_start3A_500 = arith.constant 0 : i32
      %dma_start3A_501 = arith.constant 0 : i32
      %dma_start3A_502 = tpu.memref_slice %arg16[%dma_start3A_500, %dma_start3A_501] : memref<10240x16xf32, #tpu.memory_space<vmem_shared>> -> memref<10240x16xf32, #tpu.memory_space<vmem_shared>>
      tpu.enqueue_indirect_dma source(%dma_start3A_497 : memref<128x16xf32, #tpu.memory_space<vmem>>) target(%dma_start3A_502 : memref<10240x16xf32, #tpu.memory_space<vmem_shared>>) offsets(%dma_start3A_499 : memref<128xi32, #tpu.memory_space<vmem>>) semaphore(%arg22 : memref<!tpu.dma_semaphore, #tpu.memory_space<semaphore_mem>>) {add = true}
      %mul3A_503 = arith.constant 4 : i32
      %mul3A_504 = arith.muli %scan3A_425, %mul3A_503 : i32
      %add3A_505 = arith.constant 2 : i32
      %add3A_506 = arith.addi %mul3A_504, %add3A_505 : i32
      %ge3A_507 = arith.constant 2 : i32
      %ge3A_508 = arith.cmpi sge, %add3A_506, %ge3A_507 : i32
      %convert_element_type3A_509 = arith.extui %ge3A_508 : i1 to i32
      %cond3A_510 = arith.constant 0 : i32
      %cond3A_511 = arith.cmpi ne, %convert_element_type3A_509, %cond3A_510 : i32
      scf.if %cond3A_511 {
        %sub3A = arith.constant 2 : i32
        %sub3A_582 = arith.subi %add3A_506, %sub3A : i32
        %mul3A_583 = arith.constant 128 : i32
        %mul3A_584 = arith.muli %sub3A_582, %mul3A_583 : i32
        %dma_wait3A_585 = arith.constant 0 : i32
        %dma_wait3A_586 = arith.constant 0 : i32
        %dma_wait3A_587 = arith.constant 0 : i32
        %dma_wait3A_588 = tpu.memref_slice %arg11[%dma_wait3A_585, %dma_wait3A_586, %dma_wait3A_587] : memref<4x128x16xf32, #tpu.memory_space<vmem>> -> memref<1x128x16xf32, #tpu.memory_space<vmem>>
        %dma_wait3A_589 = tpu.memref_squeeze %dma_wait3A_588 : memref<1x128x16xf32, #tpu.memory_space<vmem>> -> memref<128x16xf32, #tpu.memory_space<vmem>>
        %dma_wait3A_590 = tpu.memref_slice %arg5[%arg0, %mul3A_584] : memref<2x10240xi32, #tpu.memory_space<vmem>> -> memref<1x128xi32, #tpu.memory_space<vmem>>
        %dma_wait3A_591 = tpu.memref_squeeze %dma_wait3A_590 : memref<1x128xi32, #tpu.memory_space<vmem>> -> memref<128xi32, #tpu.memory_space<vmem>>
        %dma_wait3A_592 = arith.constant 0 : i32
        %dma_wait3A_593 = arith.constant 0 : i32
        %dma_wait3A_594 = tpu.memref_slice %arg16[%dma_wait3A_592, %dma_wait3A_593] : memref<10240x16xf32, #tpu.memory_space<vmem_shared>> -> memref<10240x16xf32, #tpu.memory_space<vmem_shared>>
        tpu.wait_indirect_dma semaphore(%arg21 : memref<!tpu.dma_semaphore, #tpu.memory_space<semaphore_mem>>) src(%dma_wait3A_589 : memref<128x16xf32, #tpu.memory_space<vmem>>) dst(%dma_wait3A_594 : memref<10240x16xf32, #tpu.memory_space<vmem_shared>>)
      } else {
      }
      %add3A_512 = arith.constant 2 : i32
      %add3A_513 = arith.addi %add3A_506, %add3A_512 : i32
      %lt3A_514 = arith.constant 80 : i32
      %lt3A_515 = arith.cmpi slt, %add3A_513, %lt3A_514 : i32
      %convert_element_type3A_516 = arith.extui %lt3A_515 : i1 to i32
      %cond3A_517 = arith.constant 0 : i32
      %cond3A_518 = arith.cmpi ne, %convert_element_type3A_516, %cond3A_517 : i32
      scf.if %cond3A_518 {
        %add3A_582 = arith.constant 2 : i32
        %add3A_583 = arith.addi %add3A_506, %add3A_582 : i32
        %mul3A_584 = arith.constant 128 : i32
        %mul3A_585 = arith.muli %add3A_583, %mul3A_584 : i32
        %dma_start3A_586 = arith.constant 0 : i32
        %dma_start3A_587 = arith.constant 0 : i32
        %dma_start3A_588 = arith.constant 0 : i32
        %dma_start3A_589 = tpu.memref_slice %arg11[%dma_start3A_586, %dma_start3A_587, %dma_start3A_588] : memref<4x128x16xf32, #tpu.memory_space<vmem>> -> memref<1x128x16xf32, #tpu.memory_space<vmem>>
        %dma_start3A_590 = tpu.memref_squeeze %dma_start3A_589 : memref<1x128x16xf32, #tpu.memory_space<vmem>> -> memref<128x16xf32, #tpu.memory_space<vmem>>
        %dma_start3A_591 = tpu.memref_slice %arg6[%mul3A_585] : memref<10240xi32, #tpu.memory_space<vmem>> -> memref<128xi32, #tpu.memory_space<vmem>>
        %dma_start3A_592 = arith.constant 0 : i32
        %dma_start3A_593 = arith.constant 0 : i32
        %dma_start3A_594 = tpu.memref_slice %arg15[%dma_start3A_592, %dma_start3A_593] : memref<10240x16xf32, #tpu.memory_space<vmem_shared>> -> memref<10240x16xf32, #tpu.memory_space<vmem_shared>>
        tpu.enqueue_indirect_dma source(%dma_start3A_594 : memref<10240x16xf32, #tpu.memory_space<vmem_shared>>) target(%dma_start3A_590 : memref<128x16xf32, #tpu.memory_space<vmem>>) offsets(%dma_start3A_591 : memref<128xi32, #tpu.memory_space<vmem>>) semaphore(%arg17 : memref<!tpu.dma_semaphore, #tpu.memory_space<semaphore_mem>>)
      } else {
      }
      %mul3A_519 = arith.constant 128 : i32
      %mul3A_520 = arith.muli %add3A_506, %mul3A_519 : i32
      %dma_wait3A_521 = arith.constant 2 : i32
      %dma_wait3A_522 = arith.constant 0 : i32
      %dma_wait3A_523 = arith.constant 0 : i32
      %dma_wait3A_524 = tpu.memref_slice %arg11[%dma_wait3A_521, %dma_wait3A_522, %dma_wait3A_523] : memref<4x128x16xf32, #tpu.memory_space<vmem>> -> memref<1x128x16xf32, #tpu.memory_space<vmem>>
      %dma_wait3A_525 = tpu.memref_squeeze %dma_wait3A_524 : memref<1x128x16xf32, #tpu.memory_space<vmem>> -> memref<128x16xf32, #tpu.memory_space<vmem>>
      %dma_wait3A_526 = tpu.memref_slice %arg6[%mul3A_520] : memref<10240xi32, #tpu.memory_space<vmem>> -> memref<128xi32, #tpu.memory_space<vmem>>
      %dma_wait3A_527 = arith.constant 0 : i32
      %dma_wait3A_528 = arith.constant 0 : i32
      %dma_wait3A_529 = tpu.memref_slice %arg15[%dma_wait3A_527, %dma_wait3A_528] : memref<10240x16xf32, #tpu.memory_space<vmem_shared>> -> memref<10240x16xf32, #tpu.memory_space<vmem_shared>>
      tpu.wait_indirect_dma semaphore(%arg19 : memref<!tpu.dma_semaphore, #tpu.memory_space<semaphore_mem>>) src(%dma_wait3A_529 : memref<10240x16xf32, #tpu.memory_space<vmem_shared>>) dst(%dma_wait3A_525 : memref<128x16xf32, #tpu.memory_space<vmem>>)
      %mul3A_530 = arith.constant 128 : i32
      %mul3A_531 = arith.muli %add3A_506, %mul3A_530 : i32
      %dma_start3A_532 = arith.constant 2 : i32
      %dma_start3A_533 = arith.constant 0 : i32
      %dma_start3A_534 = arith.constant 0 : i32
      %dma_start3A_535 = tpu.memref_slice %arg11[%dma_start3A_532, %dma_start3A_533, %dma_start3A_534] : memref<4x128x16xf32, #tpu.memory_space<vmem>> -> memref<1x128x16xf32, #tpu.memory_space<vmem>>
      %dma_start3A_536 = tpu.memref_squeeze %dma_start3A_535 : memref<1x128x16xf32, #tpu.memory_space<vmem>> -> memref<128x16xf32, #tpu.memory_space<vmem>>
      %dma_start3A_537 = tpu.memref_slice %arg5[%arg0, %mul3A_531] : memref<2x10240xi32, #tpu.memory_space<vmem>> -> memref<1x128xi32, #tpu.memory_space<vmem>>
      %dma_start3A_538 = tpu.memref_squeeze %dma_start3A_537 : memref<1x128xi32, #tpu.memory_space<vmem>> -> memref<128xi32, #tpu.memory_space<vmem>>
      %dma_start3A_539 = arith.constant 0 : i32
      %dma_start3A_540 = arith.constant 0 : i32
      %dma_start3A_541 = tpu.memref_slice %arg16[%dma_start3A_539, %dma_start3A_540] : memref<10240x16xf32, #tpu.memory_space<vmem_shared>> -> memref<10240x16xf32, #tpu.memory_space<vmem_shared>>
      tpu.enqueue_indirect_dma source(%dma_start3A_536 : memref<128x16xf32, #tpu.memory_space<vmem>>) target(%dma_start3A_541 : memref<10240x16xf32, #tpu.memory_space<vmem_shared>>) offsets(%dma_start3A_538 : memref<128xi32, #tpu.memory_space<vmem>>) semaphore(%arg23 : memref<!tpu.dma_semaphore, #tpu.memory_space<semaphore_mem>>) {add = true}
      %mul3A_542 = arith.constant 4 : i32
      %mul3A_543 = arith.muli %scan3A_425, %mul3A_542 : i32
      %add3A_544 = arith.constant 3 : i32
      %add3A_545 = arith.addi %mul3A_543, %add3A_544 : i32
      %ge3A_546 = arith.constant 2 : i32
      %ge3A_547 = arith.cmpi sge, %add3A_545, %ge3A_546 : i32
      %convert_element_type3A_548 = arith.extui %ge3A_547 : i1 to i32
      %cond3A_549 = arith.constant 0 : i32
      %cond3A_550 = arith.cmpi ne, %convert_element_type3A_548, %cond3A_549 : i32
      scf.if %cond3A_550 {
        %sub3A = arith.constant 2 : i32
        %sub3A_582 = arith.subi %add3A_545, %sub3A : i32
        %mul3A_583 = arith.constant 128 : i32
        %mul3A_584 = arith.muli %sub3A_582, %mul3A_583 : i32
        %dma_wait3A_585 = arith.constant 1 : i32
        %dma_wait3A_586 = arith.constant 0 : i32
        %dma_wait3A_587 = arith.constant 0 : i32
        %dma_wait3A_588 = tpu.memref_slice %arg11[%dma_wait3A_585, %dma_wait3A_586, %dma_wait3A_587] : memref<4x128x16xf32, #tpu.memory_space<vmem>> -> memref<1x128x16xf32, #tpu.memory_space<vmem>>
        %dma_wait3A_589 = tpu.memref_squeeze %dma_wait3A_588 : memref<1x128x16xf32, #tpu.memory_space<vmem>> -> memref<128x16xf32, #tpu.memory_space<vmem>>
        %dma_wait3A_590 = tpu.memref_slice %arg5[%arg0, %mul3A_584] : memref<2x10240xi32, #tpu.memory_space<vmem>> -> memref<1x128xi32, #tpu.memory_space<vmem>>
        %dma_wait3A_591 = tpu.memref_squeeze %dma_wait3A_590 : memref<1x128xi32, #tpu.memory_space<vmem>> -> memref<128xi32, #tpu.memory_space<vmem>>
        %dma_wait3A_592 = arith.constant 0 : i32
        %dma_wait3A_593 = arith.constant 0 : i32
        %dma_wait3A_594 = tpu.memref_slice %arg16[%dma_wait3A_592, %dma_wait3A_593] : memref<10240x16xf32, #tpu.memory_space<vmem_shared>> -> memref<10240x16xf32, #tpu.memory_space<vmem_shared>>
        tpu.wait_indirect_dma semaphore(%arg22 : memref<!tpu.dma_semaphore, #tpu.memory_space<semaphore_mem>>) src(%dma_wait3A_589 : memref<128x16xf32, #tpu.memory_space<vmem>>) dst(%dma_wait3A_594 : memref<10240x16xf32, #tpu.memory_space<vmem_shared>>)
      } else {
      }
      %add3A_551 = arith.constant 2 : i32
      %add3A_552 = arith.addi %add3A_545, %add3A_551 : i32
      %lt3A_553 = arith.constant 80 : i32
      %lt3A_554 = arith.cmpi slt, %add3A_552, %lt3A_553 : i32
      %convert_element_type3A_555 = arith.extui %lt3A_554 : i1 to i32
      %cond3A_556 = arith.constant 0 : i32
      %cond3A_557 = arith.cmpi ne, %convert_element_type3A_555, %cond3A_556 : i32
      scf.if %cond3A_557 {
        %add3A_582 = arith.constant 2 : i32
        %add3A_583 = arith.addi %add3A_545, %add3A_582 : i32
        %mul3A_584 = arith.constant 128 : i32
        %mul3A_585 = arith.muli %add3A_583, %mul3A_584 : i32
        %dma_start3A_586 = arith.constant 1 : i32
        %dma_start3A_587 = arith.constant 0 : i32
        %dma_start3A_588 = arith.constant 0 : i32
        %dma_start3A_589 = tpu.memref_slice %arg11[%dma_start3A_586, %dma_start3A_587, %dma_start3A_588] : memref<4x128x16xf32, #tpu.memory_space<vmem>> -> memref<1x128x16xf32, #tpu.memory_space<vmem>>
        %dma_start3A_590 = tpu.memref_squeeze %dma_start3A_589 : memref<1x128x16xf32, #tpu.memory_space<vmem>> -> memref<128x16xf32, #tpu.memory_space<vmem>>
        %dma_start3A_591 = tpu.memref_slice %arg6[%mul3A_585] : memref<10240xi32, #tpu.memory_space<vmem>> -> memref<128xi32, #tpu.memory_space<vmem>>
        %dma_start3A_592 = arith.constant 0 : i32
        %dma_start3A_593 = arith.constant 0 : i32
        %dma_start3A_594 = tpu.memref_slice %arg15[%dma_start3A_592, %dma_start3A_593] : memref<10240x16xf32, #tpu.memory_space<vmem_shared>> -> memref<10240x16xf32, #tpu.memory_space<vmem_shared>>
        tpu.enqueue_indirect_dma source(%dma_start3A_594 : memref<10240x16xf32, #tpu.memory_space<vmem_shared>>) target(%dma_start3A_590 : memref<128x16xf32, #tpu.memory_space<vmem>>) offsets(%dma_start3A_591 : memref<128xi32, #tpu.memory_space<vmem>>) semaphore(%arg18 : memref<!tpu.dma_semaphore, #tpu.memory_space<semaphore_mem>>)
      } else {
      }
      %mul3A_558 = arith.constant 128 : i32
      %mul3A_559 = arith.muli %add3A_545, %mul3A_558 : i32
      %dma_wait3A_560 = arith.constant 3 : i32
      %dma_wait3A_561 = arith.constant 0 : i32
      %dma_wait3A_562 = arith.constant 0 : i32
      %dma_wait3A_563 = tpu.memref_slice %arg11[%dma_wait3A_560, %dma_wait3A_561, %dma_wait3A_562] : memref<4x128x16xf32, #tpu.memory_space<vmem>> -> memref<1x128x16xf32, #tpu.memory_space<vmem>>
      %dma_wait3A_564 = tpu.memref_squeeze %dma_wait3A_563 : memref<1x128x16xf32, #tpu.memory_space<vmem>> -> memref<128x16xf32, #tpu.memory_space<vmem>>
      %dma_wait3A_565 = tpu.memref_slice %arg6[%mul3A_559] : memref<10240xi32, #tpu.memory_space<vmem>> -> memref<128xi32, #tpu.memory_space<vmem>>
      %dma_wait3A_566 = arith.constant 0 : i32
      %dma_wait3A_567 = arith.constant 0 : i32
      %dma_wait3A_568 = tpu.memref_slice %arg15[%dma_wait3A_566, %dma_wait3A_567] : memref<10240x16xf32, #tpu.memory_space<vmem_shared>> -> memref<10240x16xf32, #tpu.memory_space<vmem_shared>>
      tpu.wait_indirect_dma semaphore(%arg20 : memref<!tpu.dma_semaphore, #tpu.memory_space<semaphore_mem>>) src(%dma_wait3A_568 : memref<10240x16xf32, #tpu.memory_space<vmem_shared>>) dst(%dma_wait3A_564 : memref<128x16xf32, #tpu.memory_space<vmem>>)
      %mul3A_569 = arith.constant 128 : i32
      %mul3A_570 = arith.muli %add3A_545, %mul3A_569 : i32
      %dma_start3A_571 = arith.constant 3 : i32
      %dma_start3A_572 = arith.constant 0 : i32
      %dma_start3A_573 = arith.constant 0 : i32
      %dma_start3A_574 = tpu.memref_slice %arg11[%dma_start3A_571, %dma_start3A_572, %dma_start3A_573] : memref<4x128x16xf32, #tpu.memory_space<vmem>> -> memref<1x128x16xf32, #tpu.memory_space<vmem>>
      %dma_start3A_575 = tpu.memref_squeeze %dma_start3A_574 : memref<1x128x16xf32, #tpu.memory_space<vmem>> -> memref<128x16xf32, #tpu.memory_space<vmem>>
      %dma_start3A_576 = tpu.memref_slice %arg5[%arg0, %mul3A_570] : memref<2x10240xi32, #tpu.memory_space<vmem>> -> memref<1x128xi32, #tpu.memory_space<vmem>>
      %dma_start3A_577 = tpu.memref_squeeze %dma_start3A_576 : memref<1x128xi32, #tpu.memory_space<vmem>> -> memref<128xi32, #tpu.memory_space<vmem>>
      %dma_start3A_578 = arith.constant 0 : i32
      %dma_start3A_579 = arith.constant 0 : i32
      %dma_start3A_580 = tpu.memref_slice %arg16[%dma_start3A_578, %dma_start3A_579] : memref<10240x16xf32, #tpu.memory_space<vmem_shared>> -> memref<10240x16xf32, #tpu.memory_space<vmem_shared>>
      tpu.enqueue_indirect_dma source(%dma_start3A_575 : memref<128x16xf32, #tpu.memory_space<vmem>>) target(%dma_start3A_580 : memref<10240x16xf32, #tpu.memory_space<vmem_shared>>) offsets(%dma_start3A_577 : memref<128xi32, #tpu.memory_space<vmem>>) semaphore(%arg24 : memref<!tpu.dma_semaphore, #tpu.memory_space<semaphore_mem>>) {add = true}
      %scan3A_581 = arith.constant 0 : i32
      scf.yield %scan3A_581 : i32
    }
    %scan3A_402 = arith.constant 20 : i32
    %dma_wait3A = arith.constant 2 : i32
    %dma_wait3A_403 = arith.constant 0 : i32
    %dma_wait3A_404 = arith.constant 0 : i32
    %dma_wait3A_405 = tpu.memref_slice %arg11[%dma_wait3A, %dma_wait3A_403, %dma_wait3A_404] : memref<4x128x16xf32, #tpu.memory_space<vmem>> -> memref<1x128x16xf32, #tpu.memory_space<vmem>>
    %dma_wait3A_406 = tpu.memref_squeeze %dma_wait3A_405 : memref<1x128x16xf32, #tpu.memory_space<vmem>> -> memref<128x16xf32, #tpu.memory_space<vmem>>
    %dma_wait3A_407 = arith.constant 9984 : i32
    %dma_wait3A_408 = tpu.memref_slice %arg5[%arg0, %dma_wait3A_407] : memref<2x10240xi32, #tpu.memory_space<vmem>> -> memref<1x128xi32, #tpu.memory_space<vmem>>
    %dma_wait3A_409 = tpu.memref_squeeze %dma_wait3A_408 : memref<1x128xi32, #tpu.memory_space<vmem>> -> memref<128xi32, #tpu.memory_space<vmem>>
    %dma_wait3A_410 = arith.constant 0 : i32
    %dma_wait3A_411 = arith.constant 0 : i32
    %dma_wait3A_412 = tpu.memref_slice %arg16[%dma_wait3A_410, %dma_wait3A_411] : memref<10240x16xf32, #tpu.memory_space<vmem_shared>> -> memref<10240x16xf32, #tpu.memory_space<vmem_shared>>
    tpu.wait_indirect_dma semaphore(%arg23 : memref<!tpu.dma_semaphore, #tpu.memory_space<semaphore_mem>>) src(%dma_wait3A_406 : memref<128x16xf32, #tpu.memory_space<vmem>>) dst(%dma_wait3A_412 : memref<10240x16xf32, #tpu.memory_space<vmem_shared>>)
    %dma_wait3A_413 = arith.constant 3 : i32
    %dma_wait3A_414 = arith.constant 0 : i32
    %dma_wait3A_415 = arith.constant 0 : i32
    %dma_wait3A_416 = tpu.memref_slice %arg11[%dma_wait3A_413, %dma_wait3A_414, %dma_wait3A_415] : memref<4x128x16xf32, #tpu.memory_space<vmem>> -> memref<1x128x16xf32, #tpu.memory_space<vmem>>
    %dma_wait3A_417 = tpu.memref_squeeze %dma_wait3A_416 : memref<1x128x16xf32, #tpu.memory_space<vmem>> -> memref<128x16xf32, #tpu.memory_space<vmem>>
    %dma_wait3A_418 = arith.constant 10112 : i32
    %dma_wait3A_419 = tpu.memref_slice %arg5[%arg0, %dma_wait3A_418] : memref<2x10240xi32, #tpu.memory_space<vmem>> -> memref<1x128xi32, #tpu.memory_space<vmem>>
    %dma_wait3A_420 = tpu.memref_squeeze %dma_wait3A_419 : memref<1x128xi32, #tpu.memory_space<vmem>> -> memref<128xi32, #tpu.memory_space<vmem>>
    %dma_wait3A_421 = arith.constant 0 : i32
    %dma_wait3A_422 = arith.constant 0 : i32
    %dma_wait3A_423 = tpu.memref_slice %arg16[%dma_wait3A_421, %dma_wait3A_422] : memref<10240x16xf32, #tpu.memory_space<vmem_shared>> -> memref<10240x16xf32, #tpu.memory_space<vmem_shared>>
    tpu.wait_indirect_dma semaphore(%arg24 : memref<!tpu.dma_semaphore, #tpu.memory_space<semaphore_mem>>) src(%dma_wait3A_417 : memref<128x16xf32, #tpu.memory_space<vmem>>) dst(%dma_wait3A_423 : memref<10240x16xf32, #tpu.memory_space<vmem_shared>>)
    %barrier3A_424 = arith.constant 0 : index
    tpu.barrier barrier_id(%barrier3A_424)
    "tpu.region"() ({
      %run_scoped3A_425 = tpu.sem_alloc : memref<!tpu.dma_semaphore, #tpu.memory_space<semaphore_mem>>
      %dma_start3A_426 = arith.constant 0 : i32
      %dma_start3A_427 = tpu.memref_slice %arg4[%arg0, %mul3A_2, %dma_start3A_426] : memref<4x10240x16xf32, #tpu.memory_space<hbm>> -> memref<1x640x16xf32, #tpu.memory_space<hbm>>
      %dma_start3A_428 = tpu.memref_squeeze %dma_start3A_427 : memref<1x640x16xf32, #tpu.memory_space<hbm>> -> memref<640x16xf32, #tpu.memory_space<hbm>>
      %dma_start3A_429 = arith.constant 0 : i32
      %dma_start3A_430 = tpu.memref_slice %arg16[%mul3A_2, %dma_start3A_429] : memref<10240x16xf32, #tpu.memory_space<vmem_shared>> -> memref<640x16xf32, #tpu.memory_space<vmem_shared>>
      tpu.enqueue_dma source(%dma_start3A_430 : memref<640x16xf32, #tpu.memory_space<vmem_shared>>) target(%dma_start3A_428 : memref<640x16xf32, #tpu.memory_space<hbm>>) target_semaphore(%run_scoped3A_425 : memref<!tpu.dma_semaphore, #tpu.memory_space<semaphore_mem>>)
      %dma_wait3A_431 = arith.constant 0 : i32
      %dma_wait3A_432 = tpu.memref_slice %arg4[%arg0, %mul3A_2, %dma_wait3A_431] : memref<4x10240x16xf32, #tpu.memory_space<hbm>> -> memref<1x640x16xf32, #tpu.memory_space<hbm>>
      %dma_wait3A_433 = tpu.memref_squeeze %dma_wait3A_432 : memref<1x640x16xf32, #tpu.memory_space<hbm>> -> memref<640x16xf32, #tpu.memory_space<hbm>>
      %dma_wait3A_434 = arith.constant 0 : i32
      %dma_wait3A_435 = tpu.memref_slice %arg16[%mul3A_2, %dma_wait3A_434] : memref<10240x16xf32, #tpu.memory_space<vmem_shared>> -> memref<640x16xf32, #tpu.memory_space<vmem_shared>>
      tpu.wait_dma2 semaphore(%run_scoped3A_425 : memref<!tpu.dma_semaphore, #tpu.memory_space<semaphore_mem>>) src(%dma_wait3A_435 : memref<640x16xf32, #tpu.memory_space<vmem_shared>>) dst(%dma_wait3A_433 : memref<640x16xf32, #tpu.memory_space<hbm>>)
      tpu.yield
    }) : () -> ()
    return
  }
}

#map = affine_map<(d0, d1) -> (0, 0)>
#map1 = affine_map<(d0, d1) -> (0, 0, 0)>
module attributes {stable_mosaic.version = 14 : i64} {
  func.func @conv_kernel(%arg0: i32, %arg1: i32, %arg2: memref<10240x32xf32, #tpu.memory_space<hbm>>, %arg3: memref<2x320000xi32, #tpu.memory_space<hbm>>, %arg4: memref<2x10240x32xf32, #tpu.memory_space<hbm>>, %arg5: memref<10240xi32, #tpu.memory_space<vmem>>, %arg6: memref<10240xi32, #tpu.memory_space<vmem>>, %arg7: memref<4x128x32xf32, #tpu.memory_space<vmem>>, %arg8: memref<128x32xf32, #tpu.memory_space<vmem>>, %arg9: memref<10240x32xf32, #tpu.memory_space<vmem_shared>>, %arg10: memref<!tpu.dma_semaphore, #tpu.memory_space<semaphore_mem>>, %arg11: memref<!tpu.dma_semaphore, #tpu.memory_space<semaphore_mem>>, %arg12: memref<!tpu.dma_semaphore, #tpu.memory_space<semaphore_mem>>, %arg13: memref<!tpu.dma_semaphore, #tpu.memory_space<semaphore_mem>>, %arg14: memref<!tpu.dma_semaphore, #tpu.memory_space<semaphore_mem>>, %arg15: memref<!tpu.dma_semaphore, #tpu.memory_space<semaphore_mem>>, %arg16: memref<!tpu.dma_semaphore, #tpu.memory_space<semaphore_mem>>, %arg17: memref<!tpu.dma_semaphore, #tpu.memory_space<semaphore_mem>>) attributes {dimension_semantics = [#tpu.dimension_semantics<core_parallel>, #tpu.dimension_semantics<subcore_parallel>], iteration_bounds = array<i64: 2, 16>, scalar_prefetch = 0 : i64, scratch_operands = 13 : i64, tpu.core_type = #tpu.core_type<sc_vector_subcore>, window_params = [{transform_indices = #map}, {transform_indices = #map}, {transform_indices = #map1}]} {
    %mul3A = arith.constant 16 : i32
    %mul3A_0 = arith.muli %arg0, %mul3A : i32
    %add3A = arith.addi %mul3A_0, %arg1 : i32
    %mul3A_1 = arith.constant 640 : i32
    %mul3A_2 = arith.muli %arg1, %mul3A_1 : i32
    %mul3A_3 = arith.constant 10000 : i32
    %mul3A_4 = arith.muli %add3A, %mul3A_3 : i32
    %run_scoped3A = arith.constant 0 : i32
    "tpu.region"() ({
      %run_scoped3A_218 = tpu.sem_alloc : memref<!tpu.dma_semaphore, #tpu.memory_space<semaphore_mem>>
      %dma_start3A_219 = arith.constant 0 : i32
      %dma_start3A_220 = tpu.memref_slice %arg5[%dma_start3A_219] : memref<10240xi32, #tpu.memory_space<vmem>> -> memref<10000xi32, #tpu.memory_space<vmem>>
      %dma_start3A_221 = tpu.memref_slice %arg3[%run_scoped3A, %mul3A_4] : memref<2x320000xi32, #tpu.memory_space<hbm>> -> memref<1x10000xi32, #tpu.memory_space<hbm>>
      %dma_start3A_222 = tpu.memref_squeeze %dma_start3A_221 : memref<1x10000xi32, #tpu.memory_space<hbm>> -> memref<10000xi32, #tpu.memory_space<hbm>>
      %dma_start3A_223 = arith.constant 0 : i32
      %dma_start3A_224 = tpu.memref_slice %arg5[%dma_start3A_223] : memref<10240xi32, #tpu.memory_space<vmem>> -> memref<10000xi32, #tpu.memory_space<vmem>>
      %dma_start3A_225 = tpu.memref_slice %arg3[%run_scoped3A, %mul3A_4] : memref<2x320000xi32, #tpu.memory_space<hbm>> -> memref<1x10000xi32, #tpu.memory_space<hbm>>
      %dma_start3A_226 = tpu.memref_squeeze %dma_start3A_225 : memref<1x10000xi32, #tpu.memory_space<hbm>> -> memref<10000xi32, #tpu.memory_space<hbm>>
      tpu.enqueue_dma source(%dma_start3A_226 : memref<10000xi32, #tpu.memory_space<hbm>>) target(%dma_start3A_224 : memref<10000xi32, #tpu.memory_space<vmem>>) target_semaphore(%run_scoped3A_218 : memref<!tpu.dma_semaphore, #tpu.memory_space<semaphore_mem>>)
      %dma_wait3A_227 = arith.constant 0 : i32
      %dma_wait3A_228 = tpu.memref_slice %arg5[%dma_wait3A_227] : memref<10240xi32, #tpu.memory_space<vmem>> -> memref<10000xi32, #tpu.memory_space<vmem>>
      %dma_wait3A_229 = tpu.memref_slice %arg3[%run_scoped3A, %mul3A_4] : memref<2x320000xi32, #tpu.memory_space<hbm>> -> memref<1x10000xi32, #tpu.memory_space<hbm>>
      %dma_wait3A_230 = tpu.memref_squeeze %dma_wait3A_229 : memref<1x10000xi32, #tpu.memory_space<hbm>> -> memref<10000xi32, #tpu.memory_space<hbm>>
      %dma_wait3A_231 = arith.constant 0 : i32
      %dma_wait3A_232 = tpu.memref_slice %arg5[%dma_wait3A_231] : memref<10240xi32, #tpu.memory_space<vmem>> -> memref<10000xi32, #tpu.memory_space<vmem>>
      %dma_wait3A_233 = tpu.memref_slice %arg3[%run_scoped3A, %mul3A_4] : memref<2x320000xi32, #tpu.memory_space<hbm>> -> memref<1x10000xi32, #tpu.memory_space<hbm>>
      %dma_wait3A_234 = tpu.memref_squeeze %dma_wait3A_233 : memref<1x10000xi32, #tpu.memory_space<hbm>> -> memref<10000xi32, #tpu.memory_space<hbm>>
      tpu.wait_dma2 semaphore(%run_scoped3A_218 : memref<!tpu.dma_semaphore, #tpu.memory_space<semaphore_mem>>) src(%dma_wait3A_234 : memref<10000xi32, #tpu.memory_space<hbm>>) dst(%dma_wait3A_232 : memref<10000xi32, #tpu.memory_space<vmem>>)
      tpu.yield
    }) : () -> ()
    %mul3A_5 = arith.constant 10000 : i32
    %mul3A_6 = arith.muli %add3A, %mul3A_5 : i32
    %run_scoped3A_7 = arith.constant 1 : i32
    "tpu.region"() ({
      %run_scoped3A_218 = tpu.sem_alloc : memref<!tpu.dma_semaphore, #tpu.memory_space<semaphore_mem>>
      %dma_start3A_219 = arith.constant 0 : i32
      %dma_start3A_220 = tpu.memref_slice %arg6[%dma_start3A_219] : memref<10240xi32, #tpu.memory_space<vmem>> -> memref<10000xi32, #tpu.memory_space<vmem>>
      %dma_start3A_221 = tpu.memref_slice %arg3[%run_scoped3A_7, %mul3A_6] : memref<2x320000xi32, #tpu.memory_space<hbm>> -> memref<1x10000xi32, #tpu.memory_space<hbm>>
      %dma_start3A_222 = tpu.memref_squeeze %dma_start3A_221 : memref<1x10000xi32, #tpu.memory_space<hbm>> -> memref<10000xi32, #tpu.memory_space<hbm>>
      %dma_start3A_223 = arith.constant 0 : i32
      %dma_start3A_224 = tpu.memref_slice %arg6[%dma_start3A_223] : memref<10240xi32, #tpu.memory_space<vmem>> -> memref<10000xi32, #tpu.memory_space<vmem>>
      %dma_start3A_225 = tpu.memref_slice %arg3[%run_scoped3A_7, %mul3A_6] : memref<2x320000xi32, #tpu.memory_space<hbm>> -> memref<1x10000xi32, #tpu.memory_space<hbm>>
      %dma_start3A_226 = tpu.memref_squeeze %dma_start3A_225 : memref<1x10000xi32, #tpu.memory_space<hbm>> -> memref<10000xi32, #tpu.memory_space<hbm>>
      tpu.enqueue_dma source(%dma_start3A_226 : memref<10000xi32, #tpu.memory_space<hbm>>) target(%dma_start3A_224 : memref<10000xi32, #tpu.memory_space<vmem>>) target_semaphore(%run_scoped3A_218 : memref<!tpu.dma_semaphore, #tpu.memory_space<semaphore_mem>>)
      %dma_wait3A_227 = arith.constant 0 : i32
      %dma_wait3A_228 = tpu.memref_slice %arg6[%dma_wait3A_227] : memref<10240xi32, #tpu.memory_space<vmem>> -> memref<10000xi32, #tpu.memory_space<vmem>>
      %dma_wait3A_229 = tpu.memref_slice %arg3[%run_scoped3A_7, %mul3A_6] : memref<2x320000xi32, #tpu.memory_space<hbm>> -> memref<1x10000xi32, #tpu.memory_space<hbm>>
      %dma_wait3A_230 = tpu.memref_squeeze %dma_wait3A_229 : memref<1x10000xi32, #tpu.memory_space<hbm>> -> memref<10000xi32, #tpu.memory_space<hbm>>
      %dma_wait3A_231 = arith.constant 0 : i32
      %dma_wait3A_232 = tpu.memref_slice %arg6[%dma_wait3A_231] : memref<10240xi32, #tpu.memory_space<vmem>> -> memref<10000xi32, #tpu.memory_space<vmem>>
      %dma_wait3A_233 = tpu.memref_slice %arg3[%run_scoped3A_7, %mul3A_6] : memref<2x320000xi32, #tpu.memory_space<hbm>> -> memref<1x10000xi32, #tpu.memory_space<hbm>>
      %dma_wait3A_234 = tpu.memref_squeeze %dma_wait3A_233 : memref<1x10000xi32, #tpu.memory_space<hbm>> -> memref<10000xi32, #tpu.memory_space<hbm>>
      tpu.wait_dma2 semaphore(%run_scoped3A_218 : memref<!tpu.dma_semaphore, #tpu.memory_space<semaphore_mem>>) src(%dma_wait3A_234 : memref<10000xi32, #tpu.memory_space<hbm>>) dst(%dma_wait3A_232 : memref<10000xi32, #tpu.memory_space<vmem>>)
      tpu.yield
    }) : () -> ()
    %iota3A = tpu.iota {dimensions = array<i32: 0>} : vector<16xi32>
    %add3A_8 = arith.constant 10000 : i32
    %add3A_9 = vector.broadcast %add3A_8 : i32 to vector<16xi32>
    %add3A_10 = arith.addi %iota3A, %add3A_9 : vector<16xi32>
    %swap3A = arith.constant 10000 : index
    %swap3A_11 = tpu.vector_load %arg5[%swap3A] {strides = array<i32>} : memref<10240xi32, #tpu.memory_space<vmem>>, vector<16xi32>,
    tpu.vector_store %arg5[%swap3A], %add3A_10 {strides = array<i32>} : memref<10240xi32, #tpu.memory_space<vmem>>, vector<16xi32>,
    %add3A_12 = arith.constant 10016 : i32
    %add3A_13 = vector.broadcast %add3A_12 : i32 to vector<16xi32>
    %add3A_14 = arith.addi %iota3A, %add3A_13 : vector<16xi32>
    %swap3A_15 = arith.constant 10016 : index
    %swap3A_16 = tpu.vector_load %arg5[%swap3A_15] {strides = array<i32>} : memref<10240xi32, #tpu.memory_space<vmem>>, vector<16xi32>,
    tpu.vector_store %arg5[%swap3A_15], %add3A_14 {strides = array<i32>} : memref<10240xi32, #tpu.memory_space<vmem>>, vector<16xi32>,
    %add3A_17 = arith.constant 10032 : i32
    %add3A_18 = vector.broadcast %add3A_17 : i32 to vector<16xi32>
    %add3A_19 = arith.addi %iota3A, %add3A_18 : vector<16xi32>
    %swap3A_20 = arith.constant 10032 : index
    %swap3A_21 = tpu.vector_load %arg5[%swap3A_20] {strides = array<i32>} : memref<10240xi32, #tpu.memory_space<vmem>>, vector<16xi32>,
    tpu.vector_store %arg5[%swap3A_20], %add3A_19 {strides = array<i32>} : memref<10240xi32, #tpu.memory_space<vmem>>, vector<16xi32>,
    %add3A_22 = arith.constant 10048 : i32
    %add3A_23 = vector.broadcast %add3A_22 : i32 to vector<16xi32>
    %add3A_24 = arith.addi %iota3A, %add3A_23 : vector<16xi32>
    %swap3A_25 = arith.constant 10048 : index
    %swap3A_26 = tpu.vector_load %arg5[%swap3A_25] {strides = array<i32>} : memref<10240xi32, #tpu.memory_space<vmem>>, vector<16xi32>,
    tpu.vector_store %arg5[%swap3A_25], %add3A_24 {strides = array<i32>} : memref<10240xi32, #tpu.memory_space<vmem>>, vector<16xi32>,
    %add3A_27 = arith.constant 10064 : i32
    %add3A_28 = vector.broadcast %add3A_27 : i32 to vector<16xi32>
    %add3A_29 = arith.addi %iota3A, %add3A_28 : vector<16xi32>
    %swap3A_30 = arith.constant 10064 : index
    %swap3A_31 = tpu.vector_load %arg5[%swap3A_30] {strides = array<i32>} : memref<10240xi32, #tpu.memory_space<vmem>>, vector<16xi32>,
    tpu.vector_store %arg5[%swap3A_30], %add3A_29 {strides = array<i32>} : memref<10240xi32, #tpu.memory_space<vmem>>, vector<16xi32>,
    %add3A_32 = arith.constant 10080 : i32
    %add3A_33 = vector.broadcast %add3A_32 : i32 to vector<16xi32>
    %add3A_34 = arith.addi %iota3A, %add3A_33 : vector<16xi32>
    %swap3A_35 = arith.constant 10080 : index
    %swap3A_36 = tpu.vector_load %arg5[%swap3A_35] {strides = array<i32>} : memref<10240xi32, #tpu.memory_space<vmem>>, vector<16xi32>,
    tpu.vector_store %arg5[%swap3A_35], %add3A_34 {strides = array<i32>} : memref<10240xi32, #tpu.memory_space<vmem>>, vector<16xi32>,
    %add3A_37 = arith.constant 10096 : i32
    %add3A_38 = vector.broadcast %add3A_37 : i32 to vector<16xi32>
    %add3A_39 = arith.addi %iota3A, %add3A_38 : vector<16xi32>
    %swap3A_40 = arith.constant 10096 : index
    %swap3A_41 = tpu.vector_load %arg5[%swap3A_40] {strides = array<i32>} : memref<10240xi32, #tpu.memory_space<vmem>>, vector<16xi32>,
    tpu.vector_store %arg5[%swap3A_40], %add3A_39 {strides = array<i32>} : memref<10240xi32, #tpu.memory_space<vmem>>, vector<16xi32>,
    %add3A_42 = arith.constant 10112 : i32
    %add3A_43 = vector.broadcast %add3A_42 : i32 to vector<16xi32>
    %add3A_44 = arith.addi %iota3A, %add3A_43 : vector<16xi32>
    %swap3A_45 = arith.constant 10112 : index
    %swap3A_46 = tpu.vector_load %arg5[%swap3A_45] {strides = array<i32>} : memref<10240xi32, #tpu.memory_space<vmem>>, vector<16xi32>,
    tpu.vector_store %arg5[%swap3A_45], %add3A_44 {strides = array<i32>} : memref<10240xi32, #tpu.memory_space<vmem>>, vector<16xi32>,
    %add3A_47 = arith.constant 10128 : i32
    %add3A_48 = vector.broadcast %add3A_47 : i32 to vector<16xi32>
    %add3A_49 = arith.addi %iota3A, %add3A_48 : vector<16xi32>
    %swap3A_50 = arith.constant 10128 : index
    %swap3A_51 = tpu.vector_load %arg5[%swap3A_50] {strides = array<i32>} : memref<10240xi32, #tpu.memory_space<vmem>>, vector<16xi32>,
    tpu.vector_store %arg5[%swap3A_50], %add3A_49 {strides = array<i32>} : memref<10240xi32, #tpu.memory_space<vmem>>, vector<16xi32>,
    %add3A_52 = arith.constant 10144 : i32
    %add3A_53 = vector.broadcast %add3A_52 : i32 to vector<16xi32>
    %add3A_54 = arith.addi %iota3A, %add3A_53 : vector<16xi32>
    %swap3A_55 = arith.constant 10144 : index
    %swap3A_56 = tpu.vector_load %arg5[%swap3A_55] {strides = array<i32>} : memref<10240xi32, #tpu.memory_space<vmem>>, vector<16xi32>,
    tpu.vector_store %arg5[%swap3A_55], %add3A_54 {strides = array<i32>} : memref<10240xi32, #tpu.memory_space<vmem>>, vector<16xi32>,
    %add3A_57 = arith.constant 10160 : i32
    %add3A_58 = vector.broadcast %add3A_57 : i32 to vector<16xi32>
    %add3A_59 = arith.addi %iota3A, %add3A_58 : vector<16xi32>
    %swap3A_60 = arith.constant 10160 : index
    %swap3A_61 = tpu.vector_load %arg5[%swap3A_60] {strides = array<i32>} : memref<10240xi32, #tpu.memory_space<vmem>>, vector<16xi32>,
    tpu.vector_store %arg5[%swap3A_60], %add3A_59 {strides = array<i32>} : memref<10240xi32, #tpu.memory_space<vmem>>, vector<16xi32>,
    %add3A_62 = arith.constant 10176 : i32
    %add3A_63 = vector.broadcast %add3A_62 : i32 to vector<16xi32>
    %add3A_64 = arith.addi %iota3A, %add3A_63 : vector<16xi32>
    %swap3A_65 = arith.constant 10176 : index
    %swap3A_66 = tpu.vector_load %arg5[%swap3A_65] {strides = array<i32>} : memref<10240xi32, #tpu.memory_space<vmem>>, vector<16xi32>,
    tpu.vector_store %arg5[%swap3A_65], %add3A_64 {strides = array<i32>} : memref<10240xi32, #tpu.memory_space<vmem>>, vector<16xi32>,
    %add3A_67 = arith.constant 10192 : i32
    %add3A_68 = vector.broadcast %add3A_67 : i32 to vector<16xi32>
    %add3A_69 = arith.addi %iota3A, %add3A_68 : vector<16xi32>
    %swap3A_70 = arith.constant 10192 : index
    %swap3A_71 = tpu.vector_load %arg5[%swap3A_70] {strides = array<i32>} : memref<10240xi32, #tpu.memory_space<vmem>>, vector<16xi32>,
    tpu.vector_store %arg5[%swap3A_70], %add3A_69 {strides = array<i32>} : memref<10240xi32, #tpu.memory_space<vmem>>, vector<16xi32>,
    %add3A_72 = arith.constant 10208 : i32
    %add3A_73 = vector.broadcast %add3A_72 : i32 to vector<16xi32>
    %add3A_74 = arith.addi %iota3A, %add3A_73 : vector<16xi32>
    %swap3A_75 = arith.constant 10208 : index
    %swap3A_76 = tpu.vector_load %arg5[%swap3A_75] {strides = array<i32>} : memref<10240xi32, #tpu.memory_space<vmem>>, vector<16xi32>,
    tpu.vector_store %arg5[%swap3A_75], %add3A_74 {strides = array<i32>} : memref<10240xi32, #tpu.memory_space<vmem>>, vector<16xi32>,
    %add3A_77 = arith.constant 10224 : i32
    %add3A_78 = vector.broadcast %add3A_77 : i32 to vector<16xi32>
    %add3A_79 = arith.addi %iota3A, %add3A_78 : vector<16xi32>
    %swap3A_80 = arith.constant 10224 : index
    %swap3A_81 = tpu.vector_load %arg5[%swap3A_80] {strides = array<i32>} : memref<10240xi32, #tpu.memory_space<vmem>>, vector<16xi32>,
    tpu.vector_store %arg5[%swap3A_80], %add3A_79 {strides = array<i32>} : memref<10240xi32, #tpu.memory_space<vmem>>, vector<16xi32>,
    %iota3A_82 = tpu.iota {dimensions = array<i32: 0>} : vector<16xi32>
    %add3A_83 = arith.constant 10000 : i32
    %add3A_84 = vector.broadcast %add3A_83 : i32 to vector<16xi32>
    %add3A_85 = arith.addi %iota3A_82, %add3A_84 : vector<16xi32>
    %swap3A_86 = arith.constant 10000 : index
    %swap3A_87 = tpu.vector_load %arg6[%swap3A_86] {strides = array<i32>} : memref<10240xi32, #tpu.memory_space<vmem>>, vector<16xi32>,
    tpu.vector_store %arg6[%swap3A_86], %add3A_85 {strides = array<i32>} : memref<10240xi32, #tpu.memory_space<vmem>>, vector<16xi32>,
    %add3A_88 = arith.constant 10016 : i32
    %add3A_89 = vector.broadcast %add3A_88 : i32 to vector<16xi32>
    %add3A_90 = arith.addi %iota3A_82, %add3A_89 : vector<16xi32>
    %swap3A_91 = arith.constant 10016 : index
    %swap3A_92 = tpu.vector_load %arg6[%swap3A_91] {strides = array<i32>} : memref<10240xi32, #tpu.memory_space<vmem>>, vector<16xi32>,
    tpu.vector_store %arg6[%swap3A_91], %add3A_90 {strides = array<i32>} : memref<10240xi32, #tpu.memory_space<vmem>>, vector<16xi32>,
    %add3A_93 = arith.constant 10032 : i32
    %add3A_94 = vector.broadcast %add3A_93 : i32 to vector<16xi32>
    %add3A_95 = arith.addi %iota3A_82, %add3A_94 : vector<16xi32>
    %swap3A_96 = arith.constant 10032 : index
    %swap3A_97 = tpu.vector_load %arg6[%swap3A_96] {strides = array<i32>} : memref<10240xi32, #tpu.memory_space<vmem>>, vector<16xi32>,
    tpu.vector_store %arg6[%swap3A_96], %add3A_95 {strides = array<i32>} : memref<10240xi32, #tpu.memory_space<vmem>>, vector<16xi32>,
    %add3A_98 = arith.constant 10048 : i32
    %add3A_99 = vector.broadcast %add3A_98 : i32 to vector<16xi32>
    %add3A_100 = arith.addi %iota3A_82, %add3A_99 : vector<16xi32>
    %swap3A_101 = arith.constant 10048 : index
    %swap3A_102 = tpu.vector_load %arg6[%swap3A_101] {strides = array<i32>} : memref<10240xi32, #tpu.memory_space<vmem>>, vector<16xi32>,
    tpu.vector_store %arg6[%swap3A_101], %add3A_100 {strides = array<i32>} : memref<10240xi32, #tpu.memory_space<vmem>>, vector<16xi32>,
    %add3A_103 = arith.constant 10064 : i32
    %add3A_104 = vector.broadcast %add3A_103 : i32 to vector<16xi32>
    %add3A_105 = arith.addi %iota3A_82, %add3A_104 : vector<16xi32>
    %swap3A_106 = arith.constant 10064 : index
    %swap3A_107 = tpu.vector_load %arg6[%swap3A_106] {strides = array<i32>} : memref<10240xi32, #tpu.memory_space<vmem>>, vector<16xi32>,
    tpu.vector_store %arg6[%swap3A_106], %add3A_105 {strides = array<i32>} : memref<10240xi32, #tpu.memory_space<vmem>>, vector<16xi32>,
    %add3A_108 = arith.constant 10080 : i32
    %add3A_109 = vector.broadcast %add3A_108 : i32 to vector<16xi32>
    %add3A_110 = arith.addi %iota3A_82, %add3A_109 : vector<16xi32>
    %swap3A_111 = arith.constant 10080 : index
    %swap3A_112 = tpu.vector_load %arg6[%swap3A_111] {strides = array<i32>} : memref<10240xi32, #tpu.memory_space<vmem>>, vector<16xi32>,
    tpu.vector_store %arg6[%swap3A_111], %add3A_110 {strides = array<i32>} : memref<10240xi32, #tpu.memory_space<vmem>>, vector<16xi32>,
    %add3A_113 = arith.constant 10096 : i32
    %add3A_114 = vector.broadcast %add3A_113 : i32 to vector<16xi32>
    %add3A_115 = arith.addi %iota3A_82, %add3A_114 : vector<16xi32>
    %swap3A_116 = arith.constant 10096 : index
    %swap3A_117 = tpu.vector_load %arg6[%swap3A_116] {strides = array<i32>} : memref<10240xi32, #tpu.memory_space<vmem>>, vector<16xi32>,
    tpu.vector_store %arg6[%swap3A_116], %add3A_115 {strides = array<i32>} : memref<10240xi32, #tpu.memory_space<vmem>>, vector<16xi32>,
    %add3A_118 = arith.constant 10112 : i32
    %add3A_119 = vector.broadcast %add3A_118 : i32 to vector<16xi32>
    %add3A_120 = arith.addi %iota3A_82, %add3A_119 : vector<16xi32>
    %swap3A_121 = arith.constant 10112 : index
    %swap3A_122 = tpu.vector_load %arg6[%swap3A_121] {strides = array<i32>} : memref<10240xi32, #tpu.memory_space<vmem>>, vector<16xi32>,
    tpu.vector_store %arg6[%swap3A_121], %add3A_120 {strides = array<i32>} : memref<10240xi32, #tpu.memory_space<vmem>>, vector<16xi32>,
    %add3A_123 = arith.constant 10128 : i32
    %add3A_124 = vector.broadcast %add3A_123 : i32 to vector<16xi32>
    %add3A_125 = arith.addi %iota3A_82, %add3A_124 : vector<16xi32>
    %swap3A_126 = arith.constant 10128 : index
    %swap3A_127 = tpu.vector_load %arg6[%swap3A_126] {strides = array<i32>} : memref<10240xi32, #tpu.memory_space<vmem>>, vector<16xi32>,
    tpu.vector_store %arg6[%swap3A_126], %add3A_125 {strides = array<i32>} : memref<10240xi32, #tpu.memory_space<vmem>>, vector<16xi32>,
    %add3A_128 = arith.constant 10144 : i32
    %add3A_129 = vector.broadcast %add3A_128 : i32 to vector<16xi32>
    %add3A_130 = arith.addi %iota3A_82, %add3A_129 : vector<16xi32>
    %swap3A_131 = arith.constant 10144 : index
    %swap3A_132 = tpu.vector_load %arg6[%swap3A_131] {strides = array<i32>} : memref<10240xi32, #tpu.memory_space<vmem>>, vector<16xi32>,
    tpu.vector_store %arg6[%swap3A_131], %add3A_130 {strides = array<i32>} : memref<10240xi32, #tpu.memory_space<vmem>>, vector<16xi32>,
    %add3A_133 = arith.constant 10160 : i32
    %add3A_134 = vector.broadcast %add3A_133 : i32 to vector<16xi32>
    %add3A_135 = arith.addi %iota3A_82, %add3A_134 : vector<16xi32>
    %swap3A_136 = arith.constant 10160 : index
    %swap3A_137 = tpu.vector_load %arg6[%swap3A_136] {strides = array<i32>} : memref<10240xi32, #tpu.memory_space<vmem>>, vector<16xi32>,
    tpu.vector_store %arg6[%swap3A_136], %add3A_135 {strides = array<i32>} : memref<10240xi32, #tpu.memory_space<vmem>>, vector<16xi32>,
    %add3A_138 = arith.constant 10176 : i32
    %add3A_139 = vector.broadcast %add3A_138 : i32 to vector<16xi32>
    %add3A_140 = arith.addi %iota3A_82, %add3A_139 : vector<16xi32>
    %swap3A_141 = arith.constant 10176 : index
    %swap3A_142 = tpu.vector_load %arg6[%swap3A_141] {strides = array<i32>} : memref<10240xi32, #tpu.memory_space<vmem>>, vector<16xi32>,
    tpu.vector_store %arg6[%swap3A_141], %add3A_140 {strides = array<i32>} : memref<10240xi32, #tpu.memory_space<vmem>>, vector<16xi32>,
    %add3A_143 = arith.constant 10192 : i32
    %add3A_144 = vector.broadcast %add3A_143 : i32 to vector<16xi32>
    %add3A_145 = arith.addi %iota3A_82, %add3A_144 : vector<16xi32>
    %swap3A_146 = arith.constant 10192 : index
    %swap3A_147 = tpu.vector_load %arg6[%swap3A_146] {strides = array<i32>} : memref<10240xi32, #tpu.memory_space<vmem>>, vector<16xi32>,
    tpu.vector_store %arg6[%swap3A_146], %add3A_145 {strides = array<i32>} : memref<10240xi32, #tpu.memory_space<vmem>>, vector<16xi32>,
    %add3A_148 = arith.constant 10208 : i32
    %add3A_149 = vector.broadcast %add3A_148 : i32 to vector<16xi32>
    %add3A_150 = arith.addi %iota3A_82, %add3A_149 : vector<16xi32>
    %swap3A_151 = arith.constant 10208 : index
    %swap3A_152 = tpu.vector_load %arg6[%swap3A_151] {strides = array<i32>} : memref<10240xi32, #tpu.memory_space<vmem>>, vector<16xi32>,
    tpu.vector_store %arg6[%swap3A_151], %add3A_150 {strides = array<i32>} : memref<10240xi32, #tpu.memory_space<vmem>>, vector<16xi32>,
    %add3A_153 = arith.constant 10224 : i32
    %add3A_154 = vector.broadcast %add3A_153 : i32 to vector<16xi32>
    %add3A_155 = arith.addi %iota3A_82, %add3A_154 : vector<16xi32>
    %swap3A_156 = arith.constant 10224 : index
    %swap3A_157 = tpu.vector_load %arg6[%swap3A_156] {strides = array<i32>} : memref<10240xi32, #tpu.memory_space<vmem>>, vector<16xi32>,
    tpu.vector_store %arg6[%swap3A_156], %add3A_155 {strides = array<i32>} : memref<10240xi32, #tpu.memory_space<vmem>>, vector<16xi32>,
    %broadcast_in_dim3A = arith.constant 0.000000e+00 : f32
    %broadcast_in_dim3A_158 = vector.broadcast %broadcast_in_dim3A : f32 to vector<16xf32>
    %scan3A = arith.constant 0 : i32
    %scan3A_159 = arith.constant 0 : i32
    %scan3A_160 = arith.constant 256 : i32
    %scan3A_161 = arith.addi %scan3A_159, %scan3A_160 : i32
    %scan3A_162 = arith.constant 1 : i32
    %scan3A_163 = scf.for %scan3A_218 = %scan3A_159 to %scan3A_161 step %scan3A_162 iter_args(%scan3A_219 = %scan3A) -> (i32)  : i32 {
      %jit3A = arith.constant 2 : i32
      %div3A = arith.divsi %scan3A_218, %jit3A : i32
      %sign3A = arith.constant 0 : i32
      %sign3A_220 = arith.cmpi sgt, %scan3A_218, %sign3A : i32
      %sign3A_221 = arith.extui %sign3A_220 : i1 to i32
      %sign3A_222 = arith.constant 0 : i32
      %sign3A_223 = arith.cmpi slt, %scan3A_218, %sign3A_222 : i32
      %sign3A_224 = arith.extui %sign3A_223 : i1 to i32
      %sign3A_225 = arith.subi %sign3A_221, %sign3A_224 : i32
      %sign3A_226 = arith.constant 0 : i32
      %sign3A_227 = arith.cmpi sgt, %jit3A, %sign3A_226 : i32
      %sign3A_228 = arith.extui %sign3A_227 : i1 to i32
      %sign3A_229 = arith.constant 0 : i32
      %sign3A_230 = arith.cmpi slt, %jit3A, %sign3A_229 : i32
      %sign3A_231 = arith.extui %sign3A_230 : i1 to i32
      %sign3A_232 = arith.subi %sign3A_228, %sign3A_231 : i32
      %ne3A = arith.cmpi ne, %sign3A_225, %sign3A_232 : i32
      %rem3A = arith.remsi %scan3A_218, %jit3A : i32
      %ne3A_233 = arith.constant 0 : i32
      %ne3A_234 = arith.cmpi ne, %rem3A, %ne3A_233 : i32
      %and3A = arith.andi %ne3A, %ne3A_234 : i1
      %sub3A = arith.constant 1 : i32
      %sub3A_235 = arith.subi %div3A, %sub3A : i32
      %select_n3A = arith.select %and3A, %sub3A_235, %div3A : i32
      %jit3A_236 = arith.constant 2 : i32
      %eq3A = arith.constant 0 : i32
      %eq3A_237 = arith.cmpi eq, %jit3A_236, %eq3A : i32
      %jit3A_238 = arith.constant 1 : i32
      %select_n3A_239 = arith.select %eq3A_237, %jit3A_238, %jit3A_236 : i32
      %rem3A_240 = arith.remsi %scan3A_218, %select_n3A_239 : i32
      %ne3A_241 = arith.constant 0 : i32
      %ne3A_242 = arith.cmpi ne, %rem3A_240, %ne3A_241 : i32
      %lt3A = arith.constant 0 : i32
      %lt3A_243 = arith.cmpi slt, %rem3A_240, %lt3A : i32
      %lt3A_244 = arith.constant 0 : i32
      %lt3A_245 = arith.cmpi slt, %select_n3A_239, %lt3A_244 : i32
      %ne3A_246 = arith.xori %lt3A_243, %lt3A_245 : i1
      %and3A_247 = arith.andi %ne3A_246, %ne3A_242 : i1
      %add3A_248 = arith.addi %rem3A_240, %select_n3A_239 : i32
      %select_n3A_249 = arith.select %and3A_247, %add3A_248, %rem3A_240 : i32
      %mul3A_250 = arith.constant 16 : i32
      %mul3A_251 = arith.muli %select_n3A_249, %mul3A_250 : i32
      %swap3A_252 = arith.index_cast %select_n3A : i32 to index
      %swap3A_253 = arith.index_cast %mul3A_251 : i32 to index
      %swap3A_254 = tpu.vector_load %arg8[%swap3A_252, %swap3A_253] {strides = array<i32>} : memref<128x32xf32, #tpu.memory_space<vmem>>, vector<1x16xf32>,
      %swap3A_255 = vector.shape_cast %swap3A_254 : vector<1x16xf32> to vector<16xf32>
      %swap3A_256 = vector.shape_cast %broadcast_in_dim3A_158 : vector<16xf32> to vector<1x16xf32>
      tpu.vector_store %arg8[%swap3A_252, %swap3A_253], %swap3A_256 {strides = array<i32>} : memref<128x32xf32, #tpu.memory_space<vmem>>, vector<1x16xf32>,
      %scan3A_257 = arith.constant 0 : i32
      scf.yield %scan3A_257 : i32
    }
    %scan3A_164 = arith.constant 256 : i32
    %scan3A_165 = arith.constant 0 : i32
    %scan3A_166 = arith.constant 0 : i32
    %scan3A_167 = arith.constant 5 : i32
    %scan3A_168 = arith.addi %scan3A_166, %scan3A_167 : i32
    %scan3A_169 = arith.constant 1 : i32
    %scan3A_170 = scf.for %scan3A_218 = %scan3A_166 to %scan3A_168 step %scan3A_169 iter_args(%scan3A_219 = %scan3A_165) -> (i32)  : i32 {
      %mul3A_220 = arith.constant 128 : i32
      %mul3A_221 = arith.muli %scan3A_218, %mul3A_220 : i32
      %add3A_222 = arith.addi %mul3A_2, %mul3A_221 : i32
      "tpu.region"() ({
        %run_scoped3A_224 = tpu.sem_alloc : memref<!tpu.dma_semaphore, #tpu.memory_space<semaphore_mem>>
        %dma_start3A_225 = arith.constant 0 : i32
        %dma_start3A_226 = tpu.memref_slice %arg9[%add3A_222, %dma_start3A_225] : memref<10240x32xf32, #tpu.memory_space<vmem_shared>> -> memref<128x32xf32, #tpu.memory_space<vmem_shared>>
        %dma_start3A_227 = arith.constant 0 : i32
        %dma_start3A_228 = tpu.memref_slice %arg9[%add3A_222, %dma_start3A_227] : memref<10240x32xf32, #tpu.memory_space<vmem_shared>> -> memref<128x32xf32, #tpu.memory_space<vmem_shared>>
        tpu.enqueue_dma source(%arg8 : memref<128x32xf32, #tpu.memory_space<vmem>>) target(%dma_start3A_228 : memref<128x32xf32, #tpu.memory_space<vmem_shared>>) target_semaphore(%run_scoped3A_224 : memref<!tpu.dma_semaphore, #tpu.memory_space<semaphore_mem>>)
        %dma_wait3A_229 = arith.constant 0 : i32
        %dma_wait3A_230 = tpu.memref_slice %arg9[%add3A_222, %dma_wait3A_229] : memref<10240x32xf32, #tpu.memory_space<vmem_shared>> -> memref<128x32xf32, #tpu.memory_space<vmem_shared>>
        %dma_wait3A_231 = arith.constant 0 : i32
        %dma_wait3A_232 = tpu.memref_slice %arg9[%add3A_222, %dma_wait3A_231] : memref<10240x32xf32, #tpu.memory_space<vmem_shared>> -> memref<128x32xf32, #tpu.memory_space<vmem_shared>>
        tpu.wait_dma2 semaphore(%run_scoped3A_224 : memref<!tpu.dma_semaphore, #tpu.memory_space<semaphore_mem>>) src(%arg8 : memref<128x32xf32, #tpu.memory_space<vmem>>) dst(%dma_wait3A_232 : memref<128x32xf32, #tpu.memory_space<vmem_shared>>)
        tpu.yield
      }) : () -> ()
      %scan3A_223 = arith.constant 0 : i32
      scf.yield %scan3A_223 : i32
    }
    %scan3A_171 = arith.constant 5 : i32
    %barrier3A = arith.constant 0 : index
    tpu.barrier barrier_id(%barrier3A)
    %dma_start3A = arith.constant 0 : i32
    %dma_start3A_172 = arith.constant 0 : i32
    %dma_start3A_173 = arith.constant 0 : i32
    %dma_start3A_174 = tpu.memref_slice %arg7[%dma_start3A, %dma_start3A_172, %dma_start3A_173] : memref<4x128x32xf32, #tpu.memory_space<vmem>> -> memref<1x128x32xf32, #tpu.memory_space<vmem>>
    %dma_start3A_175 = tpu.memref_squeeze %dma_start3A_174 : memref<1x128x32xf32, #tpu.memory_space<vmem>> -> memref<128x32xf32, #tpu.memory_space<vmem>>
    %dma_start3A_176 = arith.constant 0 : i32
    %dma_start3A_177 = tpu.memref_slice %arg5[%dma_start3A_176] : memref<10240xi32, #tpu.memory_space<vmem>> -> memref<128xi32, #tpu.memory_space<vmem>>
    %dma_start3A_178 = arith.constant 0 : i32
    %dma_start3A_179 = arith.constant 0 : i32
    %dma_start3A_180 = tpu.memref_slice %arg2[%dma_start3A_178, %dma_start3A_179] : memref<10240x32xf32, #tpu.memory_space<hbm>> -> memref<10240x32xf32, #tpu.memory_space<hbm>>
    tpu.enqueue_indirect_dma source(%dma_start3A_180 : memref<10240x32xf32, #tpu.memory_space<hbm>>) target(%dma_start3A_175 : memref<128x32xf32, #tpu.memory_space<vmem>>) offsets(%dma_start3A_177 : memref<128xi32, #tpu.memory_space<vmem>>) semaphore(%arg10 : memref<!tpu.dma_semaphore, #tpu.memory_space<semaphore_mem>>)
    %dma_start3A_181 = arith.constant 1 : i32
    %dma_start3A_182 = arith.constant 0 : i32
    %dma_start3A_183 = arith.constant 0 : i32
    %dma_start3A_184 = tpu.memref_slice %arg7[%dma_start3A_181, %dma_start3A_182, %dma_start3A_183] : memref<4x128x32xf32, #tpu.memory_space<vmem>> -> memref<1x128x32xf32, #tpu.memory_space<vmem>>
    %dma_start3A_185 = tpu.memref_squeeze %dma_start3A_184 : memref<1x128x32xf32, #tpu.memory_space<vmem>> -> memref<128x32xf32, #tpu.memory_space<vmem>>
    %dma_start3A_186 = arith.constant 128 : i32
    %dma_start3A_187 = tpu.memref_slice %arg5[%dma_start3A_186] : memref<10240xi32, #tpu.memory_space<vmem>> -> memref<128xi32, #tpu.memory_space<vmem>>
    %dma_start3A_188 = arith.constant 0 : i32
    %dma_start3A_189 = arith.constant 0 : i32
    %dma_start3A_190 = tpu.memref_slice %arg2[%dma_start3A_188, %dma_start3A_189] : memref<10240x32xf32, #tpu.memory_space<hbm>> -> memref<10240x32xf32, #tpu.memory_space<hbm>>
    tpu.enqueue_indirect_dma source(%dma_start3A_190 : memref<10240x32xf32, #tpu.memory_space<hbm>>) target(%dma_start3A_185 : memref<128x32xf32, #tpu.memory_space<vmem>>) offsets(%dma_start3A_187 : memref<128xi32, #tpu.memory_space<vmem>>) semaphore(%arg11 : memref<!tpu.dma_semaphore, #tpu.memory_space<semaphore_mem>>)
    %scan3A_191 = arith.constant 0 : i32
    %scan3A_192 = arith.constant 0 : i32
    %scan3A_193 = arith.constant 20 : i32
    %scan3A_194 = arith.addi %scan3A_192, %scan3A_193 : i32
    %scan3A_195 = arith.constant 1 : i32
    %scan3A_196 = scf.for %scan3A_218 = %scan3A_192 to %scan3A_194 step %scan3A_195 iter_args(%scan3A_219 = %scan3A_191) -> (i32)  : i32 {
      %mul3A_220 = arith.constant 4 : i32
      %mul3A_221 = arith.muli %scan3A_218, %mul3A_220 : i32
      %add3A_222 = arith.constant 0 : i32
      %add3A_223 = arith.addi %mul3A_221, %add3A_222 : i32
      %ge3A = arith.constant 2 : i32
      %ge3A_224 = arith.cmpi sge, %add3A_223, %ge3A : i32
      %convert_element_type3A = arith.extui %ge3A_224 : i1 to i32
      %cond3A = arith.constant 0 : i32
      %cond3A_225 = arith.cmpi ne, %convert_element_type3A, %cond3A : i32
      scf.if %cond3A_225 {
        %sub3A = arith.constant 2 : i32
        %sub3A_369 = arith.subi %add3A_223, %sub3A : i32
        %mul3A_370 = arith.constant 128 : i32
        %mul3A_371 = arith.muli %sub3A_369, %mul3A_370 : i32
        %dma_wait3A_372 = arith.constant 2 : i32
        %dma_wait3A_373 = arith.constant 0 : i32
        %dma_wait3A_374 = arith.constant 0 : i32
        %dma_wait3A_375 = tpu.memref_slice %arg7[%dma_wait3A_372, %dma_wait3A_373, %dma_wait3A_374] : memref<4x128x32xf32, #tpu.memory_space<vmem>> -> memref<1x128x32xf32, #tpu.memory_space<vmem>>
        %dma_wait3A_376 = tpu.memref_squeeze %dma_wait3A_375 : memref<1x128x32xf32, #tpu.memory_space<vmem>> -> memref<128x32xf32, #tpu.memory_space<vmem>>
        %dma_wait3A_377 = tpu.memref_slice %arg6[%mul3A_371] : memref<10240xi32, #tpu.memory_space<vmem>> -> memref<128xi32, #tpu.memory_space<vmem>>
        %dma_wait3A_378 = arith.constant 0 : i32
        %dma_wait3A_379 = arith.constant 0 : i32
        %dma_wait3A_380 = tpu.memref_slice %arg9[%dma_wait3A_378, %dma_wait3A_379] : memref<10240x32xf32, #tpu.memory_space<vmem_shared>> -> memref<10240x32xf32, #tpu.memory_space<vmem_shared>>
        tpu.wait_indirect_dma semaphore(%arg16 : memref<!tpu.dma_semaphore, #tpu.memory_space<semaphore_mem>>) src(%dma_wait3A_376 : memref<128x32xf32, #tpu.memory_space<vmem>>) dst(%dma_wait3A_380 : memref<10240x32xf32, #tpu.memory_space<vmem_shared>>)
      } else {
      }
      %add3A_226 = arith.constant 2 : i32
      %add3A_227 = arith.addi %add3A_223, %add3A_226 : i32
      %lt3A = arith.constant 80 : i32
      %lt3A_228 = arith.cmpi slt, %add3A_227, %lt3A : i32
      %convert_element_type3A_229 = arith.extui %lt3A_228 : i1 to i32
      %cond3A_230 = arith.constant 0 : i32
      %cond3A_231 = arith.cmpi ne, %convert_element_type3A_229, %cond3A_230 : i32
      scf.if %cond3A_231 {
        %add3A_369 = arith.constant 2 : i32
        %add3A_370 = arith.addi %add3A_223, %add3A_369 : i32
        %mul3A_371 = arith.constant 128 : i32
        %mul3A_372 = arith.muli %add3A_370, %mul3A_371 : i32
        %dma_start3A_373 = arith.constant 2 : i32
        %dma_start3A_374 = arith.constant 0 : i32
        %dma_start3A_375 = arith.constant 0 : i32
        %dma_start3A_376 = tpu.memref_slice %arg7[%dma_start3A_373, %dma_start3A_374, %dma_start3A_375] : memref<4x128x32xf32, #tpu.memory_space<vmem>> -> memref<1x128x32xf32, #tpu.memory_space<vmem>>
        %dma_start3A_377 = tpu.memref_squeeze %dma_start3A_376 : memref<1x128x32xf32, #tpu.memory_space<vmem>> -> memref<128x32xf32, #tpu.memory_space<vmem>>
        %dma_start3A_378 = tpu.memref_slice %arg5[%mul3A_372] : memref<10240xi32, #tpu.memory_space<vmem>> -> memref<128xi32, #tpu.memory_space<vmem>>
        %dma_start3A_379 = arith.constant 0 : i32
        %dma_start3A_380 = arith.constant 0 : i32
        %dma_start3A_381 = tpu.memref_slice %arg2[%dma_start3A_379, %dma_start3A_380] : memref<10240x32xf32, #tpu.memory_space<hbm>> -> memref<10240x32xf32, #tpu.memory_space<hbm>>
        tpu.enqueue_indirect_dma source(%dma_start3A_381 : memref<10240x32xf32, #tpu.memory_space<hbm>>) target(%dma_start3A_377 : memref<128x32xf32, #tpu.memory_space<vmem>>) offsets(%dma_start3A_378 : memref<128xi32, #tpu.memory_space<vmem>>) semaphore(%arg12 : memref<!tpu.dma_semaphore, #tpu.memory_space<semaphore_mem>>)
      } else {
      }
      %mul3A_232 = arith.constant 128 : i32
      %mul3A_233 = arith.muli %add3A_223, %mul3A_232 : i32
      %dma_wait3A_234 = arith.constant 0 : i32
      %dma_wait3A_235 = arith.constant 0 : i32
      %dma_wait3A_236 = arith.constant 0 : i32
      %dma_wait3A_237 = tpu.memref_slice %arg7[%dma_wait3A_234, %dma_wait3A_235, %dma_wait3A_236] : memref<4x128x32xf32, #tpu.memory_space<vmem>> -> memref<1x128x32xf32, #tpu.memory_space<vmem>>
      %dma_wait3A_238 = tpu.memref_squeeze %dma_wait3A_237 : memref<1x128x32xf32, #tpu.memory_space<vmem>> -> memref<128x32xf32, #tpu.memory_space<vmem>>
      %dma_wait3A_239 = tpu.memref_slice %arg5[%mul3A_233] : memref<10240xi32, #tpu.memory_space<vmem>> -> memref<128xi32, #tpu.memory_space<vmem>>
      %dma_wait3A_240 = arith.constant 0 : i32
      %dma_wait3A_241 = arith.constant 0 : i32
      %dma_wait3A_242 = tpu.memref_slice %arg2[%dma_wait3A_240, %dma_wait3A_241] : memref<10240x32xf32, #tpu.memory_space<hbm>> -> memref<10240x32xf32, #tpu.memory_space<hbm>>
      tpu.wait_indirect_dma semaphore(%arg10 : memref<!tpu.dma_semaphore, #tpu.memory_space<semaphore_mem>>) src(%dma_wait3A_242 : memref<10240x32xf32, #tpu.memory_space<hbm>>) dst(%dma_wait3A_238 : memref<128x32xf32, #tpu.memory_space<vmem>>)
      %mul3A_243 = arith.constant 128 : i32
      %mul3A_244 = arith.muli %add3A_223, %mul3A_243 : i32
      %dma_start3A_245 = arith.constant 0 : i32
      %dma_start3A_246 = arith.constant 0 : i32
      %dma_start3A_247 = arith.constant 0 : i32
      %dma_start3A_248 = tpu.memref_slice %arg7[%dma_start3A_245, %dma_start3A_246, %dma_start3A_247] : memref<4x128x32xf32, #tpu.memory_space<vmem>> -> memref<1x128x32xf32, #tpu.memory_space<vmem>>
      %dma_start3A_249 = tpu.memref_squeeze %dma_start3A_248 : memref<1x128x32xf32, #tpu.memory_space<vmem>> -> memref<128x32xf32, #tpu.memory_space<vmem>>
      %dma_start3A_250 = tpu.memref_slice %arg6[%mul3A_244] : memref<10240xi32, #tpu.memory_space<vmem>> -> memref<128xi32, #tpu.memory_space<vmem>>
      %dma_start3A_251 = arith.constant 0 : i32
      %dma_start3A_252 = arith.constant 0 : i32
      %dma_start3A_253 = tpu.memref_slice %arg9[%dma_start3A_251, %dma_start3A_252] : memref<10240x32xf32, #tpu.memory_space<vmem_shared>> -> memref<10240x32xf32, #tpu.memory_space<vmem_shared>>
      tpu.enqueue_indirect_dma source(%dma_start3A_249 : memref<128x32xf32, #tpu.memory_space<vmem>>) target(%dma_start3A_253 : memref<10240x32xf32, #tpu.memory_space<vmem_shared>>) offsets(%dma_start3A_250 : memref<128xi32, #tpu.memory_space<vmem>>) semaphore(%arg14 : memref<!tpu.dma_semaphore, #tpu.memory_space<semaphore_mem>>) {add = true}
      %mul3A_254 = arith.constant 4 : i32
      %mul3A_255 = arith.muli %scan3A_218, %mul3A_254 : i32
      %add3A_256 = arith.constant 1 : i32
      %add3A_257 = arith.addi %mul3A_255, %add3A_256 : i32
      %ge3A_258 = arith.constant 2 : i32
      %ge3A_259 = arith.cmpi sge, %add3A_257, %ge3A_258 : i32
      %convert_element_type3A_260 = arith.extui %ge3A_259 : i1 to i32
      %cond3A_261 = arith.constant 0 : i32
      %cond3A_262 = arith.cmpi ne, %convert_element_type3A_260, %cond3A_261 : i32
      scf.if %cond3A_262 {
        %sub3A = arith.constant 2 : i32
        %sub3A_369 = arith.subi %add3A_257, %sub3A : i32
        %mul3A_370 = arith.constant 128 : i32
        %mul3A_371 = arith.muli %sub3A_369, %mul3A_370 : i32
        %dma_wait3A_372 = arith.constant 3 : i32
        %dma_wait3A_373 = arith.constant 0 : i32
        %dma_wait3A_374 = arith.constant 0 : i32
        %dma_wait3A_375 = tpu.memref_slice %arg7[%dma_wait3A_372, %dma_wait3A_373, %dma_wait3A_374] : memref<4x128x32xf32, #tpu.memory_space<vmem>> -> memref<1x128x32xf32, #tpu.memory_space<vmem>>
        %dma_wait3A_376 = tpu.memref_squeeze %dma_wait3A_375 : memref<1x128x32xf32, #tpu.memory_space<vmem>> -> memref<128x32xf32, #tpu.memory_space<vmem>>
        %dma_wait3A_377 = tpu.memref_slice %arg6[%mul3A_371] : memref<10240xi32, #tpu.memory_space<vmem>> -> memref<128xi32, #tpu.memory_space<vmem>>
        %dma_wait3A_378 = arith.constant 0 : i32
        %dma_wait3A_379 = arith.constant 0 : i32
        %dma_wait3A_380 = tpu.memref_slice %arg9[%dma_wait3A_378, %dma_wait3A_379] : memref<10240x32xf32, #tpu.memory_space<vmem_shared>> -> memref<10240x32xf32, #tpu.memory_space<vmem_shared>>
        tpu.wait_indirect_dma semaphore(%arg17 : memref<!tpu.dma_semaphore, #tpu.memory_space<semaphore_mem>>) src(%dma_wait3A_376 : memref<128x32xf32, #tpu.memory_space<vmem>>) dst(%dma_wait3A_380 : memref<10240x32xf32, #tpu.memory_space<vmem_shared>>)
      } else {
      }
      %add3A_263 = arith.constant 2 : i32
      %add3A_264 = arith.addi %add3A_257, %add3A_263 : i32
      %lt3A_265 = arith.constant 80 : i32
      %lt3A_266 = arith.cmpi slt, %add3A_264, %lt3A_265 : i32
      %convert_element_type3A_267 = arith.extui %lt3A_266 : i1 to i32
      %cond3A_268 = arith.constant 0 : i32
      %cond3A_269 = arith.cmpi ne, %convert_element_type3A_267, %cond3A_268 : i32
      scf.if %cond3A_269 {
        %add3A_369 = arith.constant 2 : i32
        %add3A_370 = arith.addi %add3A_257, %add3A_369 : i32
        %mul3A_371 = arith.constant 128 : i32
        %mul3A_372 = arith.muli %add3A_370, %mul3A_371 : i32
        %dma_start3A_373 = arith.constant 3 : i32
        %dma_start3A_374 = arith.constant 0 : i32
        %dma_start3A_375 = arith.constant 0 : i32
        %dma_start3A_376 = tpu.memref_slice %arg7[%dma_start3A_373, %dma_start3A_374, %dma_start3A_375] : memref<4x128x32xf32, #tpu.memory_space<vmem>> -> memref<1x128x32xf32, #tpu.memory_space<vmem>>
        %dma_start3A_377 = tpu.memref_squeeze %dma_start3A_376 : memref<1x128x32xf32, #tpu.memory_space<vmem>> -> memref<128x32xf32, #tpu.memory_space<vmem>>
        %dma_start3A_378 = tpu.memref_slice %arg5[%mul3A_372] : memref<10240xi32, #tpu.memory_space<vmem>> -> memref<128xi32, #tpu.memory_space<vmem>>
        %dma_start3A_379 = arith.constant 0 : i32
        %dma_start3A_380 = arith.constant 0 : i32
        %dma_start3A_381 = tpu.memref_slice %arg2[%dma_start3A_379, %dma_start3A_380] : memref<10240x32xf32, #tpu.memory_space<hbm>> -> memref<10240x32xf32, #tpu.memory_space<hbm>>
        tpu.enqueue_indirect_dma source(%dma_start3A_381 : memref<10240x32xf32, #tpu.memory_space<hbm>>) target(%dma_start3A_377 : memref<128x32xf32, #tpu.memory_space<vmem>>) offsets(%dma_start3A_378 : memref<128xi32, #tpu.memory_space<vmem>>) semaphore(%arg13 : memref<!tpu.dma_semaphore, #tpu.memory_space<semaphore_mem>>)
      } else {
      }
      %mul3A_270 = arith.constant 128 : i32
      %mul3A_271 = arith.muli %add3A_257, %mul3A_270 : i32
      %dma_wait3A_272 = arith.constant 1 : i32
      %dma_wait3A_273 = arith.constant 0 : i32
      %dma_wait3A_274 = arith.constant 0 : i32
      %dma_wait3A_275 = tpu.memref_slice %arg7[%dma_wait3A_272, %dma_wait3A_273, %dma_wait3A_274] : memref<4x128x32xf32, #tpu.memory_space<vmem>> -> memref<1x128x32xf32, #tpu.memory_space<vmem>>
      %dma_wait3A_276 = tpu.memref_squeeze %dma_wait3A_275 : memref<1x128x32xf32, #tpu.memory_space<vmem>> -> memref<128x32xf32, #tpu.memory_space<vmem>>
      %dma_wait3A_277 = tpu.memref_slice %arg5[%mul3A_271] : memref<10240xi32, #tpu.memory_space<vmem>> -> memref<128xi32, #tpu.memory_space<vmem>>
      %dma_wait3A_278 = arith.constant 0 : i32
      %dma_wait3A_279 = arith.constant 0 : i32
      %dma_wait3A_280 = tpu.memref_slice %arg2[%dma_wait3A_278, %dma_wait3A_279] : memref<10240x32xf32, #tpu.memory_space<hbm>> -> memref<10240x32xf32, #tpu.memory_space<hbm>>
      tpu.wait_indirect_dma semaphore(%arg11 : memref<!tpu.dma_semaphore, #tpu.memory_space<semaphore_mem>>) src(%dma_wait3A_280 : memref<10240x32xf32, #tpu.memory_space<hbm>>) dst(%dma_wait3A_276 : memref<128x32xf32, #tpu.memory_space<vmem>>)
      %mul3A_281 = arith.constant 128 : i32
      %mul3A_282 = arith.muli %add3A_257, %mul3A_281 : i32
      %dma_start3A_283 = arith.constant 1 : i32
      %dma_start3A_284 = arith.constant 0 : i32
      %dma_start3A_285 = arith.constant 0 : i32
      %dma_start3A_286 = tpu.memref_slice %arg7[%dma_start3A_283, %dma_start3A_284, %dma_start3A_285] : memref<4x128x32xf32, #tpu.memory_space<vmem>> -> memref<1x128x32xf32, #tpu.memory_space<vmem>>
      %dma_start3A_287 = tpu.memref_squeeze %dma_start3A_286 : memref<1x128x32xf32, #tpu.memory_space<vmem>> -> memref<128x32xf32, #tpu.memory_space<vmem>>
      %dma_start3A_288 = tpu.memref_slice %arg6[%mul3A_282] : memref<10240xi32, #tpu.memory_space<vmem>> -> memref<128xi32, #tpu.memory_space<vmem>>
      %dma_start3A_289 = arith.constant 0 : i32
      %dma_start3A_290 = arith.constant 0 : i32
      %dma_start3A_291 = tpu.memref_slice %arg9[%dma_start3A_289, %dma_start3A_290] : memref<10240x32xf32, #tpu.memory_space<vmem_shared>> -> memref<10240x32xf32, #tpu.memory_space<vmem_shared>>
      tpu.enqueue_indirect_dma source(%dma_start3A_287 : memref<128x32xf32, #tpu.memory_space<vmem>>) target(%dma_start3A_291 : memref<10240x32xf32, #tpu.memory_space<vmem_shared>>) offsets(%dma_start3A_288 : memref<128xi32, #tpu.memory_space<vmem>>) semaphore(%arg15 : memref<!tpu.dma_semaphore, #tpu.memory_space<semaphore_mem>>) {add = true}
      %mul3A_292 = arith.constant 4 : i32
      %mul3A_293 = arith.muli %scan3A_218, %mul3A_292 : i32
      %add3A_294 = arith.constant 2 : i32
      %add3A_295 = arith.addi %mul3A_293, %add3A_294 : i32
      %ge3A_296 = arith.constant 2 : i32
      %ge3A_297 = arith.cmpi sge, %add3A_295, %ge3A_296 : i32
      %convert_element_type3A_298 = arith.extui %ge3A_297 : i1 to i32
      %cond3A_299 = arith.constant 0 : i32
      %cond3A_300 = arith.cmpi ne, %convert_element_type3A_298, %cond3A_299 : i32
      scf.if %cond3A_300 {
        %sub3A = arith.constant 2 : i32
        %sub3A_369 = arith.subi %add3A_295, %sub3A : i32
        %mul3A_370 = arith.constant 128 : i32
        %mul3A_371 = arith.muli %sub3A_369, %mul3A_370 : i32
        %dma_wait3A_372 = arith.constant 0 : i32
        %dma_wait3A_373 = arith.constant 0 : i32
        %dma_wait3A_374 = arith.constant 0 : i32
        %dma_wait3A_375 = tpu.memref_slice %arg7[%dma_wait3A_372, %dma_wait3A_373, %dma_wait3A_374] : memref<4x128x32xf32, #tpu.memory_space<vmem>> -> memref<1x128x32xf32, #tpu.memory_space<vmem>>
        %dma_wait3A_376 = tpu.memref_squeeze %dma_wait3A_375 : memref<1x128x32xf32, #tpu.memory_space<vmem>> -> memref<128x32xf32, #tpu.memory_space<vmem>>
        %dma_wait3A_377 = tpu.memref_slice %arg6[%mul3A_371] : memref<10240xi32, #tpu.memory_space<vmem>> -> memref<128xi32, #tpu.memory_space<vmem>>
        %dma_wait3A_378 = arith.constant 0 : i32
        %dma_wait3A_379 = arith.constant 0 : i32
        %dma_wait3A_380 = tpu.memref_slice %arg9[%dma_wait3A_378, %dma_wait3A_379] : memref<10240x32xf32, #tpu.memory_space<vmem_shared>> -> memref<10240x32xf32, #tpu.memory_space<vmem_shared>>
        tpu.wait_indirect_dma semaphore(%arg14 : memref<!tpu.dma_semaphore, #tpu.memory_space<semaphore_mem>>) src(%dma_wait3A_376 : memref<128x32xf32, #tpu.memory_space<vmem>>) dst(%dma_wait3A_380 : memref<10240x32xf32, #tpu.memory_space<vmem_shared>>)
      } else {
      }
      %add3A_301 = arith.constant 2 : i32
      %add3A_302 = arith.addi %add3A_295, %add3A_301 : i32
      %lt3A_303 = arith.constant 80 : i32
      %lt3A_304 = arith.cmpi slt, %add3A_302, %lt3A_303 : i32
      %convert_element_type3A_305 = arith.extui %lt3A_304 : i1 to i32
      %cond3A_306 = arith.constant 0 : i32
      %cond3A_307 = arith.cmpi ne, %convert_element_type3A_305, %cond3A_306 : i32
      scf.if %cond3A_307 {
        %add3A_369 = arith.constant 2 : i32
        %add3A_370 = arith.addi %add3A_295, %add3A_369 : i32
        %mul3A_371 = arith.constant 128 : i32
        %mul3A_372 = arith.muli %add3A_370, %mul3A_371 : i32
        %dma_start3A_373 = arith.constant 0 : i32
        %dma_start3A_374 = arith.constant 0 : i32
        %dma_start3A_375 = arith.constant 0 : i32
        %dma_start3A_376 = tpu.memref_slice %arg7[%dma_start3A_373, %dma_start3A_374, %dma_start3A_375] : memref<4x128x32xf32, #tpu.memory_space<vmem>> -> memref<1x128x32xf32, #tpu.memory_space<vmem>>
        %dma_start3A_377 = tpu.memref_squeeze %dma_start3A_376 : memref<1x128x32xf32, #tpu.memory_space<vmem>> -> memref<128x32xf32, #tpu.memory_space<vmem>>
        %dma_start3A_378 = tpu.memref_slice %arg5[%mul3A_372] : memref<10240xi32, #tpu.memory_space<vmem>> -> memref<128xi32, #tpu.memory_space<vmem>>
        %dma_start3A_379 = arith.constant 0 : i32
        %dma_start3A_380 = arith.constant 0 : i32
        %dma_start3A_381 = tpu.memref_slice %arg2[%dma_start3A_379, %dma_start3A_380] : memref<10240x32xf32, #tpu.memory_space<hbm>> -> memref<10240x32xf32, #tpu.memory_space<hbm>>
        tpu.enqueue_indirect_dma source(%dma_start3A_381 : memref<10240x32xf32, #tpu.memory_space<hbm>>) target(%dma_start3A_377 : memref<128x32xf32, #tpu.memory_space<vmem>>) offsets(%dma_start3A_378 : memref<128xi32, #tpu.memory_space<vmem>>) semaphore(%arg10 : memref<!tpu.dma_semaphore, #tpu.memory_space<semaphore_mem>>)
      } else {
      }
      %mul3A_308 = arith.constant 128 : i32
      %mul3A_309 = arith.muli %add3A_295, %mul3A_308 : i32
      %dma_wait3A_310 = arith.constant 2 : i32
      %dma_wait3A_311 = arith.constant 0 : i32
      %dma_wait3A_312 = arith.constant 0 : i32
      %dma_wait3A_313 = tpu.memref_slice %arg7[%dma_wait3A_310, %dma_wait3A_311, %dma_wait3A_312] : memref<4x128x32xf32, #tpu.memory_space<vmem>> -> memref<1x128x32xf32, #tpu.memory_space<vmem>>
      %dma_wait3A_314 = tpu.memref_squeeze %dma_wait3A_313 : memref<1x128x32xf32, #tpu.memory_space<vmem>> -> memref<128x32xf32, #tpu.memory_space<vmem>>
      %dma_wait3A_315 = tpu.memref_slice %arg5[%mul3A_309] : memref<10240xi32, #tpu.memory_space<vmem>> -> memref<128xi32, #tpu.memory_space<vmem>>
      %dma_wait3A_316 = arith.constant 0 : i32
      %dma_wait3A_317 = arith.constant 0 : i32
      %dma_wait3A_318 = tpu.memref_slice %arg2[%dma_wait3A_316, %dma_wait3A_317] : memref<10240x32xf32, #tpu.memory_space<hbm>> -> memref<10240x32xf32, #tpu.memory_space<hbm>>
      tpu.wait_indirect_dma semaphore(%arg12 : memref<!tpu.dma_semaphore, #tpu.memory_space<semaphore_mem>>) src(%dma_wait3A_318 : memref<10240x32xf32, #tpu.memory_space<hbm>>) dst(%dma_wait3A_314 : memref<128x32xf32, #tpu.memory_space<vmem>>)
      %mul3A_319 = arith.constant 128 : i32
      %mul3A_320 = arith.muli %add3A_295, %mul3A_319 : i32
      %dma_start3A_321 = arith.constant 2 : i32
      %dma_start3A_322 = arith.constant 0 : i32
      %dma_start3A_323 = arith.constant 0 : i32
      %dma_start3A_324 = tpu.memref_slice %arg7[%dma_start3A_321, %dma_start3A_322, %dma_start3A_323] : memref<4x128x32xf32, #tpu.memory_space<vmem>> -> memref<1x128x32xf32, #tpu.memory_space<vmem>>
      %dma_start3A_325 = tpu.memref_squeeze %dma_start3A_324 : memref<1x128x32xf32, #tpu.memory_space<vmem>> -> memref<128x32xf32, #tpu.memory_space<vmem>>
      %dma_start3A_326 = tpu.memref_slice %arg6[%mul3A_320] : memref<10240xi32, #tpu.memory_space<vmem>> -> memref<128xi32, #tpu.memory_space<vmem>>
      %dma_start3A_327 = arith.constant 0 : i32
      %dma_start3A_328 = arith.constant 0 : i32
      %dma_start3A_329 = tpu.memref_slice %arg9[%dma_start3A_327, %dma_start3A_328] : memref<10240x32xf32, #tpu.memory_space<vmem_shared>> -> memref<10240x32xf32, #tpu.memory_space<vmem_shared>>
      tpu.enqueue_indirect_dma source(%dma_start3A_325 : memref<128x32xf32, #tpu.memory_space<vmem>>) target(%dma_start3A_329 : memref<10240x32xf32, #tpu.memory_space<vmem_shared>>) offsets(%dma_start3A_326 : memref<128xi32, #tpu.memory_space<vmem>>) semaphore(%arg16 : memref<!tpu.dma_semaphore, #tpu.memory_space<semaphore_mem>>) {add = true}
      %mul3A_330 = arith.constant 4 : i32
      %mul3A_331 = arith.muli %scan3A_218, %mul3A_330 : i32
      %add3A_332 = arith.constant 3 : i32
      %add3A_333 = arith.addi %mul3A_331, %add3A_332 : i32
      %ge3A_334 = arith.constant 2 : i32
      %ge3A_335 = arith.cmpi sge, %add3A_333, %ge3A_334 : i32
      %convert_element_type3A_336 = arith.extui %ge3A_335 : i1 to i32
      %cond3A_337 = arith.constant 0 : i32
      %cond3A_338 = arith.cmpi ne, %convert_element_type3A_336, %cond3A_337 : i32
      scf.if %cond3A_338 {
        %sub3A = arith.constant 2 : i32
        %sub3A_369 = arith.subi %add3A_333, %sub3A : i32
        %mul3A_370 = arith.constant 128 : i32
        %mul3A_371 = arith.muli %sub3A_369, %mul3A_370 : i32
        %dma_wait3A_372 = arith.constant 1 : i32
        %dma_wait3A_373 = arith.constant 0 : i32
        %dma_wait3A_374 = arith.constant 0 : i32
        %dma_wait3A_375 = tpu.memref_slice %arg7[%dma_wait3A_372, %dma_wait3A_373, %dma_wait3A_374] : memref<4x128x32xf32, #tpu.memory_space<vmem>> -> memref<1x128x32xf32, #tpu.memory_space<vmem>>
        %dma_wait3A_376 = tpu.memref_squeeze %dma_wait3A_375 : memref<1x128x32xf32, #tpu.memory_space<vmem>> -> memref<128x32xf32, #tpu.memory_space<vmem>>
        %dma_wait3A_377 = tpu.memref_slice %arg6[%mul3A_371] : memref<10240xi32, #tpu.memory_space<vmem>> -> memref<128xi32, #tpu.memory_space<vmem>>
        %dma_wait3A_378 = arith.constant 0 : i32
        %dma_wait3A_379 = arith.constant 0 : i32
        %dma_wait3A_380 = tpu.memref_slice %arg9[%dma_wait3A_378, %dma_wait3A_379] : memref<10240x32xf32, #tpu.memory_space<vmem_shared>> -> memref<10240x32xf32, #tpu.memory_space<vmem_shared>>
        tpu.wait_indirect_dma semaphore(%arg15 : memref<!tpu.dma_semaphore, #tpu.memory_space<semaphore_mem>>) src(%dma_wait3A_376 : memref<128x32xf32, #tpu.memory_space<vmem>>) dst(%dma_wait3A_380 : memref<10240x32xf32, #tpu.memory_space<vmem_shared>>)
      } else {
      }
      %add3A_339 = arith.constant 2 : i32
      %add3A_340 = arith.addi %add3A_333, %add3A_339 : i32
      %lt3A_341 = arith.constant 80 : i32
      %lt3A_342 = arith.cmpi slt, %add3A_340, %lt3A_341 : i32
      %convert_element_type3A_343 = arith.extui %lt3A_342 : i1 to i32
      %cond3A_344 = arith.constant 0 : i32
      %cond3A_345 = arith.cmpi ne, %convert_element_type3A_343, %cond3A_344 : i32
      scf.if %cond3A_345 {
        %add3A_369 = arith.constant 2 : i32
        %add3A_370 = arith.addi %add3A_333, %add3A_369 : i32
        %mul3A_371 = arith.constant 128 : i32
        %mul3A_372 = arith.muli %add3A_370, %mul3A_371 : i32
        %dma_start3A_373 = arith.constant 1 : i32
        %dma_start3A_374 = arith.constant 0 : i32
        %dma_start3A_375 = arith.constant 0 : i32
        %dma_start3A_376 = tpu.memref_slice %arg7[%dma_start3A_373, %dma_start3A_374, %dma_start3A_375] : memref<4x128x32xf32, #tpu.memory_space<vmem>> -> memref<1x128x32xf32, #tpu.memory_space<vmem>>
        %dma_start3A_377 = tpu.memref_squeeze %dma_start3A_376 : memref<1x128x32xf32, #tpu.memory_space<vmem>> -> memref<128x32xf32, #tpu.memory_space<vmem>>
        %dma_start3A_378 = tpu.memref_slice %arg5[%mul3A_372] : memref<10240xi32, #tpu.memory_space<vmem>> -> memref<128xi32, #tpu.memory_space<vmem>>
        %dma_start3A_379 = arith.constant 0 : i32
        %dma_start3A_380 = arith.constant 0 : i32
        %dma_start3A_381 = tpu.memref_slice %arg2[%dma_start3A_379, %dma_start3A_380] : memref<10240x32xf32, #tpu.memory_space<hbm>> -> memref<10240x32xf32, #tpu.memory_space<hbm>>
        tpu.enqueue_indirect_dma source(%dma_start3A_381 : memref<10240x32xf32, #tpu.memory_space<hbm>>) target(%dma_start3A_377 : memref<128x32xf32, #tpu.memory_space<vmem>>) offsets(%dma_start3A_378 : memref<128xi32, #tpu.memory_space<vmem>>) semaphore(%arg11 : memref<!tpu.dma_semaphore, #tpu.memory_space<semaphore_mem>>)
      } else {
      }
      %mul3A_346 = arith.constant 128 : i32
      %mul3A_347 = arith.muli %add3A_333, %mul3A_346 : i32
      %dma_wait3A_348 = arith.constant 3 : i32
      %dma_wait3A_349 = arith.constant 0 : i32
      %dma_wait3A_350 = arith.constant 0 : i32
      %dma_wait3A_351 = tpu.memref_slice %arg7[%dma_wait3A_348, %dma_wait3A_349, %dma_wait3A_350] : memref<4x128x32xf32, #tpu.memory_space<vmem>> -> memref<1x128x32xf32, #tpu.memory_space<vmem>>
      %dma_wait3A_352 = tpu.memref_squeeze %dma_wait3A_351 : memref<1x128x32xf32, #tpu.memory_space<vmem>> -> memref<128x32xf32, #tpu.memory_space<vmem>>
      %dma_wait3A_353 = tpu.memref_slice %arg5[%mul3A_347] : memref<10240xi32, #tpu.memory_space<vmem>> -> memref<128xi32, #tpu.memory_space<vmem>>
      %dma_wait3A_354 = arith.constant 0 : i32
      %dma_wait3A_355 = arith.constant 0 : i32
      %dma_wait3A_356 = tpu.memref_slice %arg2[%dma_wait3A_354, %dma_wait3A_355] : memref<10240x32xf32, #tpu.memory_space<hbm>> -> memref<10240x32xf32, #tpu.memory_space<hbm>>
      tpu.wait_indirect_dma semaphore(%arg13 : memref<!tpu.dma_semaphore, #tpu.memory_space<semaphore_mem>>) src(%dma_wait3A_356 : memref<10240x32xf32, #tpu.memory_space<hbm>>) dst(%dma_wait3A_352 : memref<128x32xf32, #tpu.memory_space<vmem>>)
      %mul3A_357 = arith.constant 128 : i32
      %mul3A_358 = arith.muli %add3A_333, %mul3A_357 : i32
      %dma_start3A_359 = arith.constant 3 : i32
      %dma_start3A_360 = arith.constant 0 : i32
      %dma_start3A_361 = arith.constant 0 : i32
      %dma_start3A_362 = tpu.memref_slice %arg7[%dma_start3A_359, %dma_start3A_360, %dma_start3A_361] : memref<4x128x32xf32, #tpu.memory_space<vmem>> -> memref<1x128x32xf32, #tpu.memory_space<vmem>>
      %dma_start3A_363 = tpu.memref_squeeze %dma_start3A_362 : memref<1x128x32xf32, #tpu.memory_space<vmem>> -> memref<128x32xf32, #tpu.memory_space<vmem>>
      %dma_start3A_364 = tpu.memref_slice %arg6[%mul3A_358] : memref<10240xi32, #tpu.memory_space<vmem>> -> memref<128xi32, #tpu.memory_space<vmem>>
      %dma_start3A_365 = arith.constant 0 : i32
      %dma_start3A_366 = arith.constant 0 : i32
      %dma_start3A_367 = tpu.memref_slice %arg9[%dma_start3A_365, %dma_start3A_366] : memref<10240x32xf32, #tpu.memory_space<vmem_shared>> -> memref<10240x32xf32, #tpu.memory_space<vmem_shared>>
      tpu.enqueue_indirect_dma source(%dma_start3A_363 : memref<128x32xf32, #tpu.memory_space<vmem>>) target(%dma_start3A_367 : memref<10240x32xf32, #tpu.memory_space<vmem_shared>>) offsets(%dma_start3A_364 : memref<128xi32, #tpu.memory_space<vmem>>) semaphore(%arg17 : memref<!tpu.dma_semaphore, #tpu.memory_space<semaphore_mem>>) {add = true}
      %scan3A_368 = arith.constant 0 : i32
      scf.yield %scan3A_368 : i32
    }
    %scan3A_197 = arith.constant 20 : i32
    %dma_wait3A = arith.constant 2 : i32
    %dma_wait3A_198 = arith.constant 0 : i32
    %dma_wait3A_199 = arith.constant 0 : i32
    %dma_wait3A_200 = tpu.memref_slice %arg7[%dma_wait3A, %dma_wait3A_198, %dma_wait3A_199] : memref<4x128x32xf32, #tpu.memory_space<vmem>> -> memref<1x128x32xf32, #tpu.memory_space<vmem>>
    %dma_wait3A_201 = tpu.memref_squeeze %dma_wait3A_200 : memref<1x128x32xf32, #tpu.memory_space<vmem>> -> memref<128x32xf32, #tpu.memory_space<vmem>>
    %dma_wait3A_202 = arith.constant 9984 : i32
    %dma_wait3A_203 = tpu.memref_slice %arg6[%dma_wait3A_202] : memref<10240xi32, #tpu.memory_space<vmem>> -> memref<128xi32, #tpu.memory_space<vmem>>
    %dma_wait3A_204 = arith.constant 0 : i32
    %dma_wait3A_205 = arith.constant 0 : i32
    %dma_wait3A_206 = tpu.memref_slice %arg9[%dma_wait3A_204, %dma_wait3A_205] : memref<10240x32xf32, #tpu.memory_space<vmem_shared>> -> memref<10240x32xf32, #tpu.memory_space<vmem_shared>>
    tpu.wait_indirect_dma semaphore(%arg16 : memref<!tpu.dma_semaphore, #tpu.memory_space<semaphore_mem>>) src(%dma_wait3A_201 : memref<128x32xf32, #tpu.memory_space<vmem>>) dst(%dma_wait3A_206 : memref<10240x32xf32, #tpu.memory_space<vmem_shared>>)
    %dma_wait3A_207 = arith.constant 3 : i32
    %dma_wait3A_208 = arith.constant 0 : i32
    %dma_wait3A_209 = arith.constant 0 : i32
    %dma_wait3A_210 = tpu.memref_slice %arg7[%dma_wait3A_207, %dma_wait3A_208, %dma_wait3A_209] : memref<4x128x32xf32, #tpu.memory_space<vmem>> -> memref<1x128x32xf32, #tpu.memory_space<vmem>>
    %dma_wait3A_211 = tpu.memref_squeeze %dma_wait3A_210 : memref<1x128x32xf32, #tpu.memory_space<vmem>> -> memref<128x32xf32, #tpu.memory_space<vmem>>
    %dma_wait3A_212 = arith.constant 10112 : i32
    %dma_wait3A_213 = tpu.memref_slice %arg6[%dma_wait3A_212] : memref<10240xi32, #tpu.memory_space<vmem>> -> memref<128xi32, #tpu.memory_space<vmem>>
    %dma_wait3A_214 = arith.constant 0 : i32
    %dma_wait3A_215 = arith.constant 0 : i32
    %dma_wait3A_216 = tpu.memref_slice %arg9[%dma_wait3A_214, %dma_wait3A_215] : memref<10240x32xf32, #tpu.memory_space<vmem_shared>> -> memref<10240x32xf32, #tpu.memory_space<vmem_shared>>
    tpu.wait_indirect_dma semaphore(%arg17 : memref<!tpu.dma_semaphore, #tpu.memory_space<semaphore_mem>>) src(%dma_wait3A_211 : memref<128x32xf32, #tpu.memory_space<vmem>>) dst(%dma_wait3A_216 : memref<10240x32xf32, #tpu.memory_space<vmem_shared>>)
    %barrier3A_217 = arith.constant 0 : index
    tpu.barrier barrier_id(%barrier3A_217)
    "tpu.region"() ({
      %run_scoped3A_218 = tpu.sem_alloc : memref<!tpu.dma_semaphore, #tpu.memory_space<semaphore_mem>>
      %dma_start3A_219 = arith.constant 0 : i32
      %dma_start3A_220 = tpu.memref_slice %arg4[%arg0, %mul3A_2, %dma_start3A_219] : memref<2x10240x32xf32, #tpu.memory_space<hbm>> -> memref<1x640x32xf32, #tpu.memory_space<hbm>>
      %dma_start3A_221 = tpu.memref_squeeze %dma_start3A_220 : memref<1x640x32xf32, #tpu.memory_space<hbm>> -> memref<640x32xf32, #tpu.memory_space<hbm>>
      %dma_start3A_222 = arith.constant 0 : i32
      %dma_start3A_223 = tpu.memref_slice %arg9[%mul3A_2, %dma_start3A_222] : memref<10240x32xf32, #tpu.memory_space<vmem_shared>> -> memref<640x32xf32, #tpu.memory_space<vmem_shared>>
      tpu.enqueue_dma source(%dma_start3A_223 : memref<640x32xf32, #tpu.memory_space<vmem_shared>>) target(%dma_start3A_221 : memref<640x32xf32, #tpu.memory_space<hbm>>) target_semaphore(%run_scoped3A_218 : memref<!tpu.dma_semaphore, #tpu.memory_space<semaphore_mem>>)
      %dma_wait3A_224 = arith.constant 0 : i32
      %dma_wait3A_225 = tpu.memref_slice %arg4[%arg0, %mul3A_2, %dma_wait3A_224] : memref<2x10240x32xf32, #tpu.memory_space<hbm>> -> memref<1x640x32xf32, #tpu.memory_space<hbm>>
      %dma_wait3A_226 = tpu.memref_squeeze %dma_wait3A_225 : memref<1x640x32xf32, #tpu.memory_space<hbm>> -> memref<640x32xf32, #tpu.memory_space<hbm>>
      %dma_wait3A_227 = arith.constant 0 : i32
      %dma_wait3A_228 = tpu.memref_slice %arg9[%mul3A_2, %dma_wait3A_227] : memref<10240x32xf32, #tpu.memory_space<vmem_shared>> -> memref<640x32xf32, #tpu.memory_space<vmem_shared>>
      tpu.wait_dma2 semaphore(%run_scoped3A_218 : memref<!tpu.dma_semaphore, #tpu.memory_space<semaphore_mem>>) src(%dma_wait3A_228 : memref<640x32xf32, #tpu.memory_space<vmem_shared>>) dst(%dma_wait3A_226 : memref<640x32xf32, #tpu.memory_space<hbm>>)
      tpu.yield
    }) : () -> ()
    return
  }
}

module attributes {stable_mosaic.version = 14 : i64} {
  func.func @_tc0_body(%arg0: memref<10000x128xf32, #tpu.memory_space<vmem>>, %arg1: memref<128x16xf32, #tpu.memory_space<vmem>>, %arg2: memref<10240x16xf32, #tpu.memory_space<vmem>>) attributes {dimension_semantics = [], scalar_prefetch = 0 : i64, scratch_operands = 0 : i64, tpu.core_type = #tpu.core_type<tc>} {
    %get3A = arith.constant 0 : index
    %get3A_0 = arith.constant 0 : index
    %get3A_1 = vector.load %arg0[%get3A, %get3A_0] : memref<10000x128xf32, #tpu.memory_space<vmem>>, vector<10000x128xf32>
    %get3A_2 = arith.constant 0 : index
    %get3A_3 = arith.constant 0 : index
    %get3A_4 = vector.load %arg1[%get3A_2, %get3A_3] : memref<128x16xf32, #tpu.memory_space<vmem>>, vector<128x16xf32>
    %dot_general3A = arith.constant dense<0.000000e+00> : vector<10000x16xf32>
    %dot_general3A_5 = tpu.matmul %get3A_1, %get3A_4, %dot_general3A {dimension_numbers = #tpu.dot_dimension_numbers<[1], [0], [0], [1], [0, 0, 1, 1], [], []>, transpose_lhs_hint = false} : vector<10000x128xf32>, vector<128x16xf32>, vector<10000x16xf32> -> vector<10000x16xf32>
    %swap3A = arith.constant 0 : index
    %swap3A_6 = arith.constant 0 : index
    %swap3A_7 = vector.load %arg2[%swap3A, %swap3A_6] : memref<10240x16xf32, #tpu.memory_space<vmem>>, vector<10000x16xf32>
    tpu.vector_store %arg2[%swap3A, %swap3A_6], %dot_general3A_5 {strides = array<i32>} : memref<10240x16xf32, #tpu.memory_space<vmem>>, vector<10000x16xf32>,
    %broadcast_in_dim3A = arith.constant 0.000000e+00 : f32
    %broadcast_in_dim3A_8 = vector.broadcast %broadcast_in_dim3A : f32 to vector<240x16xf32>
    %swap3A_9 = arith.constant 10000 : index
    %swap3A_10 = arith.constant 0 : index
    %swap3A_11 = vector.load %arg2[%swap3A_9, %swap3A_10] : memref<10240x16xf32, #tpu.memory_space<vmem>>, vector<240x16xf32>
    tpu.vector_store %arg2[%swap3A_9, %swap3A_10], %broadcast_in_dim3A_8 {strides = array<i32>} : memref<10240x16xf32, #tpu.memory_space<vmem>>, vector<240x16xf32>,
    return
  }
}

module attributes {stable_mosaic.version = 14 : i64} {
  func.func @_tc2_body(%arg0: memref<4x10240x16xf32, #tpu.memory_space<vmem>>, %arg1: memref<16x32xf32, #tpu.memory_space<vmem>>, %arg2: memref<3x16xf32, #tpu.memory_space<vmem>>, %arg3: memref<10240x32xf32, #tpu.memory_space<vmem>>) attributes {dimension_semantics = [], scalar_prefetch = 0 : i64, scratch_operands = 0 : i64, tpu.core_type = #tpu.core_type<tc>} {
    %get3A = arith.constant 0 : index
    %get3A_0 = arith.constant 0 : index
    %get3A_1 = arith.constant 0 : index
    %get3A_2 = vector.load %arg0[%get3A, %get3A_0, %get3A_1] : memref<4x10240x16xf32, #tpu.memory_space<vmem>>, vector<1x10240x16xf32>
    %get3A_3 = vector.shape_cast %get3A_2 : vector<1x10240x16xf32> to vector<10240x16xf32>
    %get3A_4 = arith.constant 1 : index
    %get3A_5 = arith.constant 0 : index
    %get3A_6 = arith.constant 0 : index
    %get3A_7 = vector.load %arg0[%get3A_4, %get3A_5, %get3A_6] : memref<4x10240x16xf32, #tpu.memory_space<vmem>>, vector<1x10240x16xf32>
    %get3A_8 = vector.shape_cast %get3A_7 : vector<1x10240x16xf32> to vector<10240x16xf32>
    %add3A = arith.addf %get3A_3, %get3A_8 : vector<10240x16xf32>
    %get3A_9 = arith.constant 3 : index
    %get3A_10 = arith.constant 0 : index
    %get3A_11 = arith.constant 0 : index
    %get3A_12 = vector.load %arg0[%get3A_9, %get3A_10, %get3A_11] : memref<4x10240x16xf32, #tpu.memory_space<vmem>>, vector<1x10240x16xf32>
    %get3A_13 = vector.shape_cast %get3A_12 : vector<1x10240x16xf32> to vector<10240x16xf32>
    %add3A_14 = arith.addf %add3A, %get3A_13 : vector<10240x16xf32>
    %get3A_15 = arith.constant 2 : index
    %get3A_16 = arith.constant 0 : index
    %get3A_17 = arith.constant 0 : index
    %get3A_18 = vector.load %arg0[%get3A_15, %get3A_16, %get3A_17] : memref<4x10240x16xf32, #tpu.memory_space<vmem>>, vector<1x10240x16xf32>
    %get3A_19 = vector.shape_cast %get3A_18 : vector<1x10240x16xf32> to vector<10240x16xf32>
    %mul3A = arith.mulf %add3A_14, %get3A_19 : vector<10240x16xf32>
    %get3A_20 = arith.constant 0 : index
    %get3A_21 = arith.constant 0 : index
    %get3A_22 = vector.load %arg2[%get3A_20, %get3A_21] : memref<3x16xf32, #tpu.memory_space<vmem>>, vector<1x16xf32>
    %add3A_23 = vector.broadcast %get3A_22 : vector<1x16xf32> to vector<10240x16xf32>
    %add3A_24 = arith.addf %mul3A, %add3A_23 : vector<10240x16xf32>
    %get3A_25 = arith.constant 1 : index
    %get3A_26 = arith.constant 0 : index
    %get3A_27 = vector.load %arg2[%get3A_25, %get3A_26] : memref<3x16xf32, #tpu.memory_space<vmem>>, vector<1x16xf32>
    %mul3A_28 = vector.broadcast %get3A_27 : vector<1x16xf32> to vector<10240x16xf32>
    %mul3A_29 = arith.mulf %add3A_24, %mul3A_28 : vector<10240x16xf32>
    %get3A_30 = arith.constant 2 : index
    %get3A_31 = arith.constant 0 : index
    %get3A_32 = vector.load %arg2[%get3A_30, %get3A_31] : memref<3x16xf32, #tpu.memory_space<vmem>>, vector<1x16xf32>
    %add3A_33 = vector.broadcast %get3A_32 : vector<1x16xf32> to vector<10240x16xf32>
    %add3A_34 = arith.addf %mul3A_29, %add3A_33 : vector<10240x16xf32>
    %max3A = arith.constant 0.000000e+00 : f32
    %max3A_35 = vector.broadcast %max3A : f32 to vector<10240x16xf32>
    %max3A_36 = arith.maximumf %add3A_34, %max3A_35 : vector<10240x16xf32>
    %get3A_37 = arith.constant 0 : index
    %get3A_38 = arith.constant 0 : index
    %get3A_39 = vector.load %arg1[%get3A_37, %get3A_38] : memref<16x32xf32, #tpu.memory_space<vmem>>, vector<16x32xf32>
    %dot_general3A = arith.constant dense<0.000000e+00> : vector<10240x32xf32>
    %dot_general3A_40 = tpu.matmul %max3A_36, %get3A_39, %dot_general3A {dimension_numbers = #tpu.dot_dimension_numbers<[1], [0], [0], [1], [0, 0, 1, 1], [], []>, transpose_lhs_hint = false} : vector<10240x16xf32>, vector<16x32xf32>, vector<10240x32xf32> -> vector<10240x32xf32>
    %get3A_41 = arith.constant 2 : index
    %get3A_42 = arith.constant 0 : index
    %get3A_43 = arith.constant 0 : index
    %get3A_44 = vector.load %arg0[%get3A_41, %get3A_42, %get3A_43] : memref<4x10240x16xf32, #tpu.memory_space<vmem>>, vector<1x10240x1xf32>
    %get3A_45 = vector.shape_cast %get3A_44 : vector<1x10240x1xf32> to vector<10240x1xf32>
    %mul3A_46 = vector.broadcast %get3A_45 : vector<10240x1xf32> to vector<10240x32xf32>
    %mul3A_47 = arith.mulf %dot_general3A_40, %mul3A_46 : vector<10240x32xf32>
    %swap3A = arith.constant 0 : index
    %swap3A_48 = arith.constant 0 : index
    %swap3A_49 = vector.load %arg3[%swap3A, %swap3A_48] : memref<10240x32xf32, #tpu.memory_space<vmem>>, vector<10240x32xf32>
    tpu.vector_store %arg3[%swap3A, %swap3A_48], %mul3A_47 {strides = array<i32>} : memref<10240x32xf32, #tpu.memory_space<vmem>>, vector<10240x32xf32>,
    return
  }
}

module attributes {stable_mosaic.version = 14 : i64} {
  func.func @_tc3_body(%arg0: memref<2x10240x32xf32, #tpu.memory_space<vmem>>, %arg1: memref<10240x32xf32, #tpu.memory_space<vmem>>, %arg2: memref<4x10240x16xf32, #tpu.memory_space<vmem>>, %arg3: memref<1x10240xi32, #tpu.memory_space<vmem>>, %arg4: memref<3x32xf32, #tpu.memory_space<vmem>>, %arg5: memref<32x64xf32, #tpu.memory_space<vmem>>, %arg6: memref<1x64xf32, #tpu.memory_space<vmem>>, %arg7: memref<64x64xf32, #tpu.memory_space<vmem>>) attributes {dimension_semantics = [], scalar_prefetch = 0 : i64, scratch_operands = 0 : i64, tpu.core_type = #tpu.core_type<tc>} {
    %get3A = arith.constant 0 : index
    %get3A_0 = arith.constant 0 : index
    %get3A_1 = arith.constant 0 : index
    %get3A_2 = vector.load %arg0[%get3A, %get3A_0, %get3A_1] : memref<2x10240x32xf32, #tpu.memory_space<vmem>>, vector<1x10240x32xf32>
    %get3A_3 = vector.shape_cast %get3A_2 : vector<1x10240x32xf32> to vector<10240x32xf32>
    %get3A_4 = arith.constant 1 : index
    %get3A_5 = arith.constant 0 : index
    %get3A_6 = arith.constant 0 : index
    %get3A_7 = vector.load %arg0[%get3A_4, %get3A_5, %get3A_6] : memref<2x10240x32xf32, #tpu.memory_space<vmem>>, vector<1x10240x32xf32>
    %get3A_8 = vector.shape_cast %get3A_7 : vector<1x10240x32xf32> to vector<10240x32xf32>
    %add3A = arith.addf %get3A_3, %get3A_8 : vector<10240x32xf32>
    %get3A_9 = arith.constant 0 : index
    %get3A_10 = arith.constant 0 : index
    %get3A_11 = vector.load %arg1[%get3A_9, %get3A_10] : memref<10240x32xf32, #tpu.memory_space<vmem>>, vector<10240x32xf32>
    %add3A_12 = arith.addf %add3A, %get3A_11 : vector<10240x32xf32>
    %get3A_13 = arith.constant 2 : index
    %get3A_14 = arith.constant 0 : index
    %get3A_15 = arith.constant 0 : index
    %get3A_16 = vector.load %arg2[%get3A_13, %get3A_14, %get3A_15] : memref<4x10240x16xf32, #tpu.memory_space<vmem>>, vector<1x10240x1xf32>
    %get3A_17 = vector.shape_cast %get3A_16 : vector<1x10240x1xf32> to vector<10240x1xf32>
    %mul3A = vector.broadcast %get3A_17 : vector<10240x1xf32> to vector<10240x32xf32>
    %mul3A_18 = arith.mulf %add3A_12, %mul3A : vector<10240x32xf32>
    %get3A_19 = arith.constant 0 : index
    %get3A_20 = arith.constant 0 : index
    %get3A_21 = vector.load %arg4[%get3A_19, %get3A_20] : memref<3x32xf32, #tpu.memory_space<vmem>>, vector<1x32xf32>
    %add3A_22 = vector.broadcast %get3A_21 : vector<1x32xf32> to vector<10240x32xf32>
    %add3A_23 = arith.addf %mul3A_18, %add3A_22 : vector<10240x32xf32>
    %get3A_24 = arith.constant 1 : index
    %get3A_25 = arith.constant 0 : index
    %get3A_26 = vector.load %arg4[%get3A_24, %get3A_25] : memref<3x32xf32, #tpu.memory_space<vmem>>, vector<1x32xf32>
    %mul3A_27 = vector.broadcast %get3A_26 : vector<1x32xf32> to vector<10240x32xf32>
    %mul3A_28 = arith.mulf %add3A_23, %mul3A_27 : vector<10240x32xf32>
    %get3A_29 = arith.constant 2 : index
    %get3A_30 = arith.constant 0 : index
    %get3A_31 = vector.load %arg4[%get3A_29, %get3A_30] : memref<3x32xf32, #tpu.memory_space<vmem>>, vector<1x32xf32>
    %add3A_32 = vector.broadcast %get3A_31 : vector<1x32xf32> to vector<10240x32xf32>
    %add3A_33 = arith.addf %mul3A_28, %add3A_32 : vector<10240x32xf32>
    %max3A = arith.constant 0.000000e+00 : f32
    %max3A_34 = vector.broadcast %max3A : f32 to vector<10240x32xf32>
    %max3A_35 = arith.maximumf %add3A_33, %max3A_34 : vector<10240x32xf32>
    %broadcast_in_dim3A = arith.constant 1.000000e+00 : f32
    %broadcast_in_dim3A_36 = vector.broadcast %broadcast_in_dim3A : f32 to vector<10240x1xf32>
    %concatenate3A = tpu.concatenate %max3A_35, %broadcast_in_dim3A_36 in 1 : vector<10240x32xf32>, vector<10240x1xf32> -> vector<10240x33xf32>
    %iota3A = tpu.iota {dimensions = array<i32: 0>} : vector<64x10240xi32>
    %get3A_37 = arith.constant 0 : index
    %get3A_38 = arith.constant 0 : index
    %get3A_39 = vector.load %arg3[%get3A_37, %get3A_38] : memref<1x10240xi32, #tpu.memory_space<vmem>>, vector<1x10240xi32>
    %eq3A = vector.broadcast %get3A_39 : vector<1x10240xi32> to vector<64x10240xi32>
    %eq3A_40 = arith.cmpi eq, %eq3A, %iota3A : vector<64x10240xi32>
    %convert_element_type3A = arith.extui %eq3A_40 : vector<64x10240xi1> to vector<64x10240xi32>
    %convert_element_type3A_41 = arith.sitofp %convert_element_type3A : vector<64x10240xi32> to vector<64x10240xf32>
    %dot_general3A = arith.constant dense<0.000000e+00> : vector<64x33xf32>
    %dot_general3A_42 = tpu.matmul %convert_element_type3A_41, %concatenate3A, %dot_general3A {dimension_numbers = #tpu.dot_dimension_numbers<[1], [0], [0], [1], [0, 0, 1, 1], [], []>, transpose_lhs_hint = false} : vector<64x10240xf32>, vector<10240x33xf32>, vector<64x33xf32> -> vector<64x33xf32>
    %slice3A = vector.extract_strided_slice %dot_general3A_42 {offsets = [0, 0], sizes = [64, 32], strides = [1, 1]} : vector<64x33xf32> to vector<64x32xf32>
    %slice3A_43 = vector.extract_strided_slice %dot_general3A_42 {offsets = [0, 32], sizes = [64, 1], strides = [1, 1]} : vector<64x33xf32> to vector<64x1xf32>
    %max3A_44 = arith.constant 1.000000e+00 : f32
    %max3A_45 = vector.broadcast %max3A_44 : f32 to vector<64x1xf32>
    %max3A_46 = arith.maximumf %slice3A_43, %max3A_45 : vector<64x1xf32>
    %div3A = vector.broadcast %max3A_46 : vector<64x1xf32> to vector<64x32xf32>
    %div3A_47 = arith.divf %slice3A, %div3A : vector<64x32xf32>
    %get3A_48 = arith.constant 0 : index
    %get3A_49 = arith.constant 0 : index
    %get3A_50 = vector.load %arg5[%get3A_48, %get3A_49] : memref<32x64xf32, #tpu.memory_space<vmem>>, vector<32x64xf32>
    %dot_general3A_51 = arith.constant dense<0.000000e+00> : vector<64x64xf32>
    %dot_general3A_52 = tpu.matmul %div3A_47, %get3A_50, %dot_general3A_51 {dimension_numbers = #tpu.dot_dimension_numbers<[1], [0], [0], [1], [0, 0, 1, 1], [], []>, transpose_lhs_hint = false} : vector<64x32xf32>, vector<32x64xf32>, vector<64x64xf32> -> vector<64x64xf32>
    %get3A_53 = arith.constant 0 : index
    %get3A_54 = arith.constant 0 : index
    %get3A_55 = vector.load %arg6[%get3A_53, %get3A_54] : memref<1x64xf32, #tpu.memory_space<vmem>>, vector<1x64xf32>
    %add3A_56 = vector.broadcast %get3A_55 : vector<1x64xf32> to vector<64x64xf32>
    %add3A_57 = arith.addf %dot_general3A_52, %add3A_56 : vector<64x64xf32>
    %swap3A = arith.constant 0 : index
    %swap3A_58 = arith.constant 0 : index
    %swap3A_59 = vector.load %arg7[%swap3A, %swap3A_58] : memref<64x64xf32, #tpu.memory_space<vmem>>, vector<64x64xf32>
    tpu.vector_store %arg7[%swap3A, %swap3A_58], %add3A_57 {strides = array<i32>} : memref<64x64xf32, #tpu.memory_space<vmem>>, vector<64x64xf32>,
    return
  }
}

</mosaic_0001>

<sc_bundles>
// kernel: kernel.10.cloned.1.call-start
scs
__scs_entry_jumppad:
0x0: {  	(pc) =	sbr.rel $0x88, $3  }
0x1: {  	(tag) =	ssettag $0x0;
	lr =	simm.s32 $0x1  }
0x2: {  	[smem:$0x3F94] =	sst lr;
	_ =	strace $0xD0000000  }
0x3: {  	_ = 	snop  }
0x4: {  	_ = 	snop  }
0x5: {  	_ = 	snop  }
0x6: {  	_ = 	snop  }
0x7: {  	_ = 	snop  }
__scs_overlays_trampoline_lowered:
0x8: {  	[smem:$0x3FA3] =	sst s0  }
0x9: {  	[smem:$0x3FA4] =	sst s1  }
0xa: {  	[smem:$0x3FA5] =	sst s2  }
0xb: {  	[smem:$0x3FA6] =	sst s3  }
0xc: {  	[smem:$0x3FA7] =	sst s4  }
0xd: {  	[smem:$0x3FA8] =	sst s5  }
0xe: {  	[smem:$0x3FA9] =	sst s6  }
0xf: {  	[smem:$0x3FAA] =	sst s7  }
0x10: {  	[smem:$0x3FAB] =	sst s8  }
0x11: {  	[smem:$0x3FAC] =	sst s9;
	s0 =	simm.s32 @!p0 $0x0  }
0x12: {  	s1 =	sld [smem:$0x3F92];
	s0 =	simm.s32 @p0 $0x1  }
0x13: {  	[smem:$0x3FAD] =	sst s0;
	s0 =	simm.s32 @!p1 $0x0  }
0x14: {  	s2 =	sld [smem:$0x3F91];
	s0 =	simm.s32 @p1 $0x1  }
0x15: {  	[smem:$0x3FAE] =	sst s0;
	s0 =	simm.s32 @!p2 $0x0  }
0x16: {  	s3 =	sld [smem:$0x3FDB];
	s0 =	simm.s32 @p2 $0x1  }
0x17: {  	s4 =	simm.s32 $0x1BF5;
	[smem:$0x3FB0] =	sst s0  }
0x18: {  	s0 =	sld [smem:$0x3F93];
	_ =	swait.ge [sflag:s4], $0x0  }
0x19: {  	s7 =	sld [smem:$0x3F94]  }
0x1a: {  	s8 =	sadd.s32 $0xFFFFE003, lr  }
0x1b: {  	s9 =	sadd.s32 $0xFFFFFEF7, lr;
	s5 =	simm.s32 $0xFFFFFFFF;
	p2 =	slt.u32 s8, $0xFFFFF086  }
0x1c: {  	p1 =	slt.u32 s9, $0xF7A;
	s5 =	simm.s32 @!p2 $0x0  }
0x1d: {  	s5 =	simm.s32 @p1 $0x1;
	p0 =	seq.s32 s7, s2  }
0x1e: {  	s7 =	smul.u32 @!p0 $0xF7A, s2;
	p2 =	seq.s32 @!p0 s5, $0x0  }
0x1f: {  	s9 =	smul.u32 $0xF7A, s1;
	s8 =	simm.s32 @!p0 $0x1BF5;
	p2 =	por !p2, p0  }
0x20: {  	[sflag:s8] =	ssyncset.s32 @!p0 $0xFFFFF086;
	s6 =	sadd.s32 @!p0 s3, s7;
	s7 =	simm.s32 @!p0 $0x108  }
0x21: {  	s3 =	sadd.s32 s3, s9;
	s6 =	sadd.s32 @!p0 $0x88, s6;
	s7 =	simm.s32 @p2 $0x1082  }
0x22: {  	[simem:s7], [sflag:s8] =	dma.local @!p0 [hbm:s6], $0xF7A  }
0x23: {  	s9 =	sor.u32 $0xD0000000, s2;
	s6 =	simm.s32 $0x108;
	_ =	swait.ge @!p0 [sflag:s8], $0x0  }
0x24: {  	s3 =	sadd.s32 $0x88, s3;
	s6 =	simm.s32 @!p1 $0x1082;
	[sflag:s4] =	ssyncset.s32 $0xFFFFF086  }
0x25: {  	[simem:s6], [sflag:s4] =	dma.local [hbm:s3], $0xF7A  }
0x26: {  	[smem:$0x3F94] =	sst s1;
	(tag) =	ssettag s2;
	_ =	strace s9  }
0x27: {  	s1 =	sld [smem:$0x3FA4]  }
0x28: {  	s2 =	sld [smem:$0x3FA5]  }
0x29: {  	s4 =	sld [smem:$0x3FA7]  }
0x2a: {  	p0 =	seq.s32 s5, $0x0;
	s5 =	sld [smem:$0x3FA8]  }
0x2b: {  	s6 =	sld [smem:$0x3FA9]  }
0x2c: {  	s7 =	sld [smem:$0x3FAA]  }
0x2d: {  	s3 =	simm.s32 $0x108;
	s8 =	sld [smem:$0x3FAB]  }
0x2e: {  	s3 =	simm.s32 @!p0 $0x1082;
	s9 =	sld [smem:$0x3FAC]  }
0x2f: {  	lr =	sadd.s32 s0, s3;
	s0 =	sld [smem:$0x3FA3]  }
0x30: {  	s3 =	sld [smem:$0x3FA6]  }
0x31: {  	[smem:$0x3FAF] =	sst s10  }
0x32: {  	s10 =	sld [smem:$0x3FAD];
	_ =	sdelay $0x3  }
0x33: {  	p0 =	seq.s32 s10, $0x1;
	s10 =	sld [smem:$0x3FAF];
	_ =	sdelay $0x3  }
0x34: {  	[smem:$0x3FAF] =	sst s10  }
0x35: {  	s10 =	sld [smem:$0x3FAE];
	_ =	sdelay $0x3  }
0x36: {  	p1 =	seq.s32 s10, $0x1;
	s10 =	sld [smem:$0x3FAF];
	_ =	sdelay $0x3  }
0x37: {  	[smem:$0x3FAF] =	sst s10  }
0x38: {  	s10 =	sld [smem:$0x3FB0]  }
0x39: {  	_ = 	snop;
	(pc) =	sbr.ind lr, $3  }
0x3a: {  	_ = 	snop  }
0x3b: {  	_ = 	snop  }
0x3c: {  	p2 =	seq.s32 s10, $0x1;
	s10 =	sld [smem:$0x3FAF]  }
0x3d: {  	_ =	shalt  }
0x3e: {  	_ =	shalt  }
0x3f: {  	_ =	shalt  }
0x40: {  	_ =	shalt  }
0x41: {  	_ =	shalt  }
0x42: {  	_ =	shalt  }
0x43: {  	_ =	shalt  }
0x44: {  	_ =	shalt  }
0x45: {  	_ =	shalt  }
0x46: {  	_ =	shalt  }
0x47: {  	_ =	shalt  }
0x48: {  	_ =	shalt  }
0x49: {  	_ =	shalt  }
0x4a: {  	_ =	shalt  }
0x4b: {  	_ =	shalt  }
0x4c: {  	_ =	shalt  }
0x4d: {  	_ =	shalt  }
0x4e: {  	_ =	shalt  }
0x4f: {  	_ =	shalt  }
0x50: {  	_ =	shalt  }
0x51: {  	_ =	shalt  }
0x52: {  	_ =	shalt  }
0x53: {  	_ =	shalt  }
0x54: {  	_ =	shalt  }
0x55: {  	_ =	shalt  }
0x56: {  	_ =	shalt  }
0x57: {  	_ =	shalt  }
0x58: {  	_ =	shalt  }
0x59: {  	_ =	shalt  }
0x5a: {  	_ =	shalt  }
0x5b: {  	_ =	shalt  }
0x5c: {  	_ =	shalt  }
0x5d: {  	_ =	shalt  }
0x5e: {  	_ =	shalt  }
0x5f: {  	_ =	shalt  }
0x60: {  	_ =	shalt  }
0x61: {  	_ =	shalt  }
0x62: {  	_ =	shalt  }
0x63: {  	_ =	shalt  }
0x64: {  	_ =	shalt  }
0x65: {  	_ =	shalt  }
0x66: {  	_ =	shalt  }
0x67: {  	_ =	shalt  }
0x68: {  	_ =	shalt  }
0x69: {  	_ =	shalt  }
0x6a: {  	_ =	shalt  }
0x6b: {  	_ =	shalt  }
0x6c: {  	_ =	shalt  }
0x6d: {  	_ =	shalt  }
0x6e: {  	_ =	shalt  }
0x6f: {  	_ =	shalt  }
0x70: {  	_ =	shalt  }
0x71: {  	_ =	shalt  }
0x72: {  	_ =	shalt  }
0x73: {  	_ =	shalt  }
0x74: {  	_ =	shalt  }
0x75: {  	_ =	shalt  }
0x76: {  	_ =	shalt  }
0x77: {  	_ =	shalt  }
0x78: {  	_ =	shalt  }
0x79: {  	_ =	shalt  }
0x7a: {  	_ =	shalt  }
0x7b: {  	_ =	shalt  }
0x7c: {  	_ =	shalt  }
0x7d: {  	_ =	shalt  }
0x7e: {  	_ =	shalt  }
0x7f: {  	_ =	shalt  }
0x80: {  	_ =	shalt  }
0x81: {  	_ =	shalt  }
0x82: {  	_ =	shalt  }
0x83: {  	_ =	shalt  }
0x84: {  	_ =	shalt  }
0x85: {  	_ =	shalt  }
0x86: {  	_ =	shalt  }
0x87: {  	_ =	shalt  }
.Lfunc_end0:
.L_simem_size_0:
called_computation.1_lowered:
.L_overlay_start_0:
0x88: {  	s2 =	sld [smem:$0x3FD9]  }
0x89: {  	s3 =	sld [smem:$0x3FFE];
	_ =	sdelay $0x1  }
0x8a: {  	s1 =	srdreg.scid  }
0x8b: {  	s0 =	sand.u32 $0x1, s1  }
0x8c: {  	s16 =	sshll.u32 s0, $0xA;
	s2 =	sadd.s32 s3, s2  }
0x8d: {  	s2 =	sadd.s32 s2, s16  }
0x8e: {  	[smem:$0x3FBB] =	sst s2  }
0x8f: {  	_ = 	snop  }
0x90: {  	(tm) =	ssettm $0x1  }
0x91: {  	s17 =	sld [smem:$0x3FFB];
	_ =	sdelay $0x3  }
0x92: {  	_ =	strace s17  }
0x93: {  	s2 =	sld [smem:$0x3FFC];
	_ =	sdelay $0x3  }
0x94: {  	_ =	strace s2  }
0x95: {  	s2 =	sld [smem:$0x3FFD];
	_ =	sdelay $0x3  }
0x96: {  	_ =	strace s2  }
0x97: {  	_ =	strace $0x8FFFFFFF  }
0x98: {  	s18 =	sld [smem:$0x3FDB];
	_ =	sdelay $0x1  }
0x99: {  	s19 =	simm.s32 $_scs_section_size  }
0x9a: {  	s4 =	simm.s32 $_size__tile_overlayer_lowered;
	s5 =	simm.s32 $_tile_overlayer_lowered  }
0x9b: {  	s22 =	simm.s32 $0x1BFF;
	s21 =	sshll.u32 s5, $0x1;
	s2 =	sadd.s32 s19, s18  }
0x9c: {  	s6 =	simm.s32 $0x0;
	s20 =	sshll.u32 s4, $0x1;
	s4 =	sadd.s32 s21, s2  }
0x9d: {  	[timem:s6], [sflag:s22] =	dma.local [hbm:s4], s20  }
0x9e: {  	_ =	swait.ge [sflag:s22], s20  }
0x9f: {  	s3 =	ssub.s32 $0x0, s20;
	[sflag:s22] =	ssyncset.done $0x0  }
0xa0: {  	[sflag:s22] =	ssyncadd.s32 s3;
	_ =	sdelay $0x1  }
0xa1: {  	s23 =	simm.s32 $0x1B8B  }
0xa2: {  	_ =	swait.ge [sflag:s23], $0x1  }
0xa3: {  	[sflag:s23] =	ssyncset.done $0x0  }
0xa4: {  	s25 =	simm.s32 $0x1B8E;
	s24 =	sld [smem:$0x3FFE];
	[sflag:s23] =	ssyncadd.s32 $0xFFFFFFFF  }
0xa5: {  	s26 =	simm.s32 $execute0_lowered;
	[smem:$0x3FD2] =	sst s25  }
0xa6: {  	s4 =	sshll.u32 s26, $0x1;
	_ =	strace $0x80000049;
	[dreg:$0x1] =	wrdreg $0xFFFFFFFF  }
0xa7: {  	s28 =	simm.s32 $_size_execute0_lowered;
	s2 =	sadd.s32 s2, s4;
	[dreg:$0x0] =	wrdreg $0x0  }
0xa8: {  	s4 =	sshll.u32 s28, $0x1;
	[dreg:$0x2] =	wrdreg s2  }
0xa9: {  	[dreg:$0x3] =	wrdreg s4  }
0xaa: {  	[dreg:$0x4] =	wrdreg $0xC0  }
0xab: {  	_ =	task [dreg:s6], $0x5FFFF  }
0xac: {  	[dreg:$0x1] =	wrdreg $0xFFFFFFFF  }
0xad: {  	[dreg:$0x0] =	wrdreg $0x60  }
0xae: {  	[dreg:$0x2] =	wrdreg s24  }
0xaf: {  	[dreg:$0x3] =	wrdreg $0xA0000  }
0xb0: {  	[dreg:$0x4] =	wrdreg $0x9  }
0xb1: {  	_ =	task.clear_ibuf [dreg:s6], $0x5FFFF;
	_ =	strace $0x90000049  }
0xb2: {  	s29 =	simm.s32 $0x9;
	_ =	strace $0x8000004B  }
0xb3: {  	_ =	swait.ge [sflag:s29], $0x1  }
0xb4: {  	[sflag:s29] =	ssyncadd.s32 $0xFFFFFFFF  }
0xb5: {  	_ =	strace $0x9000004B  }
0xb6: {  	_ =	sfence  }
0xb7: {  	s30 =	sld [smem:$0x0];
	_ =	sdelay $0x2  }
0xb8: {  	s31 =	sshll.u32 s1, $0xD;
	s1 =	sshrl.u32 s1, $0x2  }
0xb9: {  	s3 =	sand.u32 $0x4000, s31;
	s1 =	sadd.s32 s1, s30  }
0xba: {  	s0 =	sor.u32 s3, s0;
	s1 =	sshll.u32 s1, $0x11  }
0xbb: {  	s0 =	sor.u32 s1, s0  }
0xbc: {  	s0 =	sadd.s32 $0x8F2B, s0  }
0xbd: {  	[sflag:s0] =	ssyncadd.remote.s32 $0x1  }
0xbe: {  	_ =	sfence.sel $0xFFFF  }
0xbf: {  	[dreg:$0x0] =	wrdreg $0xFFFFFFFF;
	(pc) =	sbr.abs _section_cstart, $3  }
0xc0: {  	[dreg:$0x1] =	wrdreg $0xFFFFFFFF  }
0xc1: {  	_ =	task.clear_ibuf [dreg:s6], $0x2FFFF;
	_ =	strace $0x9FFFFFFF  }
0xc2: {  	(tm) =	ssettm $0x7FFFFFFF  }
0xc3: {  	_ =	shalt  }
tec
execute0_lowered:
.L_overlay_start_1:
0x0: {  	(tag) =	ssettag $0x1  }
0x1: {  	s0 =	srdreg.scid;
	s5 =	rddreg [dreg:$0x0]  }
0x2: {  	s8 =	stileid.u32;
	s2 =	rddreg [dreg:$0x1]  }
0x3: {  	s3 =	simm.s32 $0x0;
	s14 =	simm.s32 $0x9;
	s15 =	simm.s32 $0x2800  }
0x4: {  	s16 =	simm.s32 $0x9000;
	s17 =	simm.s32 $0x80;
	s18 =	simm.s32 $0x5000  }
0x5: {  	s19 =	simm.s32 $0x6000;
	s21 =	simm.s32 $0x7000;
	s22 =	simm.s32 $0x1  }
0x6: {  	s29 =	simm.s32 $0x5;
	s31 =	simm.s32 $0x3;
	s23 =	simm.s32 $0x4  }
0x7: {  	s30 =	simm.s32 $0x7;
	s20 =	simm.s32 $0x0;
	s0 =	sand.u32 $0x1, s0  }
0x8: {  	[smem:$0x7FF] =	sst s3;
	s9 =	smul.u32 $0x5000, s8;
	s4 =	sadd.s32 $0x15A00, s5  }
0x9: {  	s1 =	sshll.u32 s0, $0x4;
	s6 =	smul.u32 $0x50000, s0;
	_ =	strace $0x8000004A  }
0xa: {  	s0 =	ssub.s32 $0x2, s0;
	s1 =	sor.u32 s8, s1;
	s8 =	smul.u32 $0x14000, s8  }
0xb: {  	s7 =	sshrl.u32 s0, $0x1;
	s1 =	smul.u32 $0x2710, s1;
	s6 =	sadd.s32 s9, s6  }
0xc: {  	s28 =	sadd.s32 s9, s2;
	s0 =	ssub.s32 s0, s7;
	s6 =	sshrl.u32 s6, $0x3  }
0xd: {  	s25 =	sshrl.u32 s8, $0x2;
	s9 =	smax.u32 s0, $0x1;
	s1 =	sshrl.u32 s1, $0x3  }
0xe: {  	v14 =	vlaneseq.u32;
	v15 =	vimm.f32 $0.0e+00;
	s0 =	simm.s32 $0x6;
	s7 =	sadd.s32 s25, s2;
	s1 =	sadd.s32 s1, s5  }
0xf: {  	v0 =	vor.u32 $0x2710, v14;
	v1 =	vor.u32 $0x2720, v14;
	v2 =	vor.u32 $0x2730, v14;
	s25 =	sshrl.u32 s28, $0x3;
	s5 =	sadd.s32 s6, s5;
	s24 =	sadd.s32 $0x2000, s1  }
0x10: {  	v3 =	vor.u32 $0x2740, v14;
	v4 =	vor.u32 $0x2750, v14;
	v5 =	vor.u32 $0x2760, v14;
	s10 =	sadd.s32 $0x1000, s7;
	s1 =	sadd.s32 $0xBC40, s1;
	[dreg:$0x3] =	wrdreg s24  }
0x11: {  	v6 =	vor.u32 $0x2770, v14;
	v7 =	vor.u32 $0x2780, v14;
	v8 =	vor.u32 $0x2790, v14;
	s11 =	sadd.s32 $0x2000, s7;
	s26 =	sadd.s32 $0xCEA00, s5;
	[dreg:$0x4] =	wrdreg s1  }
0x12: {  	v9 =	vor.u32 $0x27A0, v14;
	v10 =	vor.u32 $0x27B0, v14;
	v11 =	vor.u32 $0x27C0, v14;
	s12 =	sadd.s32 $0x3000, s7;
	s13 =	sadd.s32 $0x4000, s7;
	[dreg:$0x5] =	wrdreg s26  }
0x13: {  	v12 =	vor.u32 $0x27D0, v14;
	v13 =	vor.u32 $0x27E0, v14;
	v14 =	vor.u32 $0x27F0, v14;
	s24 =	simm.s32 $0x8000;
	s26 =	simm.s32 $0x2;
	s1 =	simm.s32 $0x8  }
.LBB2_1:
0x14: {  	s5 =	rddreg [dreg:$0x3]  }
0x15: {  	[tilespmem:s3], [sflag:$0x9] =	stream.linear.gather [hbm4b:s5+s3], $0x2710, $0x38;
	[tilespmem:$0xF000] =	vst v63  }
0x16: {  	_ =	swait.ge [sflag:s14], $0x2710  }
0x17: {  	[sflag:s14] =	ssyncset.done $0x0  }
0x18: {  	s6 =	rddreg [dreg:$0x4];
	[sflag:s14] =	ssyncadd.s32 $0xFFFFD8F0  }
0x19: {  	[tilespmem:s15], [sflag:$0x9] =	stream.linear.gather [hbm4b:s6+s3], $0x2710, $0x38;
	[tilespmem:$0xF000] =	vst v63  }
0x1a: {  	_ =	swait.ge [sflag:s14], $0x2710  }
0x1b: {  	[sflag:s14] =	ssyncset.done $0x0  }
0x1c: {  	[sflag:s14] =	ssyncadd.s32 $0xFFFFD8F0  }
0x1d: {  	[tilespmem:$0x2710] =	vst v0  }
0x1e: {  	[tilespmem:$0x2720] =	vst v1  }
0x1f: {  	[tilespmem:$0x2730] =	vst v2  }
0x20: {  	[tilespmem:$0x2740] =	vst v3  }
0x21: {  	[tilespmem:$0x2750] =	vst v4  }
0x22: {  	[tilespmem:$0x2760] =	vst v5  }
0x23: {  	[tilespmem:$0x2770] =	vst v6  }
0x24: {  	[tilespmem:$0x2780] =	vst v7  }
0x25: {  	[tilespmem:$0x2790] =	vst v8  }
0x26: {  	[tilespmem:$0x27A0] =	vst v9  }
0x27: {  	[tilespmem:$0x27B0] =	vst v10  }
0x28: {  	[tilespmem:$0x27C0] =	vst v11  }
0x29: {  	[tilespmem:$0x27D0] =	vst v12  }
0x2a: {  	[tilespmem:$0x27E0] =	vst v13  }
0x2b: {  	[tilespmem:$0x27F0] =	vst v14  }
0x2c: {  	[tilespmem:$0x4F10] =	vst v0  }
0x2d: {  	[tilespmem:$0x4F20] =	vst v1  }
0x2e: {  	[tilespmem:$0x4F30] =	vst v2  }
0x2f: {  	[tilespmem:$0x4F40] =	vst v3  }
0x30: {  	[tilespmem:$0x4F50] =	vst v4  }
0x31: {  	[tilespmem:$0x4F60] =	vst v5  }
0x32: {  	[tilespmem:$0x4F70] =	vst v6  }
0x33: {  	[tilespmem:$0x4F80] =	vst v7  }
0x34: {  	[tilespmem:$0x4F90] =	vst v8  }
0x35: {  	[tilespmem:$0x4FA0] =	vst v9  }
0x36: {  	[tilespmem:$0x4FB0] =	vst v10  }
0x37: {  	[tilespmem:$0x4FC0] =	vst v11  }
0x38: {  	s8 =	sand.u32 $0x3F80, s3;
	[tilespmem:$0x4FD0] =	vst v12  }
0x39: {  	s28 =	sshrl.u32 s8, $0x2;
	s6 =	sand.u32 $0x10, s3;
	[tilespmem:$0x4FE0] =	vst v13  }
0x3a: {  	s5 =	simm.s32 $0x40;
	s6 =	sor.u32 s6, s28;
	s28 =	simm.s32 $0x0;
	[tilespmem:$0x4FF0] =	vst v14  }
.LBB2_2:
0x3b: {  	p0 =	sne.s32 s5, $0x3FC0  }
0x3c: {  	[tilespmem:s6+$0x9000] =	vst v15;
	s28 =	sadd.s32 $0x10, s28;
	s6 =	smov.u32 s5;
	s5 =	sadd.s32 $0x40, s5  }
.Ltmp0:
0x3d: {  	(pc) =	sbr.rel @p0 .LBB2_2-.Ltmp0, $4  }
0x3e: {  	_ = 	snop  }
0x3f: {  	s6 =	sand.u32 $0x3F80, s6  }
0x40: {  	s8 =	sand.u32 $0x10, s28;
	s6 =	sshrl.u32 s6, $0x2  }
0x41: {  	s6 =	sor.u32 s8, s6  }
0x42: {  	[tilespmem:s6+$0x9000] =	vst v15  }
0x43: {  	[spmem:s7] =	stream.linear.scatter [tilespmem:s16], [sflag:$0x9], $0x1000, $0x38;
	[tilespmem:$0xF000] =	vst v63  }
0x44: {  	_ =	swait.ge [sflag:s14], $0x1000  }
0x45: {  	[sflag:s14] =	ssyncset.done $0x0  }
0x46: {  	[sflag:s14] =	ssyncadd.s32 $0xFFFFF000  }
0x47: {  	[spmem:s10] =	stream.linear.scatter [tilespmem:s16], [sflag:$0x9], $0x1000, $0x38;
	[tilespmem:$0xF000] =	vst v63  }
0x48: {  	_ =	swait.ge [sflag:s14], $0x1000  }
0x49: {  	[sflag:s14] =	ssyncset.done $0x0  }
0x4a: {  	[sflag:s14] =	ssyncadd.s32 $0xFFFFF000  }
0x4b: {  	[spmem:s11] =	stream.linear.scatter [tilespmem:s16], [sflag:$0x9], $0x1000, $0x38;
	[tilespmem:$0xF000] =	vst v63  }
0x4c: {  	_ =	swait.ge [sflag:s14], $0x1000  }
0x4d: {  	[sflag:s14] =	ssyncset.done $0x0  }
0x4e: {  	[sflag:s14] =	ssyncadd.s32 $0xFFFFF000  }
0x4f: {  	[spmem:s12] =	stream.linear.scatter [tilespmem:s16], [sflag:$0x9], $0x1000, $0x38;
	[tilespmem:$0xF000] =	vst v63  }
0x50: {  	_ =	swait.ge [sflag:s14], $0x1000  }
0x51: {  	[sflag:s14] =	ssyncset.done $0x0  }
0x52: {  	[sflag:s14] =	ssyncadd.s32 $0xFFFFF000  }
0x53: {  	[spmem:s13] =	stream.linear.scatter [tilespmem:s16], [sflag:$0x9], $0x1000, $0x38;
	[tilespmem:$0xF000] =	vst v63  }
0x54: {  	_ =	swait.ge [sflag:s14], $0x1000  }
0x55: {  	[sflag:s14] =	ssyncset.done $0x0  }
0x56: {  	[sflag:s14] =	ssyncadd.s32 $0xFFFFF000  }
0x57: {  	s5 =	simm.s32 $0x0;
	[bflag:$0x0] =	sbarrier.arrive $0xFFFF  }
0x58: {  	[tilespmem:s18], [sflag:$0x1] =	stream.indirect.gather [hbm4b:s4+s17], $0x20, s5, s17, $0xb8;
	[tilespmem:$0xF000] =	vst v63  }
0x59: {  	_ = 	snop  }
0x5a: {  	[tilespmem:s19], [sflag:$0x2] =	stream.indirect.gather [hbm4b:s4+s17], $0x20, s17, s17, $0xb8;
	[tilespmem:$0xF000] =	vst v63  }
0x5b: {  	s6 =	simm.s32 $0x100  }
0x5c: {  	[tilespmem:s21], [sflag:$0x3] =	stream.indirect.gather [hbm4b:s4+s17], $0x20, s6, s17, $0xb8;
	[tilespmem:$0xF000] =	vst v63  }
0x5d: {  	_ =	swait.ge [sflag:s22], $0x1000  }
0x5e: {  	[sflag:s22] =	ssyncset.done $0x0  }
0x5f: {  	[sflag:s22] =	ssyncadd.s32 $0xFFFFF000  }
0x60: {  	[spmem:s2] =	stream.indirect.scatter.add.f32 [tilespmem:s18], [sflag:$0x5], $0x20, s15, s17, $0xb8;
	[tilespmem:$0xF000] =	vst v63  }
0x61: {  	s8 =	simm.s32 $0x180  }
0x62: {  	[tilespmem:s24], [sflag:$0x4] =	stream.indirect.gather [hbm4b:s4+s17], $0x20, s8, s17, $0xb8;
	[tilespmem:$0xF000] =	vst v63  }
0x63: {  	_ =	swait.ge [sflag:s26], $0x1000  }
0x64: {  	[sflag:s26] =	ssyncset.done $0x0  }
0x65: {  	s6 =	simm.s32 $0x2880;
	[sflag:s26] =	ssyncadd.s32 $0xFFFFF000  }
0x66: {  	[spmem:s2] =	stream.indirect.scatter.add.f32 [tilespmem:s19], [sflag:$0x6], $0x20, s6, s17, $0xb8;
	[tilespmem:$0xF000] =	vst v63  }
0x67: {  	_ =	swait.ge [sflag:s29], $0x1000  }
0x68: {  	[sflag:s29] =	ssyncset.done $0x0  }
0x69: {  	s8 =	simm.s32 $0x200;
	[sflag:s29] =	ssyncadd.s32 $0xFFFFF000  }
0x6a: {  	[tilespmem:s18], [sflag:$0x1] =	stream.indirect.gather [hbm4b:s4+s17], $0x20, s8, s17, $0xb8;
	[tilespmem:$0xF000] =	vst v63  }
0x6b: {  	_ =	swait.ge [sflag:s31], $0x1000  }
0x6c: {  	[sflag:s31] =	ssyncset.done $0x0  }
0x6d: {  	s6 =	simm.s32 $0x2900;
	[sflag:s31] =	ssyncadd.s32 $0xFFFFF000  }
0x6e: {  	[spmem:s2] =	stream.indirect.scatter.add.f32 [tilespmem:s21], [sflag:$0x7], $0x20, s6, s17, $0xb8;
	[tilespmem:$0xF000] =	vst v63  }
0x6f: {  	_ =	swait.ge [sflag:s0], $0x1000  }
0x70: {  	[sflag:s0] =	ssyncset.done $0x0  }
0x71: {  	s8 =	simm.s32 $0x280;
	[sflag:s0] =	ssyncadd.s32 $0xFFFFF000  }
0x72: {  	[tilespmem:s19], [sflag:$0x2] =	stream.indirect.gather [hbm4b:s4+s17], $0x20, s8, s17, $0xb8;
	[tilespmem:$0xF000] =	vst v63  }
0x73: {  	_ =	swait.ge [sflag:s23], $0x1000  }
0x74: {  	[sflag:s23] =	ssyncset.done $0x0  }
0x75: {  	s6 =	simm.s32 $0x2980;
	[sflag:s23] =	ssyncadd.s32 $0xFFFFF000  }
0x76: {  	[spmem:s2] =	stream.indirect.scatter.add.f32 [tilespmem:s24], [sflag:$0x8], $0x20, s6, s17, $0xb8;
	[tilespmem:$0xF000] =	vst v63  }
0x77: {  	_ =	swait.ge [sflag:s30], $0x1000  }
0x78: {  	[sflag:s30] =	ssyncset.done $0x0  }
0x79: {  	s8 =	simm.s32 $0x300;
	[sflag:s30] =	ssyncadd.s32 $0xFFFFF000  }
0x7a: {  	[tilespmem:s21], [sflag:$0x3] =	stream.indirect.gather [hbm4b:s4+s17], $0x20, s8, s17, $0xb8;
	[tilespmem:$0xF000] =	vst v63  }
0x7b: {  	_ =	swait.ge [sflag:s22], $0x1000  }
0x7c: {  	[sflag:s22] =	ssyncset.done $0x0  }
0x7d: {  	s6 =	simm.s32 $0x2A00;
	[sflag:s22] =	ssyncadd.s32 $0xFFFFF000  }
0x7e: {  	[spmem:s2] =	stream.indirect.scatter.add.f32 [tilespmem:s18], [sflag:$0x5], $0x20, s6, s17, $0xb8;
	[tilespmem:$0xF000] =	vst v63  }
0x7f: {  	_ =	swait.ge [sflag:s1], $0x1000  }
0x80: {  	[sflag:s1] =	ssyncset.done $0x0  }
0x81: {  	s8 =	simm.s32 $0x380;
	[sflag:s1] =	ssyncadd.s32 $0xFFFFF000  }
0x82: {  	[tilespmem:s24], [sflag:$0x4] =	stream.indirect.gather [hbm4b:s4+s17], $0x20, s8, s17, $0xb8;
	[tilespmem:$0xF000] =	vst v63  }
0x83: {  	_ =	swait.ge [sflag:s26], $0x1000  }
0x84: {  	[sflag:s26] =	ssyncset.done $0x0  }
0x85: {  	s6 =	simm.s32 $0x2A80;
	[sflag:s26] =	ssyncadd.s32 $0xFFFFF000  }
0x86: {  	[spmem:s2] =	stream.indirect.scatter.add.f32 [tilespmem:s19], [sflag:$0x6], $0x20, s6, s17, $0xb8;
	[tilespmem:$0xF000] =	vst v63  }
0x87: {  	_ =	swait.ge [sflag:s29], $0x1000  }
0x88: {  	[sflag:s29] =	ssyncset.done $0x0  }
0x89: {  	s8 =	simm.s32 $0x400;
	[sflag:s29] =	ssyncadd.s32 $0xFFFFF000  }
0x8a: {  	[tilespmem:s18], [sflag:$0x1] =	stream.indirect.gather [hbm4b:s4+s17], $0x20, s8, s17, $0xb8;
	[tilespmem:$0xF000] =	vst v63  }
0x8b: {  	_ =	swait.ge [sflag:s31], $0x1000  }
0x8c: {  	[sflag:s31] =	ssyncset.done $0x0  }
0x8d: {  	s6 =	simm.s32 $0x2B00;
	[sflag:s31] =	ssyncadd.s32 $0xFFFFF000  }
0x8e: {  	[spmem:s2] =	stream.indirect.scatter.add.f32 [tilespmem:s21], [sflag:$0x7], $0x20, s6, s17, $0xb8;
	[tilespmem:$0xF000] =	vst v63  }
0x8f: {  	_ =	swait.ge [sflag:s0], $0x1000  }
0x90: {  	[sflag:s0] =	ssyncset.done $0x0  }
0x91: {  	s8 =	simm.s32 $0x480;
	[sflag:s0] =	ssyncadd.s32 $0xFFFFF000  }
0x92: {  	[tilespmem:s19], [sflag:$0x2] =	stream.indirect.gather [hbm4b:s4+s17], $0x20, s8, s17, $0xb8;
	[tilespmem:$0xF000] =	vst v63  }
0x93: {  	_ =	swait.ge [sflag:s23], $0x1000  }
0x94: {  	[sflag:s23] =	ssyncset.done $0x0  }
0x95: {  	s28 =	simm.s32 $0x800;
	s5 =	simm.s32 $0x2B80;
	[sflag:s23] =	ssyncadd.s32 $0xFFFFF000  }
.LBB2_4:
0x96: {  	[spmem:s2] =	stream.indirect.scatter.add.f32 [tilespmem:s24], [sflag:$0x8], $0x20, s5, s17, $0xb8;
	[tilespmem:$0xF000] =	vst v63  }
0x97: {  	s5 =	smov.u32 s28  }
0x98: {  	p0 =	sne.s32 s28, $0x8800;
	s28 =	sadd.s32 $0x800, s28;
	_ =	swait.ge [sflag:s30], $0x1000  }
0x99: {  	s5 =	sshra.s32 s5, $0x2;
	[sflag:s30] =	ssyncset.done $0x0  }
0x9a: {  	s6 =	sadd.s32 $0x300, s5;
	[sflag:s30] =	ssyncadd.s32 $0xFFFFF000  }
0x9b: {  	[tilespmem:s21], [sflag:$0x3] =	stream.indirect.gather [hbm4b:s4+s17], $0x20, s6, s17, $0xb8;
	[tilespmem:$0xF000] =	vst v63  }
0x9c: {  	_ =	swait.ge [sflag:s22], $0x1000  }
0x9d: {  	[sflag:s22] =	ssyncset.done $0x0  }
0x9e: {  	s6 =	sadd.s32 $0x2A00, s5;
	[sflag:s22] =	ssyncadd.s32 $0xFFFFF000  }
0x9f: {  	[spmem:s2] =	stream.indirect.scatter.add.f32 [tilespmem:s18], [sflag:$0x5], $0x20, s6, s17, $0xb8;
	[tilespmem:$0xF000] =	vst v63  }
0xa0: {  	_ =	swait.ge [sflag:s1], $0x1000  }
0xa1: {  	[sflag:s1] =	ssyncset.done $0x0  }
0xa2: {  	s6 =	sadd.s32 $0x380, s5;
	[sflag:s1] =	ssyncadd.s32 $0xFFFFF000  }
0xa3: {  	[tilespmem:s24], [sflag:$0x4] =	stream.indirect.gather [hbm4b:s4+s17], $0x20, s6, s17, $0xb8;
	[tilespmem:$0xF000] =	vst v63  }
0xa4: {  	_ =	swait.ge [sflag:s26], $0x1000  }
0xa5: {  	[sflag:s26] =	ssyncset.done $0x0  }
0xa6: {  	s6 =	sadd.s32 $0x2A80, s5;
	[sflag:s26] =	ssyncadd.s32 $0xFFFFF000  }
0xa7: {  	[spmem:s2] =	stream.indirect.scatter.add.f32 [tilespmem:s19], [sflag:$0x6], $0x20, s6, s17, $0xb8;
	[tilespmem:$0xF000] =	vst v63  }
0xa8: {  	_ =	swait.ge [sflag:s29], $0x1000  }
0xa9: {  	[sflag:s29] =	ssyncset.done $0x0  }
0xaa: {  	s6 =	sadd.s32 $0x400, s5;
	[sflag:s29] =	ssyncadd.s32 $0xFFFFF000  }
0xab: {  	[tilespmem:s18], [sflag:$0x1] =	stream.indirect.gather [hbm4b:s4+s17], $0x20, s6, s17, $0xb8;
	[tilespmem:$0xF000] =	vst v63  }
0xac: {  	_ =	swait.ge [sflag:s31], $0x1000  }
0xad: {  	[sflag:s31] =	ssyncset.done $0x0  }
0xae: {  	s6 =	sadd.s32 $0x2B00, s5;
	[sflag:s31] =	ssyncadd.s32 $0xFFFFF000  }
0xaf: {  	[spmem:s2] =	stream.indirect.scatter.add.f32 [tilespmem:s21], [sflag:$0x7], $0x20, s6, s17, $0xb8;
	[tilespmem:$0xF000] =	vst v63  }
0xb0: {  	_ =	swait.ge [sflag:s0], $0x1000  }
0xb1: {  	[sflag:s0] =	ssyncset.done $0x0  }
.Ltmp1:
0xb2: {  	s6 =	sadd.s32 $0x480, s5;
	[sflag:s0] =	ssyncadd.s32 $0xFFFFF000;
	(pc) =	sbr.rel @p0 .LBB2_4-.Ltmp1, $4  }
0xb3: {  	[tilespmem:s19], [sflag:$0x2] =	stream.indirect.gather [hbm4b:s4+s17], $0x20, s6, s17, $0xb8;
	[tilespmem:$0xF000] =	vst v63  }
0xb4: {  	_ =	swait.ge [sflag:s23], $0x1000  }
0xb5: {  	[sflag:s23] =	ssyncset.done $0x0  }
0xb6: {  	s5 =	sadd.s32 $0x2B80, s5;
	[sflag:s23] =	ssyncadd.s32 $0xFFFFF000  }
0xb7: {  	[spmem:s2] =	stream.indirect.scatter.add.f32 [tilespmem:s24], [sflag:$0x8], $0x20, s5, s17, $0xb8;
	[tilespmem:$0xF000] =	vst v63  }
0xb8: {  	_ =	swait.ge [sflag:s30], $0x1000  }
0xb9: {  	[sflag:s30] =	ssyncset.done $0x0  }
0xba: {  	s28 =	simm.s32 $0x2700;
	[sflag:s30] =	ssyncadd.s32 $0xFFFFF000  }
0xbb: {  	[tilespmem:s21], [sflag:$0x3] =	stream.indirect.gather [hbm4b:s4+s17], $0x20, s28, s17, $0xb8;
	[tilespmem:$0xF000] =	vst v63  }
0xbc: {  	_ =	swait.ge [sflag:s22], $0x1000  }
0xbd: {  	[sflag:s22] =	ssyncset.done $0x0  }
0xbe: {  	s6 =	simm.s32 $0x4E00;
	[sflag:s22] =	ssyncadd.s32 $0xFFFFF000  }
0xbf: {  	[spmem:s2] =	stream.indirect.scatter.add.f32 [tilespmem:s18], [sflag:$0x5], $0x20, s6, s17, $0xb8;
	[tilespmem:$0xF000] =	vst v63  }
0xc0: {  	_ =	swait.ge [sflag:s1], $0x1000  }
0xc1: {  	[sflag:s1] =	ssyncset.done $0x0  }
0xc2: {  	s8 =	simm.s32 $0x2780;
	[sflag:s1] =	ssyncadd.s32 $0xFFFFF000  }
0xc3: {  	[tilespmem:s24], [sflag:$0x4] =	stream.indirect.gather [hbm4b:s4+s17], $0x20, s8, s17, $0xb8;
	[tilespmem:$0xF000] =	vst v63  }
0xc4: {  	_ =	swait.ge [sflag:s26], $0x1000  }
0xc5: {  	[sflag:s26] =	ssyncset.done $0x0  }
0xc6: {  	s28 =	simm.s32 $0x4E80;
	[sflag:s26] =	ssyncadd.s32 $0xFFFFF000  }
0xc7: {  	[spmem:s2] =	stream.indirect.scatter.add.f32 [tilespmem:s19], [sflag:$0x6], $0x20, s28, s17, $0xb8;
	[tilespmem:$0xF000] =	vst v63  }
0xc8: {  	_ =	swait.ge [sflag:s29], $0x1000  }
0xc9: {  	[sflag:s29] =	ssyncset.done $0x0  }
0xca: {  	[sflag:s29] =	ssyncadd.s32 $0xFFFFF000  }
0xcb: {  	_ =	swait.ge [sflag:s31], $0x1000  }
0xcc: {  	[sflag:s31] =	ssyncset.done $0x0  }
0xcd: {  	s6 =	simm.s32 $0x4F00;
	[sflag:s31] =	ssyncadd.s32 $0xFFFFF000  }
0xce: {  	[spmem:s2] =	stream.indirect.scatter.add.f32 [tilespmem:s21], [sflag:$0x7], $0x20, s6, s17, $0xb8;
	[tilespmem:$0xF000] =	vst v63  }
0xcf: {  	_ =	swait.ge [sflag:s0], $0x1000  }
0xd0: {  	[sflag:s0] =	ssyncset.done $0x0  }
0xd1: {  	[sflag:s0] =	ssyncadd.s32 $0xFFFFF000  }
0xd2: {  	_ =	swait.ge [sflag:s23], $0x1000  }
0xd3: {  	[sflag:s23] =	ssyncset.done $0x0  }
0xd4: {  	s8 =	simm.s32 $0x4F80;
	[sflag:s23] =	ssyncadd.s32 $0xFFFFF000  }
0xd5: {  	[spmem:s2] =	stream.indirect.scatter.add.f32 [tilespmem:s24], [sflag:$0x8], $0x20, s8, s17, $0xb8;
	[tilespmem:$0xF000] =	vst v63  }
0xd6: {  	_ =	swait.ge [sflag:s30], $0x1000  }
0xd7: {  	[sflag:s30] =	ssyncset.done $0x0  }
0xd8: {  	[sflag:s30] =	ssyncadd.s32 $0xFFFFF000  }
0xd9: {  	_ =	swait.ge [sflag:s1], $0x1000  }
0xda: {  	[sflag:s1] =	ssyncset.done $0x0  }
0xdb: {  	s20 =	sadd.s32 $0x1, s20;
	s28 =	stileid.u32;
	[sflag:s1] =	ssyncadd.s32 $0xFFFFF000  }
0xdc: {  	p0 =	sne.s32 s20, s9;
	s5 =	sshll.u32 s28, $0x6;
	[bflag:$0x0] =	sbarrier.arrive $0xFFFF  }
.Ltmp2:
0xdd: {  	s5 =	sor.u32 $0x1C09, s5;
	s6 =	rddreg [dreg:$0x5];
	(pc) =	sbr.rel @p0 .LBB2_1-.Ltmp2, $4  }
0xde: {  	[hbm:s6], [sflag:s5] =	dma.local [spmem:s25], $0xA00  }
0xdf: {  	_ =	swait.ge [sflag:s14], $0xA00  }
0xe0: {  	[sflag:s14] =	ssyncset.done $0x0  }
0xe1: {  	[sflag:s14] =	ssyncadd.s32 $0xFFFFF600  }
0xe2: {  	_ =	sfence.sel $0x180000  }
0xe3: {  	[bflag:$0x0] =	sbarrier.arrive $0xFFFF  }
0xe4: {  	_ =	strace $0x9000004A  }
0xe5: {  	s0 =	stileid.u32;
	[bflag:$0x2] =	sbarrier.arrive $0xFFFF  }
0xe6: {  	p0 =	sne.s32 s0, $0x0;
	s0 =	rddreg [dreg:$0x2]  }
0xe7: {  	s0 =	sadd.s32 @!p0 $0x100000, s0  }
0xe8: {  	[sflag:s0] =	ssyncadd.tile.s32 @!p0 $0x1;
	_ =	shalt  }
.Lfunc_end2:
_tile_overlayer_lowered:
.L_overlay_start_2:
0xe9: {  	(tag) =	ssettag $0x2  }
0xea: {  	s0 =	rddreg [dreg:$0x0];
	s2 =	stileid.u32  }
0xeb: {  	s1 =	rddreg [dreg:$0x1];
	p0 =	sne.s32 s2, $0x0  }
0xec: {  	s3 =	rddreg [dreg:$0x2];
	[bflag:$0x3] =	sbarrier.arrive $0xFFFF;
	s2 =	simm.s32 @!p0 $0x1C09  }
0xed: {  	[timem:s3], [sflag:s2] =	dma.local @!p0 [hbm:s0], s1  }
0xee: {  	s0 =	simm.s32 @!p0 $0x9  }
0xef: {  	_ =	swait.ge @!p0 [sflag:s0], s1  }
0xf0: {  	s1 =	ssub.s32 @!p0 $0x0, s1;
	[sflag:s0] =	ssyncset.done @!p0 $0x0  }
0xf1: {  	[sflag:s0] =	ssyncadd.s32 @!p0 s1  }
0xf2: {  	[bflag:$0x3] =	sbarrier.arrive $0xFFFF  }
0xf3: {  	_ =	shalt  }

// kernel: kernel.7.cloned.1.call-start
scs
__scs_entry_jumppad:
0x0: {  	(pc) =	sbr.rel $0x88, $3  }
0x1: {  	(tag) =	ssettag $0x0;
	lr =	simm.s32 $0x1  }
0x2: {  	[smem:$0x3F94] =	sst lr;
	_ =	strace $0xD0000000  }
0x3: {  	_ = 	snop  }
0x4: {  	_ = 	snop  }
0x5: {  	_ = 	snop  }
0x6: {  	_ = 	snop  }
0x7: {  	_ = 	snop  }
__scs_overlays_trampoline_lowered:
0x8: {  	[smem:$0x3FA3] =	sst s0  }
0x9: {  	[smem:$0x3FA4] =	sst s1  }
0xa: {  	[smem:$0x3FA5] =	sst s2  }
0xb: {  	[smem:$0x3FA6] =	sst s3  }
0xc: {  	[smem:$0x3FA7] =	sst s4  }
0xd: {  	[smem:$0x3FA8] =	sst s5  }
0xe: {  	[smem:$0x3FA9] =	sst s6  }
0xf: {  	[smem:$0x3FAA] =	sst s7  }
0x10: {  	[smem:$0x3FAB] =	sst s8  }
0x11: {  	[smem:$0x3FAC] =	sst s9;
	s0 =	simm.s32 @!p0 $0x0  }
0x12: {  	s1 =	sld [smem:$0x3F92];
	s0 =	simm.s32 @p0 $0x1  }
0x13: {  	[smem:$0x3FAD] =	sst s0;
	s0 =	simm.s32 @!p1 $0x0  }
0x14: {  	s2 =	sld [smem:$0x3F91];
	s0 =	simm.s32 @p1 $0x1  }
0x15: {  	[smem:$0x3FAE] =	sst s0;
	s0 =	simm.s32 @!p2 $0x0  }
0x16: {  	s3 =	sld [smem:$0x3FDB];
	s0 =	simm.s32 @p2 $0x1  }
0x17: {  	s4 =	simm.s32 $0x1BF5;
	[smem:$0x3FB0] =	sst s0  }
0x18: {  	s0 =	sld [smem:$0x3F93];
	_ =	swait.ge [sflag:s4], $0x0  }
0x19: {  	s7 =	sld [smem:$0x3F94]  }
0x1a: {  	s8 =	sadd.s32 $0xFFFFE003, lr  }
0x1b: {  	s9 =	sadd.s32 $0xFFFFFEF7, lr;
	s5 =	simm.s32 $0xFFFFFFFF;
	p2 =	slt.u32 s8, $0xFFFFF086  }
0x1c: {  	p1 =	slt.u32 s9, $0xF7A;
	s5 =	simm.s32 @!p2 $0x0  }
0x1d: {  	s5 =	simm.s32 @p1 $0x1;
	p0 =	seq.s32 s7, s2  }
0x1e: {  	s7 =	smul.u32 @!p0 $0xF7A, s2;
	p2 =	seq.s32 @!p0 s5, $0x0  }
0x1f: {  	s9 =	smul.u32 $0xF7A, s1;
	s8 =	simm.s32 @!p0 $0x1BF5;
	p2 =	por !p2, p0  }
0x20: {  	[sflag:s8] =	ssyncset.s32 @!p0 $0xFFFFF086;
	s6 =	sadd.s32 @!p0 s3, s7;
	s7 =	simm.s32 @!p0 $0x108  }
0x21: {  	s3 =	sadd.s32 s3, s9;
	s6 =	sadd.s32 @!p0 $0x88, s6;
	s7 =	simm.s32 @p2 $0x1082  }
0x22: {  	[simem:s7], [sflag:s8] =	dma.local @!p0 [hbm:s6], $0xF7A  }
0x23: {  	s9 =	sor.u32 $0xD0000000, s2;
	s6 =	simm.s32 $0x108;
	_ =	swait.ge @!p0 [sflag:s8], $0x0  }
0x24: {  	s3 =	sadd.s32 $0x88, s3;
	s6 =	simm.s32 @!p1 $0x1082;
	[sflag:s4] =	ssyncset.s32 $0xFFFFF086  }
0x25: {  	[simem:s6], [sflag:s4] =	dma.local [hbm:s3], $0xF7A  }
0x26: {  	[smem:$0x3F94] =	sst s1;
	(tag) =	ssettag s2;
	_ =	strace s9  }
0x27: {  	s1 =	sld [smem:$0x3FA4]  }
0x28: {  	s2 =	sld [smem:$0x3FA5]  }
0x29: {  	s4 =	sld [smem:$0x3FA7]  }
0x2a: {  	p0 =	seq.s32 s5, $0x0;
	s5 =	sld [smem:$0x3FA8]  }
0x2b: {  	s6 =	sld [smem:$0x3FA9]  }
0x2c: {  	s7 =	sld [smem:$0x3FAA]  }
0x2d: {  	s3 =	simm.s32 $0x108;
	s8 =	sld [smem:$0x3FAB]  }
0x2e: {  	s3 =	simm.s32 @!p0 $0x1082;
	s9 =	sld [smem:$0x3FAC]  }
0x2f: {  	lr =	sadd.s32 s0, s3;
	s0 =	sld [smem:$0x3FA3]  }
0x30: {  	s3 =	sld [smem:$0x3FA6]  }
0x31: {  	[smem:$0x3FAF] =	sst s10  }
0x32: {  	s10 =	sld [smem:$0x3FAD];
	_ =	sdelay $0x3  }
0x33: {  	p0 =	seq.s32 s10, $0x1;
	s10 =	sld [smem:$0x3FAF];
	_ =	sdelay $0x3  }
0x34: {  	[smem:$0x3FAF] =	sst s10  }
0x35: {  	s10 =	sld [smem:$0x3FAE];
	_ =	sdelay $0x3  }
0x36: {  	p1 =	seq.s32 s10, $0x1;
	s10 =	sld [smem:$0x3FAF];
	_ =	sdelay $0x3  }
0x37: {  	[smem:$0x3FAF] =	sst s10  }
0x38: {  	s10 =	sld [smem:$0x3FB0]  }
0x39: {  	_ = 	snop;
	(pc) =	sbr.ind lr, $3  }
0x3a: {  	_ = 	snop  }
0x3b: {  	_ = 	snop  }
0x3c: {  	p2 =	seq.s32 s10, $0x1;
	s10 =	sld [smem:$0x3FAF]  }
0x3d: {  	_ =	shalt  }
0x3e: {  	_ =	shalt  }
0x3f: {  	_ =	shalt  }
0x40: {  	_ =	shalt  }
0x41: {  	_ =	shalt  }
0x42: {  	_ =	shalt  }
0x43: {  	_ =	shalt  }
0x44: {  	_ =	shalt  }
0x45: {  	_ =	shalt  }
0x46: {  	_ =	shalt  }
0x47: {  	_ =	shalt  }
0x48: {  	_ =	shalt  }
0x49: {  	_ =	shalt  }
0x4a: {  	_ =	shalt  }
0x4b: {  	_ =	shalt  }
0x4c: {  	_ =	shalt  }
0x4d: {  	_ =	shalt  }
0x4e: {  	_ =	shalt  }
0x4f: {  	_ =	shalt  }
0x50: {  	_ =	shalt  }
0x51: {  	_ =	shalt  }
0x52: {  	_ =	shalt  }
0x53: {  	_ =	shalt  }
0x54: {  	_ =	shalt  }
0x55: {  	_ =	shalt  }
0x56: {  	_ =	shalt  }
0x57: {  	_ =	shalt  }
0x58: {  	_ =	shalt  }
0x59: {  	_ =	shalt  }
0x5a: {  	_ =	shalt  }
0x5b: {  	_ =	shalt  }
0x5c: {  	_ =	shalt  }
0x5d: {  	_ =	shalt  }
0x5e: {  	_ =	shalt  }
0x5f: {  	_ =	shalt  }
0x60: {  	_ =	shalt  }
0x61: {  	_ =	shalt  }
0x62: {  	_ =	shalt  }
0x63: {  	_ =	shalt  }
0x64: {  	_ =	shalt  }
0x65: {  	_ =	shalt  }
0x66: {  	_ =	shalt  }
0x67: {  	_ =	shalt  }
0x68: {  	_ =	shalt  }
0x69: {  	_ =	shalt  }
0x6a: {  	_ =	shalt  }
0x6b: {  	_ =	shalt  }
0x6c: {  	_ =	shalt  }
0x6d: {  	_ =	shalt  }
0x6e: {  	_ =	shalt  }
0x6f: {  	_ =	shalt  }
0x70: {  	_ =	shalt  }
0x71: {  	_ =	shalt  }
0x72: {  	_ =	shalt  }
0x73: {  	_ =	shalt  }
0x74: {  	_ =	shalt  }
0x75: {  	_ =	shalt  }
0x76: {  	_ =	shalt  }
0x77: {  	_ =	shalt  }
0x78: {  	_ =	shalt  }
0x79: {  	_ =	shalt  }
0x7a: {  	_ =	shalt  }
0x7b: {  	_ =	shalt  }
0x7c: {  	_ =	shalt  }
0x7d: {  	_ =	shalt  }
0x7e: {  	_ =	shalt  }
0x7f: {  	_ =	shalt  }
0x80: {  	_ =	shalt  }
0x81: {  	_ =	shalt  }
0x82: {  	_ =	shalt  }
0x83: {  	_ =	shalt  }
0x84: {  	_ =	shalt  }
0x85: {  	_ =	shalt  }
0x86: {  	_ =	shalt  }
0x87: {  	_ =	shalt  }
.Lfunc_end0:
.L_simem_size_0:
called_computation_lowered:
.L_overlay_start_0:
0x88: {  	s2 =	sld [smem:$0x3FD9]  }
0x89: {  	s3 =	sld [smem:$0x3FFE];
	_ =	sdelay $0x1  }
0x8a: {  	s1 =	srdreg.scid  }
0x8b: {  	s0 =	sand.u32 $0x1, s1  }
0x8c: {  	s16 =	sshll.u32 s0, $0xA;
	s2 =	sadd.s32 s3, s2  }
0x8d: {  	s2 =	sadd.s32 s2, s16  }
0x8e: {  	[smem:$0x3FBB] =	sst s2  }
0x8f: {  	_ = 	snop  }
0x90: {  	(tm) =	ssettm $0x1  }
0x91: {  	s17 =	sld [smem:$0x3FFB];
	_ =	sdelay $0x3  }
0x92: {  	_ =	strace s17  }
0x93: {  	s2 =	sld [smem:$0x3FFC];
	_ =	sdelay $0x3  }
0x94: {  	_ =	strace s2  }
0x95: {  	s2 =	sld [smem:$0x3FFD];
	_ =	sdelay $0x3  }
0x96: {  	_ =	strace s2  }
0x97: {  	_ =	strace $0x8FFFFFFF  }
0x98: {  	s18 =	sld [smem:$0x3FDB];
	_ =	sdelay $0x1  }
0x99: {  	s19 =	simm.s32 $_scs_section_size  }
0x9a: {  	s4 =	simm.s32 $_size__tile_overlayer_lowered;
	s5 =	simm.s32 $_tile_overlayer_lowered  }
0x9b: {  	s22 =	simm.s32 $0x1BFF;
	s21 =	sshll.u32 s5, $0x1;
	s2 =	sadd.s32 s19, s18  }
0x9c: {  	s6 =	simm.s32 $0x0;
	s20 =	sshll.u32 s4, $0x1;
	s4 =	sadd.s32 s21, s2  }
0x9d: {  	[timem:s6], [sflag:s22] =	dma.local [hbm:s4], s20  }
0x9e: {  	_ =	swait.ge [sflag:s22], s20  }
0x9f: {  	s3 =	ssub.s32 $0x0, s20;
	[sflag:s22] =	ssyncset.done $0x0  }
0xa0: {  	[sflag:s22] =	ssyncadd.s32 s3;
	_ =	sdelay $0x1  }
0xa1: {  	s23 =	simm.s32 $0x1B8B  }
0xa2: {  	_ =	swait.ge [sflag:s23], $0x1  }
0xa3: {  	[sflag:s23] =	ssyncset.done $0x0  }
0xa4: {  	s25 =	simm.s32 $0x1B8E;
	s24 =	sld [smem:$0x3FFE];
	[sflag:s23] =	ssyncadd.s32 $0xFFFFFFFF  }
0xa5: {  	s26 =	simm.s32 $execute0_lowered;
	[smem:$0x3FD2] =	sst s25  }
0xa6: {  	s4 =	sshll.u32 s26, $0x1;
	_ =	strace $0x80000046;
	[dreg:$0x1] =	wrdreg $0xFFFFFFFF  }
0xa7: {  	s28 =	simm.s32 $_size_execute0_lowered;
	s2 =	sadd.s32 s2, s4;
	[dreg:$0x0] =	wrdreg $0x0  }
0xa8: {  	s4 =	sshll.u32 s28, $0x1;
	[dreg:$0x2] =	wrdreg s2  }
0xa9: {  	[dreg:$0x3] =	wrdreg s4  }
0xaa: {  	[dreg:$0x4] =	wrdreg $0xC0  }
0xab: {  	_ =	task [dreg:s6], $0x5FFFF  }
0xac: {  	[dreg:$0x1] =	wrdreg $0xFFFFFFFF  }
0xad: {  	[dreg:$0x0] =	wrdreg $0x60  }
0xae: {  	[dreg:$0x2] =	wrdreg s24  }
0xaf: {  	[dreg:$0x3] =	wrdreg $0x142800  }
0xb0: {  	[dreg:$0x4] =	wrdreg $0x16D000  }
0xb1: {  	[dreg:$0x5] =	wrdreg $0x145000  }
0xb2: {  	[dreg:$0x6] =	wrdreg $0x9  }
0xb3: {  	_ =	task.clear_ibuf [dreg:s6], $0x7FFFF;
	_ =	strace $0x90000046  }
0xb4: {  	s29 =	simm.s32 $0x9;
	_ =	strace $0x80000048  }
0xb5: {  	_ =	swait.ge [sflag:s29], $0x1  }
0xb6: {  	[sflag:s29] =	ssyncadd.s32 $0xFFFFFFFF  }
0xb7: {  	_ =	strace $0x90000048  }
0xb8: {  	_ =	sfence  }
0xb9: {  	s30 =	sld [smem:$0x0];
	_ =	sdelay $0x2  }
0xba: {  	s31 =	sshll.u32 s1, $0xD;
	s1 =	sshrl.u32 s1, $0x2  }
0xbb: {  	s3 =	sand.u32 $0x4000, s31;
	s1 =	sadd.s32 s1, s30  }
0xbc: {  	s0 =	sor.u32 s3, s0;
	s1 =	sshll.u32 s1, $0x11  }
0xbd: {  	s0 =	sor.u32 s1, s0  }
0xbe: {  	s0 =	sadd.s32 $0x8F2B, s0  }
0xbf: {  	[sflag:s0] =	ssyncadd.remote.s32 $0x1  }
0xc0: {  	_ =	sfence.sel $0xFFFF  }
0xc1: {  	[dreg:$0x0] =	wrdreg $0xFFFFFFFF;
	(pc) =	sbr.abs _section_cstart, $3  }
0xc2: {  	[dreg:$0x1] =	wrdreg $0xFFFFFFFF  }
0xc3: {  	_ =	task.clear_ibuf [dreg:s6], $0x2FFFF;
	_ =	strace $0x9FFFFFFF  }
0xc4: {  	(tm) =	ssettm $0x7FFFFFFF  }
0xc5: {  	_ =	shalt  }
tec
execute0_lowered:
.L_overlay_start_1:
0x0: {  	(tag) =	ssettag $0x1  }
0x1: {  	s0 =	rddreg [dreg:$0x0]  }
0x2: {  	s2 =	rddreg [dreg:$0x1]  }
0x3: {  	s3 =	rddreg [dreg:$0x2];
	s15 =	stileid.u32  }
0x4: {  	s4 =	rddreg [dreg:$0x3];
	s5 =	simm.s32 $0x0;
	s1 =	smul.u32 $0x2800, s15  }
0x5: {  	s6 =	srdreg.scid;
	s31 =	simm.s32 $0x9;
	s10 =	smul.u32 $0x2710, s15  }
0x6: {  	s28 =	simm.s32 $0x5000;
	[smem:$0x7FF] =	sst s5;
	s14 =	smul.u32 $0xA00, s15  }
0x7: {  	s6 =	sand.u32 $0x1, s6;
	s11 =	sadd.s32 $0x2000, s0;
	s20 =	smul.u32 $0xA000, s15  }
0x8: {  	_ =	strace $0x80000047;
	s9 =	sshll.u32 s6, $0x4;
	s23 =	smul.u32 $0x28000, s6  }
0x9: {  	s12 =	ssub.s32 $0x2, s6;
	s25 =	smul.u32 $0xA000, s6;
	p0 =	sne.s32 s6, $0x0  }
0xa: {  	s6 =	simm.s32 $0x7800;
	s7 =	sshrl.u32 s1, $0x3;
	s9 =	sor.u32 s15, s9  }
0xb: {  	s10 =	sshrl.u32 s10, $0x3;
	s13 =	sshrl.u32 s12, $0x1;
	s21 =	sshrl.u32 s14, $0x2  }
0xc: {  	s22 =	sshrl.u32 s20, $0x2;
	s24 =	sadd.s32 s1, s4;
	s16 =	sadd.s32 s1, s3  }
0xd: {  	s8 =	sadd.s32 s7, s0;
	s0 =	sadd.s32 $0x1AA00, s0;
	s10 =	sadd.s32 s11, s10  }
0xe: {  	s9 =	smul.u32 $0x4E2, s9;
	[dreg:$0x9] =	wrdreg s24;
	s19 =	sadd.s32 $0x9C40, s10  }
0xf: {  	s12 =	ssub.s32 s12, s13;
	s10 =	sadd.s32 $0xEA60, s10;
	[dreg:$0x5] =	wrdreg s19  }
0x10: {  	s26 =	sadd.s32 s1, s23;
	s8 =	sadd.s32 $0x15A00, s8;
	[dreg:$0x6] =	wrdreg s10  }
0x11: {  	s15 =	sshrl.u32 s25, $0x2;
	s17 =	smax.u32 s12, $0x1;
	[dreg:$0x8] =	wrdreg s8  }
0x12: {  	s1 =	simm.s32 $0x13800;
	s23 =	sor.u32 $0x100, s15;
	[dreg:$0xd] =	wrdreg s17  }
0x13: {  	s13 =	simm.s32 $0x1;
	s24 =	sor.u32 $0x180, s15;
	[dreg:$0x13] =	wrdreg s23  }
0x14: {  	s7 =	sadd.s32 s0, s7;
	s25 =	sadd.s32 $0x2600, s15;
	[dreg:$0x14] =	wrdreg s24  }
0x15: {  	s14 =	sshrl.u32 s26, $0x3;
	s26 =	sadd.s32 $0x2680, s15;
	[dreg:$0x16] =	wrdreg s25  }
0x16: {  	s30 =	sadd.s32 $0x2780, s15;
	s9 =	sadd.s32 s11, s9;
	[dreg:$0x17] =	wrdreg s26  }
0x17: {  	s12 =	simm.s32 $0x12800;
	s29 =	sadd.s32 $0xF000, s7;
	[dreg:$0x7] =	wrdreg s9  }
0x18: {  	s10 =	sadd.s32 s21, s2;
	s7 =	sadd.s32 $0xA000, s7;
	[dreg:$0xa] =	wrdreg s29  }
0x19: {  	s11 =	sadd.s32 s22, s3;
	s0 =	sadd.s32 s0, s14;
	[dreg:$0xb] =	wrdreg s7  }
0x1a: {  	s22 =	sor.u32 $0x80, s15;
	s8 =	simm.s32 $0x11800;
	[dreg:$0xc] =	wrdreg s0  }
0x1b: {  	s14 =	simm.s32 $0x13000;
	s18 =	sadd.s32 $0x800, s11;
	[dreg:$0x12] =	wrdreg s22  }
0x1c: {  	s17 =	simm.s32 $0x5;
	s19 =	sadd.s32 $0x1000, s11;
	[dreg:$0xe] =	wrdreg s18  }
0x1d: {  	v0 =	vlaneseq.u32;
	v16 =	vimm.f32 $0.0e+00;
	v17 =	vimm.f32 $1.000000000e+00;
	s20 =	sadd.s32 $0x1800, s11;
	s21 =	sadd.s32 $0x2000, s11;
	[dreg:$0xf] =	wrdreg s19  }
0x1e: {  	v1 =	vor.u32 $0x2710, v0;
	v2 =	vor.u32 $0x2720, v0;
	v3 =	vor.u32 $0x2730, v0;
	s0 =	sshrl.u32 s16, $0x3;
	s29 =	sadd.s32 $0x2700, s15;
	[dreg:$0x10] =	wrdreg s20  }
0x1f: {  	v4 =	vor.u32 $0x2740, v0;
	v5 =	vor.u32 $0x2750, v0;
	v6 =	vor.u32 $0x2760, v0;
	s7 =	simm.s32 $0x80;
	s9 =	simm.s32 $0x12000;
	[dreg:$0x11] =	wrdreg s21  }
0x20: {  	v7 =	vor.u32 $0x2770, v0;
	v8 =	vor.u32 $0x2780, v0;
	v9 =	vor.u32 $0x2790, v0;
	s16 =	simm.s32 $0x2;
	s22 =	simm.s32 $0x8;
	[dreg:$0x15] =	wrdreg s0  }
0x21: {  	v10 =	vor.u32 $0x27A0, v0;
	v11 =	vor.u32 $0x27B0, v0;
	v12 =	vor.u32 $0x27C0, v0;
	[dreg:$0x18] =	wrdreg s29;
	s18 =	simm.s32 $0x3;
	s19 =	simm.s32 $0x6  }
0x22: {  	v13 =	vor.u32 $0x27D0, v0;
	v14 =	vor.u32 $0x27E0, v0;
	v15 =	vor.u32 $0x27F0, v0;
	s20 =	simm.s32 $0x4;
	s21 =	simm.s32 $0x7;
	s0 =	simm.s32 $0x0  }
.LBB2_1:
0x23: {  	s23 =	rddreg [dreg:$0x5]  }
0x24: {  	[tilespmem:s5], [sflag:$0x9] =	stream.linear.gather [hbm4b:s23+s5], $0x2710, $0x38;
	[tilespmem:$0x19500] =	vst v63  }
0x25: {  	_ =	swait.ge [sflag:s31], $0x2710  }
0x26: {  	[sflag:s31] =	ssyncset.done $0x0  }
0x27: {  	s24 =	simm.s32 $0x2800;
	s25 =	rddreg [dreg:$0x6];
	[sflag:s31] =	ssyncadd.s32 $0xFFFFD8F0  }
0x28: {  	[tilespmem:s24], [sflag:$0x9] =	stream.linear.gather [hbm4b:s25+s5], $0x2710, $0x38;
	[tilespmem:$0x19500] =	vst v63  }
0x29: {  	_ =	swait.ge [sflag:s31], $0x2710  }
0x2a: {  	[sflag:s31] =	ssyncset.done $0x0  }
0x2b: {  	s26 =	rddreg [dreg:$0x7];
	[sflag:s31] =	ssyncadd.s32 $0xFFFFD8F0  }
0x2c: {  	[tilespmem:s28], [sflag:$0x9] =	stream.linear.gather [hbm4b:s26+s5], $0x2710, $0x38;
	[tilespmem:$0x19500] =	vst v63  }
0x2d: {  	_ =	swait.ge [sflag:s31], $0x2710  }
0x2e: {  	[sflag:s31] =	ssyncset.done $0x0  }
0x2f: {  	s29 =	simm.s32 $0xA000;
	s28 =	rddreg [dreg:$0x8];
	[sflag:s31] =	ssyncadd.s32 $0xFFFFD8F0  }
0x30: {  	[tilespmem:s29], [sflag:$0x9] =	stream.linear.gather [hbm4b:s28+s5], $0x2800, $0x38;
	[tilespmem:$0x19500] =	vst v63  }
0x31: {  	_ =	swait.ge [sflag:s31], $0x2800  }
0x32: {  	[sflag:s31] =	ssyncset.done $0x0  }
0x33: {  	[sflag:s31] =	ssyncadd.s32 $0xFFFFD800  }
0x34: {  	[tilespmem:$0x2710] =	vst v1  }
0x35: {  	[tilespmem:$0x2720] =	vst v2  }
0x36: {  	[tilespmem:$0x2730] =	vst v3  }
0x37: {  	[tilespmem:$0x2740] =	vst v4  }
0x38: {  	[tilespmem:$0x2750] =	vst v5  }
0x39: {  	[tilespmem:$0x2760] =	vst v6  }
0x3a: {  	[tilespmem:$0x2770] =	vst v7  }
0x3b: {  	[tilespmem:$0x2780] =	vst v8  }
0x3c: {  	[tilespmem:$0x2790] =	vst v9  }
0x3d: {  	[tilespmem:$0x27A0] =	vst v10  }
0x3e: {  	[tilespmem:$0x27B0] =	vst v11  }
0x3f: {  	[tilespmem:$0x27C0] =	vst v12  }
0x40: {  	[tilespmem:$0x27D0] =	vst v13  }
0x41: {  	[tilespmem:$0x27E0] =	vst v14  }
0x42: {  	[tilespmem:$0x27F0] =	vst v15  }
0x43: {  	[tilespmem:$0x4F10] =	vst v1  }
0x44: {  	[tilespmem:$0x4F20] =	vst v2  }
0x45: {  	[tilespmem:$0x4F30] =	vst v3  }
0x46: {  	[tilespmem:$0x4F40] =	vst v4  }
0x47: {  	[tilespmem:$0x4F50] =	vst v5  }
0x48: {  	[tilespmem:$0x4F60] =	vst v6  }
0x49: {  	[tilespmem:$0x4F70] =	vst v7  }
0x4a: {  	[tilespmem:$0x4F80] =	vst v8  }
0x4b: {  	[tilespmem:$0x4F90] =	vst v9  }
0x4c: {  	[tilespmem:$0x4FA0] =	vst v10  }
0x4d: {  	[tilespmem:$0x4FB0] =	vst v11  }
0x4e: {  	[tilespmem:$0x4FC0] =	vst v12  }
0x4f: {  	[tilespmem:$0x4FD0] =	vst v13  }
0x50: {  	[tilespmem:$0x4FE0] =	vst v14  }
0x51: {  	[tilespmem:$0x4FF0] =	vst v15  }
0x52: {  	[tilespmem:$0x7710] =	vst v1  }
0x53: {  	[tilespmem:$0x7720] =	vst v2  }
0x54: {  	[tilespmem:$0x7730] =	vst v3  }
0x55: {  	[tilespmem:$0x7740] =	vst v4  }
0x56: {  	[tilespmem:$0x7750] =	vst v5  }
0x57: {  	[tilespmem:$0x7760] =	vst v6  }
0x58: {  	[tilespmem:$0x7770] =	vst v7  }
0x59: {  	[tilespmem:$0x7780] =	vst v8  }
0x5a: {  	[tilespmem:$0x7790] =	vst v9  }
0x5b: {  	[tilespmem:$0x77A0] =	vst v10  }
0x5c: {  	[tilespmem:$0x77B0] =	vst v11  }
0x5d: {  	[tilespmem:$0x77C0] =	vst v12  }
0x5e: {  	[tilespmem:$0x77D0] =	vst v13  }
0x5f: {  	[tilespmem:$0x77E0] =	vst v14  }
0x60: {  	s23 =	simm.s32 $0x40;
	s24 =	simm.s32 $0x0;
	[tilespmem:$0x77F0] =	vst v15  }
.LBB2_2:
0x61: {  	p1 =	sne.s32 s23, $0x1FC0;
	[tilespmem:s24+$0x13800] =	vst v16;
	s24 =	smov.u32 s23;
	s23 =	sadd.s32 $0x40, s23  }
.Ltmp0:
0x62: {  	(pc) =	sbr.rel @p1 .LBB2_2-.Ltmp0, $2  }
0x63: {  	_ =	sdelay $0x2  }
0x64: {  	s24 =	sshra.s32 s24, $0x2  }
0x65: {  	[tilespmem:s24+$0x13800] =	vst v16;
	s23 =	simm.s32 $0x0;
	s24 =	simm.s32 $0x40;
	s25 =	simm.s32 $0x0  }
.LBB2_4:
0x66: {  	p1 =	sne.s32 s24, $0x9FC0;
	[tilespmem:s25+$0x7800] =	vst v16;
	s25 =	smov.u32 s24;
	s24 =	sadd.s32 $0x40, s24  }
.Ltmp1:
0x67: {  	(pc) =	sbr.rel @p1 .LBB2_4-.Ltmp1, $2  }
0x68: {  	_ =	sdelay $0x2  }
0x69: {  	s25 =	sshra.s32 s25, $0x2  }
0x6a: {  	s24 =	sand.u32 $0xE00, s23  }
0x6b: {  	s26 =	sand.u32 $0x70, s23;
	s28 =	sshrl.u32 s24, $0x2  }
0x6c: {  	[tilespmem:s25+$0x7800] =	vst v16;
	v18 =	vor.u32 s23, v0;
	s24 =	simm.s32 $0x40;
	s25 =	sor.u32 s26, s28  }
.LBB2_6:
0x6d: {  	p1 =	sne.s32 s24, $0x9C0  }
0x6e: {  	[tilespmem:s25+$0x14000] =	vst v18;
	s23 =	sadd.s32 $0x10, s23;
	s25 =	smov.u32 s24;
	s24 =	sadd.s32 $0x40, s24  }
.Ltmp2:
0x6f: {  	(pc) =	sbr.rel @p1 .LBB2_6-.Ltmp2, $4  }
0x70: {  	_ = 	snop  }
0x71: {  	s25 =	sand.u32 $0xE00, s25  }
0x72: {  	s26 =	sand.u32 $0x70, s23;
	s25 =	sshrl.u32 s25, $0x2  }
0x73: {  	v18 =	vor.u32 s23, v0;
	s25 =	sor.u32 s26, s25  }
0x74: {  	[tilespmem:s25+$0x14000] =	vst v18  }
0x75: {  	[spmem:s10] =	stream.linear.scatter [tilespmem:s1], [sflag:$0x9], $0x280, $0x38;
	[tilespmem:$0x19500] =	vst v63  }
0x76: {  	_ =	swait.ge [sflag:s31], $0x280  }
0x77: {  	[sflag:s31] =	ssyncset.done $0x0  }
0x78: {  	[sflag:s31] =	ssyncadd.s32 $0xFFFFFD80  }
0x79: {  	[spmem:s11] =	stream.linear.scatter [tilespmem:s1], [sflag:$0x9], $0x800, $0x38;
	[tilespmem:$0x19500] =	vst v63  }
0x7a: {  	_ =	swait.ge [sflag:s31], $0x800  }
0x7b: {  	[sflag:s31] =	ssyncset.done $0x0  }
0x7c: {  	s23 =	rddreg [dreg:$0xe];
	[sflag:s31] =	ssyncadd.s32 $0xFFFFF800  }
0x7d: {  	[spmem:s23] =	stream.linear.scatter [tilespmem:s1], [sflag:$0x9], $0x800, $0x38;
	[tilespmem:$0x19500] =	vst v63  }
0x7e: {  	_ =	swait.ge [sflag:s31], $0x800  }
0x7f: {  	[sflag:s31] =	ssyncset.done $0x0  }
0x80: {  	s26 =	rddreg [dreg:$0xf];
	[sflag:s31] =	ssyncadd.s32 $0xFFFFF800  }
0x81: {  	[spmem:s26] =	stream.linear.scatter [tilespmem:s1], [sflag:$0x9], $0x800, $0x38;
	[tilespmem:$0x19500] =	vst v63  }
0x82: {  	_ =	swait.ge [sflag:s31], $0x800  }
0x83: {  	[sflag:s31] =	ssyncset.done $0x0  }
0x84: {  	s28 =	rddreg [dreg:$0x10];
	[sflag:s31] =	ssyncadd.s32 $0xFFFFF800  }
0x85: {  	[spmem:s28] =	stream.linear.scatter [tilespmem:s1], [sflag:$0x9], $0x800, $0x38;
	[tilespmem:$0x19500] =	vst v63  }
0x86: {  	_ =	swait.ge [sflag:s31], $0x800  }
0x87: {  	[sflag:s31] =	ssyncset.done $0x0  }
0x88: {  	s29 =	rddreg [dreg:$0x11];
	[sflag:s31] =	ssyncadd.s32 $0xFFFFF800  }
0x89: {  	[spmem:s29] =	stream.linear.scatter [tilespmem:s1], [sflag:$0x9], $0x800, $0x38;
	[tilespmem:$0x19500] =	vst v63  }
0x8a: {  	_ =	swait.ge [sflag:s31], $0x800  }
0x8b: {  	[sflag:s31] =	ssyncset.done $0x0  }
0x8c: {  	s24 =	simm.s32 $0x0;
	s23 =	simm.s32 $0x40;
	[sflag:s31] =	ssyncadd.s32 $0xFFFFF800  }
.LBB2_8:
0x8d: {  	p1 =	sne.s32 s23, $0x9FC0;
	v18 =	vld [tilespmem:s24+$0x0];
	_ =	sdelay $0x3  }
.Ltmp3:
0x8e: {  	(pc) =	sbr.rel @p1 .LBB2_8-.Ltmp3, $2  }
0x8f: {  	_ =	sdelay $0x2  }
0x90: {  	s24 =	sshra.s32 s23, $0x2;
	s23 =	sadd.s32 $0x40, s23;
	[tilespmem:v18+s6+$0x0] =	vst.idx.add.f32.msk $0xffff, v17  }
0x91: {  	v18 =	vld [tilespmem:s24+$0x0];
	_ =	sdelay $0x7  }
0x92: {  	s24 =	simm.s32 $0x0;
	s23 =	simm.s32 $0x40;
	[tilespmem:v18+s6+$0x0] =	vst.idx.add.f32.msk $0xffff, v17  }
.LBB2_10:
0x93: {  	p1 =	sne.s32 s23, $0x9FC0;
	v18 =	vld [tilespmem:s24+$0x2800];
	_ =	sdelay $0x3  }
.Ltmp4:
0x94: {  	(pc) =	sbr.rel @p1 .LBB2_10-.Ltmp4, $2  }
0x95: {  	_ =	sdelay $0x2  }
0x96: {  	s24 =	sshra.s32 s23, $0x2;
	s23 =	sadd.s32 $0x40, s23;
	[tilespmem:v18+s6+$0x0] =	vst.idx.add.f32.msk $0xffff, v17  }
0x97: {  	v18 =	vld [tilespmem:s24+$0x2800];
	_ =	sdelay $0x7  }
0x98: {  	[tilespmem:v18+s6+$0x0] =	vst.idx.add.f32.msk $0xffff, v17  }
0x99: {  	s23 =	simm.s32 $0x14000;
	[bflag:$0x0] =	sbarrier.arrive $0xFFFF  }
0x9a: {  	[spmem:s2] =	stream.indirect.scatter.add.f32 [tilespmem:s6], [sflag:$0x9], $0x10, s23, s7, $0xb8;
	[tilespmem:$0x19500] =	vst v63  }
0x9b: {  	_ =	swait.ge [sflag:s31], $0x800  }
0x9c: {  	[sflag:s31] =	ssyncset.done $0x0  }
0x9d: {  	s25 =	simm.s32 $0x14080;
	s26 =	simm.s32 $0x8000;
	[sflag:s31] =	ssyncadd.s32 $0xFFFFF800  }
0x9e: {  	[spmem:s2] =	stream.indirect.scatter.add.f32 [tilespmem:s26], [sflag:$0x9], $0x10, s25, s7, $0xb8;
	[tilespmem:$0x19500] =	vst v63  }
0x9f: {  	_ =	swait.ge [sflag:s31], $0x800  }
0xa0: {  	[sflag:s31] =	ssyncset.done $0x0  }
0xa1: {  	s28 =	simm.s32 $0x14100;
	s29 =	simm.s32 $0x8800;
	[sflag:s31] =	ssyncadd.s32 $0xFFFFF800  }
0xa2: {  	[spmem:s2] =	stream.indirect.scatter.add.f32 [tilespmem:s29], [sflag:$0x9], $0x10, s28, s7, $0xb8;
	[tilespmem:$0x19500] =	vst v63  }
0xa3: {  	_ =	swait.ge [sflag:s31], $0x800  }
0xa4: {  	[sflag:s31] =	ssyncset.done $0x0  }
0xa5: {  	s25 =	simm.s32 $0x14180;
	s26 =	simm.s32 $0x9000;
	[sflag:s31] =	ssyncadd.s32 $0xFFFFF800  }
0xa6: {  	[spmem:s2] =	stream.indirect.scatter.add.f32 [tilespmem:s26], [sflag:$0x9], $0x10, s25, s7, $0xb8;
	[tilespmem:$0x19500] =	vst v63  }
0xa7: {  	_ =	swait.ge [sflag:s31], $0x800  }
0xa8: {  	[sflag:s31] =	ssyncset.done $0x0  }
0xa9: {  	s28 =	simm.s32 $0x14200;
	s29 =	simm.s32 $0x9800;
	[sflag:s31] =	ssyncadd.s32 $0xFFFFF800  }
0xaa: {  	[spmem:s2] =	stream.indirect.scatter.add.f32 [tilespmem:s29], [sflag:$0x9], $0x10, s28, s7, $0xb8;
	[tilespmem:$0x19500] =	vst v63  }
0xab: {  	_ =	swait.ge [sflag:s31], $0x800  }
0xac: {  	[sflag:s31] =	ssyncset.done $0x0  }
0xad: {  	[sflag:s31] =	ssyncadd.s32 $0xFFFFF800  }
0xae: {  	[bflag:$0x0] =	sbarrier.arrive $0xFFFF  }
0xaf: {  	[tilespmem:s6], [sflag:$0x9] =	stream.linear.gather [spmem:s10], $0x280, $0x38;
	[tilespmem:$0x19500] =	vst v63  }
0xb0: {  	_ =	swait.ge [sflag:s31], $0x280  }
0xb1: {  	s24 =	simm.s32 $0x0;
	[sflag:s31] =	ssyncset.done $0x0  }
0xb2: {  	s23 =	simm.s32 $0x0;
	s25 =	simm.s32 $0x40;
	[sflag:s31] =	ssyncadd.s32 $0xFFFFFD80  }
.LBB2_12:
0xb3: {  	p1 =	sne.s32 s25, $0x9C0;
	v18 =	vld [tilespmem:s23+$0x7800];
	_ =	sdelay $0x4  }
0xb4: {  	v18 =	vadd.f32 $1.000000000e+00, v18;
	_ =	sdelay $0x1  }
0xb5: {  	v19 =	vmul.f32 $5.000000000e-01, v18;
	v18 =	vshrl.u32 v18, $0x1  }
0xb6: {  	v18 =	vsub.s32 $0x5F3759DF, v18  }
0xb7: {  	v20 =	vmul.f32 v18, v19;
	_ =	sdelay $0x1  }
0xb8: {  	v20 =	vmul.f32 v18, v20;
	_ =	sdelay $0x1  }
0xb9: {  	v20 =	vsub.f32 $1.500000000e+00, v20;
	_ =	sdelay $0x1  }
0xba: {  	v18 =	vmul.f32 v18, v20;
	_ =	sdelay $0x1  }
0xbb: {  	v20 =	vmul.f32 v18, v19;
	_ =	sdelay $0x1  }
0xbc: {  	v20 =	vmul.f32 v20, v18;
	_ =	sdelay $0x1  }
0xbd: {  	v20 =	vsub.f32 $1.500000000e+00, v20;
	_ =	sdelay $0x1  }
0xbe: {  	v18 =	vmul.f32 v20, v18;
	_ =	sdelay $0x1  }
0xbf: {  	v19 =	vmul.f32 v18, v19;
	_ =	sdelay $0x1  }
0xc0: {  	v19 =	vmul.f32 v19, v18;
	_ =	sdelay $0x1  }
.Ltmp5:
0xc1: {  	v19 =	vsub.f32 $1.500000000e+00, v19;
	(pc) =	sbr.rel @p1 .LBB2_12-.Ltmp5, $3  }
0xc2: {  	_ = 	snop  }
0xc3: {  	v18 =	vmul.f32 v19, v18;
	_ =	sdelay $0x1  }
0xc4: {  	[tilespmem:s23+$0x7800] =	vst v18;
	s23 =	sshra.s32 s25, $0x2;
	s25 =	sadd.s32 $0x40, s25  }
0xc5: {  	v18 =	vld [tilespmem:s23+$0x7800];
	_ =	sdelay $0x4  }
0xc6: {  	v18 =	vadd.f32 $1.000000000e+00, v18;
	_ =	sdelay $0x1  }
0xc7: {  	v19 =	vmul.f32 $5.000000000e-01, v18;
	v18 =	vshrl.u32 v18, $0x1  }
0xc8: {  	v18 =	vsub.s32 $0x5F3759DF, v18  }
0xc9: {  	v20 =	vmul.f32 v18, v19;
	_ =	sdelay $0x1  }
0xca: {  	v20 =	vmul.f32 v18, v20;
	_ =	sdelay $0x1  }
0xcb: {  	v20 =	vsub.f32 $1.500000000e+00, v20;
	_ =	sdelay $0x1  }
0xcc: {  	v18 =	vmul.f32 v18, v20;
	_ =	sdelay $0x1  }
0xcd: {  	v20 =	vmul.f32 v18, v19;
	_ =	sdelay $0x1  }
0xce: {  	v20 =	vmul.f32 v20, v18;
	_ =	sdelay $0x1  }
0xcf: {  	v20 =	vsub.f32 $1.500000000e+00, v20;
	_ =	sdelay $0x1  }
0xd0: {  	v18 =	vmul.f32 v20, v18;
	_ =	sdelay $0x1  }
0xd1: {  	v20 =	vmov s24;
	v19 =	vmul.f32 v18, v19  }
0xd2: {  	s29 =	sand.u32 $0xFFFFFFF0, s24;
	v20 =	vand.u32 $0xF, v20  }
0xd3: {  	v20 =	vor.u32 s29, v20;
	v19 =	vmul.f32 v19, v18  }
0xd4: {  	v20 =	vbroadcast v20, $0x0  }
0xd5: {  	v19 =	vsub.f32 $1.500000000e+00, v19;
	_ =	sdelay $0x1  }
0xd6: {  	v18 =	vmul.f32 v19, v18;
	_ =	sdelay $0x1  }
0xd7: {  	[tilespmem:s23+$0x7800] =	vst v18  }
0xd8: {  	v18 =	vld.idx.msk [tilespmem:v20+s6+$0x0], $0xffff;
	_ =	sdelay $0x3  }
0xd9: {  	s26 =	simm.s32 $0x1;
	s24 =	simm.s32 $0xF000  }
0xda: {  	s25 =	simm.s32 $0xA000;
	v19 =	vmov s26;
	[tilespmem:s24+$0x0] =	vst v18  }
0xdb: {  	s29 =	sand.u32 $0xFFFFFFF0, s26;
	v19 =	vand.u32 $0xF, v19;
	v20 =	vld [tilespmem:s25+$0x0]  }
0xdc: {  	v19 =	vor.u32 s29, v19  }
0xdd: {  	v19 =	vbroadcast v19, $0x0;
	_ =	sdelay $0x2  }
0xde: {  	v18 =	vmul.f32 v20, v18  }
0xdf: {  	s23 =	simm.s32 $0xC800  }
0xe0: {  	[tilespmem:s23+$0x0] =	vst v18  }
0xe1: {  	v18 =	vld.idx.msk [tilespmem:v19+s6+$0x0], $0xffff;
	_ =	sdelay $0x3  }
0xe2: {  	s26 =	simm.s32 $0x2;
	s24 =	simm.s32 $0xF010  }
0xe3: {  	s28 =	simm.s32 $0x3;
	s25 =	simm.s32 $0xA010;
	v19 =	vmov s26;
	[tilespmem:s24+$0x0] =	vst v18  }
.LBB2_14:
0xe4: {  	p1 =	sne.s32 s28, $0x27F;
	s29 =	sand.u32 $0xFFFFFFF0, s26;
	v19 =	vand.u32 $0xF, v19;
	v20 =	vld [tilespmem:s25+$0x0];
	s26 =	smov.u32 s28  }
0xe5: {  	v19 =	vor.u32 s29, v19  }
0xe6: {  	v19 =	vbroadcast v19, $0x0;
	_ =	sdelay $0x2  }
0xe7: {  	v18 =	vmul.f32 v20, v18  }
0xe8: {  	s23 =	sadd.s32 $0x10, s23  }
0xe9: {  	[tilespmem:s23+$0x0] =	vst v18  }
0xea: {  	v18 =	vld.idx.msk [tilespmem:v19+s6+$0x0], $0xffff;
	_ =	sdelay $0x1  }
.Ltmp6:
0xeb: {  	(pc) =	sbr.rel @p1 .LBB2_14-.Ltmp6, $3  }
0xec: {  	_ =	sdelay $0x1  }
0xed: {  	s24 =	sadd.s32 $0x10, s24  }
0xee: {  	s28 =	sadd.s32 $0x1, s28;
	s25 =	sadd.s32 $0x10, s25;
	v19 =	vmov s26;
	[tilespmem:s24+$0x0] =	vst v18  }
0xef: {  	s26 =	sand.u32 $0xFFFFFFF0, s26;
	v19 =	vand.u32 $0xF, v19;
	v20 =	vld [tilespmem:s25+$0x0]  }
0xf0: {  	v19 =	vor.u32 s26, v19  }
0xf1: {  	v19 =	vbroadcast v19, $0x0;
	_ =	sdelay $0x2  }
0xf2: {  	v18 =	vmul.f32 v20, v18  }
0xf3: {  	s23 =	sadd.s32 $0x10, s23  }
0xf4: {  	[tilespmem:s23+$0x0] =	vst v18  }
0xf5: {  	v18 =	vld.idx.msk [tilespmem:v19+s6+$0x0], $0xffff;
	_ =	sdelay $0x3  }
0xf6: {  	s24 =	sadd.s32 $0x10, s24  }
0xf7: {  	s25 =	sadd.s32 $0x10, s25;
	[tilespmem:s24+$0x0] =	vst v18  }
0xf8: {  	v19 =	vld [tilespmem:s25+$0x0];
	_ =	sdelay $0x4  }
0xf9: {  	v18 =	vmul.f32 v19, v18  }
0xfa: {  	s23 =	sadd.s32 $0x10, s23  }
0xfb: {  	s29 =	simm.s32 $0xC800;
	s26 =	rddreg [dreg:$0x9];
	[tilespmem:s23+$0x0] =	vst v18  }
0xfc: {  	[spmem:s26] =	stream.linear.scatter [tilespmem:s29], [sflag:$0x9], $0x2800, $0x38;
	[tilespmem:$0x19500] =	vst v63  }
0xfd: {  	_ =	swait.ge [sflag:s31], $0x2800  }
0xfe: {  	s24 =	simm.s32 @!p0 $0xC800;
	[sflag:s31] =	ssyncset.done $0x0  }
0xff: {  	s23 =	simm.s32 @!p0 $0x0;
	s25 =	rddreg [dreg:$0xa];
	[sflag:s31] =	ssyncadd.s32 $0xFFFFD800  }
0x100: {  	[hbm4b:s25+s23] =	stream.linear.scatter @!p0 [tilespmem:s24], [sflag:$0x9], $0x2800, $0x38;
	[tilespmem:$0x19500] =	vst v63  }
0x101: {  	s24 =	simm.s32 @!p0 $0x9  }
0x102: {  	_ =	swait.ge @!p0 [sflag:s24], $0x2800  }
0x103: {  	[sflag:s24] =	ssyncset.done @!p0 $0x0  }
0x104: {  	s25 =	simm.s32 @!p0 $0xF000;
	s26 =	rddreg [dreg:$0xb];
	[sflag:s24] =	ssyncadd.s32 @!p0 $0xFFFFD800  }
0x105: {  	[hbm4b:s26+s23] =	stream.linear.scatter @!p0 [tilespmem:s25], [sflag:$0x9], $0x2800, $0x38;
	[tilespmem:$0x19500] =	vst v63  }
0x106: {  	_ =	swait.ge @!p0 [sflag:s24], $0x2800  }
0x107: {  	[sflag:s24] =	ssyncset.done @!p0 $0x0  }
0x108: {  	[sflag:s24] =	ssyncadd.s32 @!p0 $0xFFFFD800  }
0x109: {  	s28 =	simm.s32 $0x5000;
	[bflag:$0x0] =	sbarrier.arrive $0xFFFF  }
0x10a: {  	[tilespmem:s8], [sflag:$0x1] =	stream.indirect.gather [spmem:s4], $0x10, s28, s7, $0xb8;
	[tilespmem:$0x19500] =	vst v63  }
0x10b: {  	s24 =	simm.s32 $0x5080  }
0x10c: {  	[tilespmem:s9], [sflag:$0x2] =	stream.indirect.gather [spmem:s4], $0x10, s24, s7, $0xb8;
	[tilespmem:$0x19500] =	vst v63  }
0x10d: {  	s25 =	simm.s32 $0x5100  }
0x10e: {  	[tilespmem:s12], [sflag:$0x3] =	stream.indirect.gather [spmem:s4], $0x10, s25, s7, $0xb8;
	[tilespmem:$0x19500] =	vst v63  }
0x10f: {  	_ =	swait.ge [sflag:s13], $0x800  }
0x110: {  	[sflag:s13] =	ssyncset.done $0x0  }
0x111: {  	[sflag:s13] =	ssyncadd.s32 $0xFFFFF800  }
0x112: {  	[spmem:s3] =	stream.indirect.scatter.add.f32 [tilespmem:s8], [sflag:$0x5], $0x10, s15, s7, $0xb8;
	[tilespmem:$0x19500] =	vst v63  }
0x113: {  	s26 =	simm.s32 $0x5180  }
0x114: {  	[tilespmem:s14], [sflag:$0x4] =	stream.indirect.gather [spmem:s4], $0x10, s26, s7, $0xb8;
	[tilespmem:$0x19500] =	vst v63  }
0x115: {  	_ =	swait.ge [sflag:s16], $0x800  }
0x116: {  	[sflag:s16] =	ssyncset.done $0x0  }
0x117: {  	s29 =	rddreg [dreg:$0x12];
	[sflag:s16] =	ssyncadd.s32 $0xFFFFF800  }
0x118: {  	[spmem:s3] =	stream.indirect.scatter.add.f32 [tilespmem:s9], [sflag:$0x6], $0x10, s29, s7, $0xb8;
	[tilespmem:$0x19500] =	vst v63  }
0x119: {  	_ =	swait.ge [sflag:s17], $0x800  }
0x11a: {  	[sflag:s17] =	ssyncset.done $0x0  }
0x11b: {  	s24 =	simm.s32 $0x5200;
	[sflag:s17] =	ssyncadd.s32 $0xFFFFF800  }
0x11c: {  	[tilespmem:s8], [sflag:$0x1] =	stream.indirect.gather [spmem:s4], $0x10, s24, s7, $0xb8;
	[tilespmem:$0x19500] =	vst v63  }
0x11d: {  	_ =	swait.ge [sflag:s18], $0x800  }
0x11e: {  	[sflag:s18] =	ssyncset.done $0x0  }
0x11f: {  	s25 =	rddreg [dreg:$0x13];
	[sflag:s18] =	ssyncadd.s32 $0xFFFFF800  }
0x120: {  	[spmem:s3] =	stream.indirect.scatter.add.f32 [tilespmem:s12], [sflag:$0x7], $0x10, s25, s7, $0xb8;
	[tilespmem:$0x19500] =	vst v63  }
0x121: {  	_ =	swait.ge [sflag:s19], $0x800  }
0x122: {  	[sflag:s19] =	ssyncset.done $0x0  }
0x123: {  	s26 =	simm.s32 $0x5280;
	[sflag:s19] =	ssyncadd.s32 $0xFFFFF800  }
0x124: {  	[tilespmem:s9], [sflag:$0x2] =	stream.indirect.gather [spmem:s4], $0x10, s26, s7, $0xb8;
	[tilespmem:$0x19500] =	vst v63  }
0x125: {  	_ =	swait.ge [sflag:s20], $0x800  }
0x126: {  	[sflag:s20] =	ssyncset.done $0x0  }
0x127: {  	s29 =	rddreg [dreg:$0x14];
	[sflag:s20] =	ssyncadd.s32 $0xFFFFF800  }
0x128: {  	[spmem:s3] =	stream.indirect.scatter.add.f32 [tilespmem:s14], [sflag:$0x8], $0x10, s29, s7, $0xb8;
	[tilespmem:$0x19500] =	vst v63  }
0x129: {  	_ =	swait.ge [sflag:s21], $0x800  }
0x12a: {  	[sflag:s21] =	ssyncset.done $0x0  }
0x12b: {  	s24 =	simm.s32 $0x5300;
	[sflag:s21] =	ssyncadd.s32 $0xFFFFF800  }
0x12c: {  	[tilespmem:s12], [sflag:$0x3] =	stream.indirect.gather [spmem:s4], $0x10, s24, s7, $0xb8;
	[tilespmem:$0x19500] =	vst v63  }
0x12d: {  	_ =	swait.ge [sflag:s13], $0x800  }
0x12e: {  	s24 =	sadd.s32 $0x0, s15;
	[sflag:s13] =	ssyncset.done $0x0  }
0x12f: {  	s25 =	sadd.s32 $0x200, s24;
	[sflag:s13] =	ssyncadd.s32 $0xFFFFF800  }
0x130: {  	[spmem:s3] =	stream.indirect.scatter.add.f32 [tilespmem:s8], [sflag:$0x5], $0x10, s25, s7, $0xb8;
	[tilespmem:$0x19500] =	vst v63  }
0x131: {  	_ =	swait.ge [sflag:s22], $0x800  }
0x132: {  	[sflag:s22] =	ssyncset.done $0x0  }
0x133: {  	s26 =	simm.s32 $0x5380;
	[sflag:s22] =	ssyncadd.s32 $0xFFFFF800  }
0x134: {  	[tilespmem:s14], [sflag:$0x4] =	stream.indirect.gather [spmem:s4], $0x10, s26, s7, $0xb8;
	[tilespmem:$0x19500] =	vst v63  }
0x135: {  	_ =	swait.ge [sflag:s16], $0x800  }
0x136: {  	[sflag:s16] =	ssyncset.done $0x0  }
0x137: {  	s29 =	sadd.s32 $0x280, s24;
	[sflag:s16] =	ssyncadd.s32 $0xFFFFF800  }
0x138: {  	[spmem:s3] =	stream.indirect.scatter.add.f32 [tilespmem:s9], [sflag:$0x6], $0x10, s29, s7, $0xb8;
	[tilespmem:$0x19500] =	vst v63  }
0x139: {  	_ =	swait.ge [sflag:s17], $0x800  }
0x13a: {  	[sflag:s17] =	ssyncset.done $0x0  }
0x13b: {  	s25 =	simm.s32 $0x5400;
	[sflag:s17] =	ssyncadd.s32 $0xFFFFF800  }
0x13c: {  	[tilespmem:s8], [sflag:$0x1] =	stream.indirect.gather [spmem:s4], $0x10, s25, s7, $0xb8;
	[tilespmem:$0x19500] =	vst v63  }
0x13d: {  	_ =	swait.ge [sflag:s18], $0x800  }
0x13e: {  	[sflag:s18] =	ssyncset.done $0x0  }
0x13f: {  	s26 =	sadd.s32 $0x300, s24;
	[sflag:s18] =	ssyncadd.s32 $0xFFFFF800  }
0x140: {  	[spmem:s3] =	stream.indirect.scatter.add.f32 [tilespmem:s12], [sflag:$0x7], $0x10, s26, s7, $0xb8;
	[tilespmem:$0x19500] =	vst v63  }
0x141: {  	_ =	swait.ge [sflag:s19], $0x800  }
0x142: {  	[sflag:s19] =	ssyncset.done $0x0  }
0x143: {  	s29 =	simm.s32 $0x5480;
	[sflag:s19] =	ssyncadd.s32 $0xFFFFF800  }
0x144: {  	[tilespmem:s9], [sflag:$0x2] =	stream.indirect.gather [spmem:s4], $0x10, s29, s7, $0xb8;
	[tilespmem:$0x19500] =	vst v63  }
0x145: {  	_ =	swait.ge [sflag:s20], $0x800  }
0x146: {  	[sflag:s20] =	ssyncset.done $0x0  }
0x147: {  	s23 =	simm.s32 $0x800;
	s24 =	sadd.s32 $0x380, s24;
	[sflag:s20] =	ssyncadd.s32 $0xFFFFF800  }
.LBB2_16:
0x148: {  	[spmem:s3] =	stream.indirect.scatter.add.f32 [tilespmem:s14], [sflag:$0x8], $0x10, s24, s7, $0xb8;
	[tilespmem:$0x19500] =	vst v63  }
0x149: {  	s24 =	smov.u32 s23  }
0x14a: {  	p1 =	sne.s32 s23, $0x8800;
	s23 =	sadd.s32 $0x800, s23;
	_ =	swait.ge [sflag:s21], $0x800  }
0x14b: {  	s25 =	sshra.s32 s24, $0x2;
	[sflag:s21] =	ssyncset.done $0x0  }
0x14c: {  	s26 =	sadd.s32 $0x5300, s25;
	s24 =	sadd.s32 s25, s15;
	[sflag:s21] =	ssyncadd.s32 $0xFFFFF800  }
0x14d: {  	[tilespmem:s12], [sflag:$0x3] =	stream.indirect.gather [spmem:s4], $0x10, s26, s7, $0xb8;
	[tilespmem:$0x19500] =	vst v63  }
0x14e: {  	_ =	swait.ge [sflag:s13], $0x800  }
0x14f: {  	[sflag:s13] =	ssyncset.done $0x0  }
0x150: {  	s26 =	sadd.s32 $0x200, s24;
	[sflag:s13] =	ssyncadd.s32 $0xFFFFF800  }
0x151: {  	[spmem:s3] =	stream.indirect.scatter.add.f32 [tilespmem:s8], [sflag:$0x5], $0x10, s26, s7, $0xb8;
	[tilespmem:$0x19500] =	vst v63  }
0x152: {  	_ =	swait.ge [sflag:s22], $0x800  }
0x153: {  	[sflag:s22] =	ssyncset.done $0x0  }
0x154: {  	s26 =	sadd.s32 $0x5380, s25;
	[sflag:s22] =	ssyncadd.s32 $0xFFFFF800  }
0x155: {  	[tilespmem:s14], [sflag:$0x4] =	stream.indirect.gather [spmem:s4], $0x10, s26, s7, $0xb8;
	[tilespmem:$0x19500] =	vst v63  }
0x156: {  	_ =	swait.ge [sflag:s16], $0x800  }
0x157: {  	[sflag:s16] =	ssyncset.done $0x0  }
0x158: {  	s26 =	sadd.s32 $0x280, s24;
	[sflag:s16] =	ssyncadd.s32 $0xFFFFF800  }
0x159: {  	[spmem:s3] =	stream.indirect.scatter.add.f32 [tilespmem:s9], [sflag:$0x6], $0x10, s26, s7, $0xb8;
	[tilespmem:$0x19500] =	vst v63  }
0x15a: {  	_ =	swait.ge [sflag:s17], $0x800  }
0x15b: {  	[sflag:s17] =	ssyncset.done $0x0  }
0x15c: {  	s26 =	sadd.s32 $0x5400, s25;
	[sflag:s17] =	ssyncadd.s32 $0xFFFFF800  }
0x15d: {  	[tilespmem:s8], [sflag:$0x1] =	stream.indirect.gather [spmem:s4], $0x10, s26, s7, $0xb8;
	[tilespmem:$0x19500] =	vst v63  }
0x15e: {  	_ =	swait.ge [sflag:s18], $0x800  }
0x15f: {  	[sflag:s18] =	ssyncset.done $0x0  }
0x160: {  	s26 =	sadd.s32 $0x300, s24;
	[sflag:s18] =	ssyncadd.s32 $0xFFFFF800  }
0x161: {  	[spmem:s3] =	stream.indirect.scatter.add.f32 [tilespmem:s12], [sflag:$0x7], $0x10, s26, s7, $0xb8;
	[tilespmem:$0x19500] =	vst v63  }
0x162: {  	_ =	swait.ge [sflag:s19], $0x800  }
0x163: {  	[sflag:s19] =	ssyncset.done $0x0  }
.Ltmp7:
0x164: {  	s25 =	sadd.s32 $0x5480, s25;
	[sflag:s19] =	ssyncadd.s32 $0xFFFFF800;
	(pc) =	sbr.rel @p1 .LBB2_16-.Ltmp7, $4  }
0x165: {  	[tilespmem:s9], [sflag:$0x2] =	stream.indirect.gather [spmem:s4], $0x10, s25, s7, $0xb8;
	[tilespmem:$0x19500] =	vst v63  }
0x166: {  	_ =	swait.ge [sflag:s20], $0x800  }
0x167: {  	[sflag:s20] =	ssyncset.done $0x0  }
0x168: {  	s24 =	sadd.s32 $0x380, s24;
	[sflag:s20] =	ssyncadd.s32 $0xFFFFF800  }
0x169: {  	[spmem:s3] =	stream.indirect.scatter.add.f32 [tilespmem:s14], [sflag:$0x8], $0x10, s24, s7, $0xb8;
	[tilespmem:$0x19500] =	vst v63  }
0x16a: {  	_ =	swait.ge [sflag:s21], $0x800  }
0x16b: {  	[sflag:s21] =	ssyncset.done $0x0  }
0x16c: {  	s23 =	simm.s32 $0x7700;
	[sflag:s21] =	ssyncadd.s32 $0xFFFFF800  }
0x16d: {  	[tilespmem:s12], [sflag:$0x3] =	stream.indirect.gather [spmem:s4], $0x10, s23, s7, $0xb8;
	[tilespmem:$0x19500] =	vst v63  }
0x16e: {  	_ =	swait.ge [sflag:s13], $0x800  }
0x16f: {  	[sflag:s13] =	ssyncset.done $0x0  }
0x170: {  	s25 =	rddreg [dreg:$0x16];
	[sflag:s13] =	ssyncadd.s32 $0xFFFFF800  }
0x171: {  	[spmem:s3] =	stream.indirect.scatter.add.f32 [tilespmem:s8], [sflag:$0x5], $0x10, s25, s7, $0xb8;
	[tilespmem:$0x19500] =	vst v63  }
0x172: {  	_ =	swait.ge [sflag:s22], $0x800  }
0x173: {  	[sflag:s22] =	ssyncset.done $0x0  }
0x174: {  	s26 =	simm.s32 $0x7780;
	[sflag:s22] =	ssyncadd.s32 $0xFFFFF800  }
0x175: {  	[tilespmem:s14], [sflag:$0x4] =	stream.indirect.gather [spmem:s4], $0x10, s26, s7, $0xb8;
	[tilespmem:$0x19500] =	vst v63  }
0x176: {  	_ =	swait.ge [sflag:s16], $0x800  }
0x177: {  	[sflag:s16] =	ssyncset.done $0x0  }
0x178: {  	s29 =	rddreg [dreg:$0x17];
	[sflag:s16] =	ssyncadd.s32 $0xFFFFF800  }
0x179: {  	[spmem:s3] =	stream.indirect.scatter.add.f32 [tilespmem:s9], [sflag:$0x6], $0x10, s29, s7, $0xb8;
	[tilespmem:$0x19500] =	vst v63  }
0x17a: {  	_ =	swait.ge [sflag:s17], $0x800  }
0x17b: {  	[sflag:s17] =	ssyncset.done $0x0  }
0x17c: {  	[sflag:s17] =	ssyncadd.s32 $0xFFFFF800  }
0x17d: {  	_ =	swait.ge [sflag:s18], $0x800  }
0x17e: {  	[sflag:s18] =	ssyncset.done $0x0  }
0x17f: {  	s24 =	rddreg [dreg:$0x18];
	[sflag:s18] =	ssyncadd.s32 $0xFFFFF800  }
0x180: {  	[spmem:s3] =	stream.indirect.scatter.add.f32 [tilespmem:s12], [sflag:$0x7], $0x10, s24, s7, $0xb8;
	[tilespmem:$0x19500] =	vst v63  }
0x181: {  	_ =	swait.ge [sflag:s19], $0x800  }
0x182: {  	[sflag:s19] =	ssyncset.done $0x0  }
0x183: {  	[sflag:s19] =	ssyncadd.s32 $0xFFFFF800  }
0x184: {  	_ =	swait.ge [sflag:s20], $0x800  }
0x185: {  	[sflag:s20] =	ssyncset.done $0x0  }
0x186: {  	[sflag:s20] =	ssyncadd.s32 $0xFFFFF800  }
0x187: {  	[spmem:s3] =	stream.indirect.scatter.add.f32 [tilespmem:s14], [sflag:$0x8], $0x10, s30, s7, $0xb8;
	[tilespmem:$0x19500] =	vst v63  }
0x188: {  	_ =	swait.ge [sflag:s21], $0x800  }
0x189: {  	[sflag:s21] =	ssyncset.done $0x0  }
0x18a: {  	[sflag:s21] =	ssyncadd.s32 $0xFFFFF800  }
0x18b: {  	_ =	swait.ge [sflag:s22], $0x800  }
0x18c: {  	[sflag:s22] =	ssyncset.done $0x0  }
0x18d: {  	[sflag:s22] =	ssyncadd.s32 $0xFFFFF800  }
0x18e: {  	s25 =	stileid.u32;
	[bflag:$0x0] =	sbarrier.arrive $0xFFFF  }
0x18f: {  	s23 =	sshll.u32 s25, $0x6;
	s26 =	rddreg [dreg:$0xc]  }
0x190: {  	s23 =	sor.u32 $0x1C09, s23;
	s25 =	rddreg [dreg:$0x15]  }
0x191: {  	[hbm:s26], [sflag:s23] =	dma.local [spmem:s25], $0x500  }
0x192: {  	_ =	swait.ge [sflag:s31], $0x500  }
0x193: {  	s0 =	sadd.s32 $0x1, s0;
	s29 =	rddreg [dreg:$0xd]  }
0x194: {  	p1 =	sne.s32 s0, s29  }
.Ltmp8:
0x195: {  	_ = 	snop;
	(pc) =	sbr.rel @p1 .LBB2_1-.Ltmp8, $3  }
0x196: {  	_ =	sdelay $0x1  }
0x197: {  	[sflag:s31] =	ssyncset.done $0x0  }
0x198: {  	[sflag:s31] =	ssyncadd.s32 $0xFFFFFB00  }
0x199: {  	_ =	sfence.sel $0x180000  }
0x19a: {  	[bflag:$0x0] =	sbarrier.arrive $0xFFFF  }
0x19b: {  	_ =	strace $0x90000047  }
0x19c: {  	s0 =	stileid.u32;
	[bflag:$0x2] =	sbarrier.arrive $0xFFFF  }
0x19d: {  	p0 =	sne.s32 s0, $0x0;
	s0 =	rddreg [dreg:$0x4]  }
0x19e: {  	s0 =	sadd.s32 @!p0 $0x100000, s0  }
0x19f: {  	[sflag:s0] =	ssyncadd.tile.s32 @!p0 $0x1;
	_ =	shalt  }
.Lfunc_end2:
_tile_overlayer_lowered:
.L_overlay_start_2:
0x1a0: {  	(tag) =	ssettag $0x2  }
0x1a1: {  	s0 =	rddreg [dreg:$0x0];
	s2 =	stileid.u32  }
0x1a2: {  	s1 =	rddreg [dreg:$0x1];
	p0 =	sne.s32 s2, $0x0  }
0x1a3: {  	s3 =	rddreg [dreg:$0x2];
	[bflag:$0x3] =	sbarrier.arrive $0xFFFF;
	s2 =	simm.s32 @!p0 $0x1C09  }
0x1a4: {  	[timem:s3], [sflag:s2] =	dma.local @!p0 [hbm:s0], s1  }
0x1a5: {  	s0 =	simm.s32 @!p0 $0x9  }
0x1a6: {  	_ =	swait.ge @!p0 [sflag:s0], s1  }
0x1a7: {  	s1 =	ssub.s32 @!p0 $0x0, s1;
	[sflag:s0] =	ssyncset.done @!p0 $0x0  }
0x1a8: {  	[sflag:s0] =	ssyncadd.s32 @!p0 s1  }
0x1a9: {  	[bflag:$0x3] =	sbarrier.arrive $0xFFFF  }
0x1aa: {  	_ =	shalt  }

</sc_bundles>
